<compile_context>
chip_gen: v7x
topology: tpu7x:2x2x1
jax: 0.10.2.dev20260603
libtpu: 0.0.44.dev20260713+nightly
codegen_flags: <defaults>
</compile_context>

<pallas_src>
import jax
import jax.numpy as jnp
from jax import lax
from jax.experimental import pallas as pl
from jax.experimental.pallas import tpu as pltpu
from jax.experimental.pallas import tpu_sc as plsc

_N = 10000
_E = 320000
_R = 8
_D = 128
_LOUT = 40
_NC = 2
_NS = 16
_NW = _NC * _NS
_EPT = _E // _NW
_K = 80
_NCH = _EPT // _K
_NR = _N * _R
_ZR = 1600
_NZC = _NR // _ZR
_WB = 100
_NWC = _N // _WB
_BN = 1000

_f32 = jnp.float32
_i32 = jnp.int32

_mesh = plsc.VectorSubcoreMesh(
    core_axis_name="c", subcore_axis_name="s", num_cores=_NC, num_subcores=_NS
)
_sc_params = pltpu.CompilerParams(needs_layout_passes=False)
_sc_params_linear = pltpu.CompilerParams(
    needs_layout_passes=False, use_tc_tiling_on_sc=False)


def _counts_body(sidx_hbm, cnt_out, ones_v, sidx_v, zbuf, cnt_sp):
    c = lax.axis_index("c")
    s = lax.axis_index("s")
    wid = s * _NC + c

    def zrow(i, carry):
        zbuf[pl.ds(i * 16, 16)] = jnp.zeros((16,), _f32)
        return carry

    lax.fori_loop(0, _ZR // 16, zrow, 0)

    def zcnt(i, carry):
        cid = i * _NS + s

        @pl.when(cid < _NZC)
        def _():
            pltpu.sync_copy(zbuf, cnt_sp.at[pl.ds(cid * _ZR, _ZR)])

        return carry

    lax.fori_loop(0, (_NZC + _NS - 1) // _NS, zcnt, 0)

    def orow(i, carry):
        ones_v[pl.ds(i * 16, 16)] = jnp.ones((16,), _f32)
        return carry

    lax.fori_loop(0, _K // 16, orow, 0)

    plsc.subcore_barrier()

    base = wid * _EPT

    def chunk(ci, carry):
        pltpu.sync_copy(sidx_hbm.at[pl.ds(base + ci * _K, _K)], sidx_v)
        pltpu.sync_copy(ones_v, cnt_sp.at[sidx_v], add=True)
        return carry

    lax.fori_loop(0, _NCH, chunk, 0)

    plsc.subcore_barrier()

    def wout(i, carry):
        cid = i * _NS + s

        @pl.when(cid < _NZC)
        def _():
            off = cid * _ZR
            pltpu.sync_copy(cnt_sp.at[pl.ds(off, _ZR)], zbuf)
            pltpu.sync_copy(zbuf, cnt_out.at[pl.ds(c * _NR + off, _ZR)])

        return carry

    lax.fori_loop(0, (_NZC + _NS - 1) // _NS, wout, 0)


def _counts(sidx):
    f = pl.kernel(
        _counts_body,
        out_type=jax.ShapeDtypeStruct((_NC * _NR,), _f32),
        mesh=_mesh,
        compiler_params=_sc_params,
        scratch_types=[
            pltpu.VMEM((_K,), _f32),
            pltpu.VMEM((_K,), _i32),
            pltpu.VMEM((_ZR,), _f32),
            pltpu.VMEM_SHARED((_NR,), _f32),
        ],
    )
    return f(sidx)


def _scales_body(sidx_hbm, inv_hbm, s_out, inv_v, sidx_v, scale_v):
    c = lax.axis_index("c")
    s = lax.axis_index("s")
    wid = s * _NC + c
    base = wid * _EPT

    pltpu.sync_copy(inv_hbm, inv_v)

    def chunk(ci, carry):
        off = base + ci * _K
        pltpu.sync_copy(sidx_hbm.at[pl.ds(off, _K)], sidx_v)

        def sgrp(i, cc):
            sv = plsc.load_gather(inv_v, [sidx_v[pl.ds(i * 16, 16)]])
            scale_v[pl.ds(i * 16, 16)] = sv
            return cc

        lax.fori_loop(0, _K // 16, sgrp, 0)
        pltpu.sync_copy(scale_v, s_out.at[pl.ds(off, _K)])
        return carry

    lax.fori_loop(0, _NCH, chunk, 0)


def _scales(sidx, inv):
    f = pl.kernel(
        _scales_body,
        out_type=jax.ShapeDtypeStruct((_E,), _f32),
        mesh=_mesh,
        compiler_params=_sc_params_linear,
        scratch_types=[
            pltpu.VMEM((_NR,), _f32),
            pltpu.VMEM((_K,), _i32),
            pltpu.VMEM((_K,), _f32),
        ],
    )
    return f(sidx, inv)


def _msg_body(y_hbm, row_hbm, gidx_hbm, s_hbm, out_hbm,
              ridx_v0, ridx_v1, gidx_v0, gidx_v1, scale_v0, scale_v1,
              rows_v0, rows_v1, wbuf, sem0, sem1, acc_sp):
    c = lax.axis_index("c")
    s = lax.axis_index("s")
    wid = s * _NC + c
    base = wid * _EPT

    ridx = (ridx_v0, ridx_v1)
    gidx = (gidx_v0, gidx_v1)
    scale = (scale_v0, scale_v1)
    rows = (rows_v0, rows_v1)
    sem = (sem0, sem1)

    def zrow(i, carry):
        for dd in range(_D // 16):
            wbuf[i, pl.ds(dd * 16, 16)] = jnp.zeros((16,), _f32)
        return carry

    lax.fori_loop(0, _WB, zrow, 0)

    def zacc(i, carry):
        cid = i * _NS + s

        @pl.when(cid < _NWC)
        def _():
            pltpu.sync_copy(wbuf, acc_sp.at[pl.ds(cid * _WB, _WB)])

        return carry

    lax.fori_loop(0, (_NWC + _NS - 1) // _NS, zacc, 0)
    plsc.subcore_barrier()

    def load_and_start(ci, b):
        off = base + ci * _K
        pltpu.sync_copy(row_hbm.at[pl.ds(off, _K)], ridx[b])
        pltpu.sync_copy(gidx_hbm.at[pl.ds(off, _K)], gidx[b])
        pltpu.sync_copy(s_hbm.at[pl.ds(off, _K)], scale[b])
        pltpu.async_copy(y_hbm.at[gidx[b]], rows[b], sem[b])

    def finish(b):
        pltpu.make_async_copy(y_hbm.at[gidx[b]], rows[b], sem[b]).wait()

        def emul(j, cc):
            sj = plsc.load_gather(scale[b], [jnp.full((16,), j, _i32)])
            for dd in range(_D // 16):
                sl = pl.ds(dd * 16, 16)
                rows[b][j, sl] = rows[b][j, sl] * sj
            return cc

        lax.fori_loop(0, _K, emul, 0)
        pltpu.sync_copy(rows[b], acc_sp.at[ridx[b]], add=True)

    load_and_start(jnp.int32(0), 0)
    load_and_start(jnp.int32(1), 1)

    def outer(i, carry):
        ci0 = i * 2
        for b in range(2):
            ci = ci0 + b
            finish(b)

            @pl.when(ci + 2 < _NCH)
            def _():
                load_and_start(ci + 2, b)

        return carry

    lax.fori_loop(0, (_NCH - 1) // 2, outer, 0)
    finish((_NCH - 1) % 2)
    plsc.subcore_barrier()

    def wout(i, carry):
        cid = i * _NS + s

        @pl.when(cid < _NWC)
        def _():
            pltpu.sync_copy(acc_sp.at[pl.ds(cid * _WB, _WB)], wbuf)
            pltpu.sync_copy(wbuf, out_hbm.at[c, pl.ds(cid * _WB, _WB)])

        return carry

    lax.fori_loop(0, (_NWC + _NS - 1) // _NS, wout, 0)


def _msg(y, row, gidx, sedge):
    f = pl.kernel(
        _msg_body,
        out_type=jax.ShapeDtypeStruct((_NC, _N, _D), _f32),
        mesh=_mesh,
        compiler_params=_sc_params_linear,
        scratch_types=[
            pltpu.VMEM((_K,), _i32),
            pltpu.VMEM((_K,), _i32),
            pltpu.VMEM((_K,), _i32),
            pltpu.VMEM((_K,), _i32),
            pltpu.VMEM((_K,), _f32),
            pltpu.VMEM((_K,), _f32),
            pltpu.VMEM((_K, _D), _f32),
            pltpu.VMEM((_K, _D), _f32),
            pltpu.VMEM((_WB, _D), _f32),
            pltpu.SemaphoreType.DMA,
            pltpu.SemaphoreType.DMA,
            pltpu.VMEM_SHARED((_N, _D), _f32),
        ],
    )
    return f(y, row, gidx, sedge)


def _inv_body(c0_ref, c1_ref, inv_ref):
    csum = c0_ref[...] + c1_ref[...]
    inv_ref[...] = 1.0 / jnp.maximum(csum, 1.0)


def _tc_inv(c0, c1):
    return pl.pallas_call(
        _inv_body,
        out_shape=jax.ShapeDtypeStruct((_NR // _D, _D), _f32),
    )(c0, c1)


def _lin_in_body(x_ref, w_ref, root_ref, b_ref, y_ref, ro_ref):
    h = x_ref[...]
    for r in range(_R):
        y_ref[r] = jnp.dot(h, w_ref[r], preferred_element_type=_f32)
    ro_ref[...] = jnp.dot(h, root_ref[...], preferred_element_type=_f32) + b_ref[...]


def _lin_mid_body(msg_ref, ro1_ref, w_ref, root_ref, b_ref, y_ref, ro_ref):
    h = jnp.maximum(msg_ref[0] + msg_ref[1] + ro1_ref[...], 0.0)
    for r in range(_R):
        y_ref[r] = jnp.dot(h, w_ref[r], preferred_element_type=_f32)
    ro_ref[...] = jnp.dot(h, root_ref[...], preferred_element_type=_f32) + b_ref[...]


_LAYER_OUT_SPECS = [
    pl.BlockSpec((_R, _BN, _D), lambda i: (0, i, 0)),
    pl.BlockSpec((_BN, _D), lambda i: (i, 0)),
]
_LAYER_OUT_SHAPE = [
    jax.ShapeDtypeStruct((_R, _N, _D), _f32),
    jax.ShapeDtypeStruct((_N, _D), _f32),
]


def _tc_layer_in(x, w, root, b):
    return pl.pallas_call(
        _lin_in_body,
        grid=(_N // _BN,),
        in_specs=[
            pl.BlockSpec((_BN, _D), lambda i: (i, 0)),
            pl.BlockSpec((_R, _D, _D), lambda i: (0, 0, 0)),
            pl.BlockSpec((_D, _D), lambda i: (0, 0)),
            pl.BlockSpec((1, _D), lambda i: (0, 0)),
        ],
        out_specs=_LAYER_OUT_SPECS,
        out_shape=_LAYER_OUT_SHAPE,
    )(x, w, root, b)


def _tc_layer_mid(msg, ro1, w, root, b):
    return pl.pallas_call(
        _lin_mid_body,
        grid=(_N // _BN,),
        in_specs=[
            pl.BlockSpec((_NC, _BN, _D), lambda i: (0, i, 0)),
            pl.BlockSpec((_BN, _D), lambda i: (i, 0)),
            pl.BlockSpec((_R, _D, _D), lambda i: (0, 0, 0)),
            pl.BlockSpec((_D, _D), lambda i: (0, 0)),
            pl.BlockSpec((1, _D), lambda i: (0, 0)),
        ],
        out_specs=_LAYER_OUT_SPECS,
        out_shape=_LAYER_OUT_SHAPE,
    )(msg, ro1, w, root, b)


def _head_body(msg_ref, ro_ref, lw_ref, lb_ref, o_ref):
    h = jnp.maximum(msg_ref[0] + msg_ref[1] + ro_ref[...], 0.0)
    logits = jnp.dot(h, lw_ref[...], preferred_element_type=_f32) + lb_ref[...]
    m = jnp.max(logits, axis=1, keepdims=True)
    e = jnp.exp(logits - m)
    lse = jnp.log(jnp.sum(e, axis=1, keepdims=True)) + m
    o_ref[...] = logits - lse


def _tc_head(msg, ro, lw, lb):
    return pl.pallas_call(
        _head_body,
        grid=(_N // _BN,),
        in_specs=[
            pl.BlockSpec((_NC, _BN, _D), lambda i: (0, i, 0)),
            pl.BlockSpec((_BN, _D), lambda i: (i, 0)),
            pl.BlockSpec((_D, _LOUT), lambda i: (0, 0)),
            pl.BlockSpec((1, _LOUT), lambda i: (0, 0)),
        ],
        out_specs=pl.BlockSpec((_BN, _LOUT), lambda i: (i, 0)),
        out_shape=jax.ShapeDtypeStruct((_N, _LOUT), _f32),
    )(msg, ro, lw, lb)


def kernel(x, edge_index, edge_type, w1, root1, b1, w2, root2, b2, lw, lb):
    row = edge_index[0]
    col = edge_index[1]
    et = edge_type
    sidx = row * _R + et
    gidx = et * _N + col

    counts = _counts(sidx).reshape(_NC, _NR // _D, _D)
    inv = _tc_inv(counts[0], counts[1]).reshape(_NR)
    sedge = _scales(sidx, inv)

    y1, ro1 = _tc_layer_in(x, w1, root1, b1.reshape(1, _D))
    msg1 = _msg(y1.reshape(_NR, _D), row, gidx, sedge)
    y2, ro2 = _tc_layer_mid(msg1, ro1, w2, root2, b2.reshape(1, _D))
    msg2 = _msg(y2.reshape(_NR, _D), row, gidx, sedge)
    return _tc_head(msg2, ro2, lw, lb.reshape(1, _LOUT))

# --- scband reference (transcript-rebuilt; emitter-appended) ---
"""Pipeline reference for scband-net-2396591751357 (READ-ONLY COPY).

The authoritative reference and input builder live on the scoring server;
editing this copy changes nothing except your own understanding.
"""

import jax, jax.numpy as jnp
import numpy as np

NUM_NODES = 10000
NUM_EDGES = 320000
NUM_REL = 8
IN_DIM = 128
HID_DIM = 128
OUT_DIM = 128
LL_OUT = 40
METAPATH_LENGTH = 2


def setup_inputs(seed: int = 0):
    key = jax.random.key(seed)
    ks = jax.random.split(key, 12)
    x = jax.random.normal(ks[0], (NUM_NODES, IN_DIM), dtype=jnp.float32)
    edge_index = jax.random.randint(ks[1], (2, NUM_EDGES), 0, NUM_NODES, dtype=jnp.int32)
    edge_type = jax.random.randint(ks[2], (NUM_EDGES,), 0, NUM_REL, dtype=jnp.int32)
    s1 = 1.0 / np.sqrt(IN_DIM)
    w1 = jax.random.uniform(ks[3], (NUM_REL, IN_DIM, HID_DIM), jnp.float32, -s1, s1)
    root1 = jax.random.uniform(ks[4], (IN_DIM, HID_DIM), jnp.float32, -s1, s1)
    b1 = jnp.zeros((HID_DIM,), jnp.float32)
    s2 = 1.0 / np.sqrt(HID_DIM)
    w2 = jax.random.uniform(ks[5], (NUM_REL, HID_DIM, OUT_DIM), jnp.float32, -s2, s2)
    root2 = jax.random.uniform(ks[6], (HID_DIM, OUT_DIM), jnp.float32, -s2, s2)
    b2 = jnp.zeros((OUT_DIM,), jnp.float32)
    s3 = 1.0 / np.sqrt(OUT_DIM)
    lw = jax.random.uniform(ks[7], (OUT_DIM, LL_OUT), jnp.float32, -s3, s3)
    lb = jax.random.uniform(ks[8], (LL_OUT,), jnp.float32, -s3, s3)
    return {"x": x, "edge_index": edge_index, "edge_type": edge_type,
            "w1": w1, "root1": root1, "b1": b1,
            "w2": w2, "root2": root2, "b2": b2,
            "lw": lw, "lb": lb}


def _rgcn_layer(x, edge_index, edge_type, weight, root, bias, num_rel, num_nodes):
    # flow='target_to_source': message x_j = x[col] aggregated (mean) at row
    row = edge_index[0]
    col = edge_index[1]
    out = x @ root + bias
    x_col = jnp.take(x, col, axis=0)  # gather over edges [E, d]
    for r in range(num_rel):
        mask = (edge_type == r).astype(x.dtype)  # [E]
        msgs = x_col * mask[:, None]
        summed = jax.ops.segment_sum(msgs, row, num_segments=num_nodes)
        counts = jax.ops.segment_sum(mask, row, num_segments=num_nodes)
        mean = summed / jnp.clip(counts, 1.0, None)[:, None]
        out = out + mean @ weight[r]
    return out


def reference(x, edge_index, edge_type, w1, root1, b1, w2, root2, b2, lw, lb):
    h = x
    for layer_index in range(METAPATH_LENGTH):
        if layer_index == 0:
            h = jax.nn.relu(_rgcn_layer(h, edge_index, edge_type, w1, root1, b1, NUM_REL, NUM_NODES))
        else:
            h = jax.nn.relu(_rgcn_layer(h, edge_index, edge_type, w2, root2, b2, NUM_REL, NUM_NODES))
    logits = h @ lw + lb
    return logits - jax.scipy.special.logsumexp(logits, axis=1, keepdims=True)

if __name__ == "__main__":
    import jax
    _d = setup_inputs()
    print(jax.jit(kernel)(*tuple(_d.values())))

</pallas_src>

<mosaic_0001>
#map = affine_map<(d0, d1) -> (0)>
module attributes {stable_mosaic.version = 14 : i64} {
  func.func @_scales_body(%arg0: i32, %arg1: i32, %arg2: memref<320000xi32, #tpu.memory_space<hbm>>, %arg3: memref<80000xf32, #tpu.memory_space<hbm>>, %arg4: memref<320000xf32, #tpu.memory_space<hbm>>, %arg5: memref<80000xf32, #tpu.memory_space<vmem>>, %arg6: memref<80xi32, #tpu.memory_space<vmem>>, %arg7: memref<80xf32, #tpu.memory_space<vmem>>) attributes {dimension_semantics = [#tpu.dimension_semantics<core_parallel>, #tpu.dimension_semantics<subcore_parallel>], iteration_bounds = array<i64: 2, 16>, scalar_prefetch = 0 : i64, scratch_operands = 3 : i64, tpu.core_type = #tpu.core_type<sc_vector_subcore>, window_params = [{transform_indices = #map}, {transform_indices = #map}, {transform_indices = #map}]} {
    %mul3A = arith.constant 2 : i32
    %mul3A_0 = arith.muli %arg1, %mul3A : i32
    %add3A = arith.addi %mul3A_0, %arg0 : i32
    %mul3A_1 = arith.constant 10000 : i32
    %mul3A_2 = arith.muli %add3A, %mul3A_1 : i32
    "tpu.region"() ({
      %run_scoped3A = tpu.sem_alloc : memref<!tpu.dma_semaphore, #tpu.memory_space<semaphore_mem>>
      tpu.enqueue_dma source(%arg3 : memref<80000xf32, #tpu.memory_space<hbm>>) target(%arg5 : memref<80000xf32, #tpu.memory_space<vmem>>) target_semaphore(%run_scoped3A : memref<!tpu.dma_semaphore, #tpu.memory_space<semaphore_mem>>)
      tpu.wait_dma2 semaphore(%run_scoped3A : memref<!tpu.dma_semaphore, #tpu.memory_space<semaphore_mem>>) src(%arg3 : memref<80000xf32, #tpu.memory_space<hbm>>) dst(%arg5 : memref<80000xf32, #tpu.memory_space<vmem>>)
      tpu.yield
    }) : () -> ()
    %scan3A = arith.constant 0 : i32
    %scan3A_3 = arith.constant 0 : i32
    %scan3A_4 = arith.constant 125 : i32
    %scan3A_5 = arith.addi %scan3A_3, %scan3A_4 : i32
    %scan3A_6 = arith.constant 1 : i32
    scf.for %scan3A_8 = %scan3A_3 to %scan3A_5 step %scan3A_6  : i32 {
      %mul3A_9 = arith.constant 80 : i32
      %mul3A_10 = arith.muli %scan3A_8, %mul3A_9 : i32
      %add3A_11 = arith.addi %mul3A_2, %mul3A_10 : i32
      "tpu.region"() ({
        %run_scoped3A = tpu.sem_alloc : memref<!tpu.dma_semaphore, #tpu.memory_space<semaphore_mem>>
        %dma_start3A = tpu.memref_slice %arg2[%add3A_11] : memref<320000xi32, #tpu.memory_space<hbm>> -> memref<80xi32, #tpu.memory_space<hbm>>
        %dma_start3A_18 = tpu.memref_slice %arg2[%add3A_11] : memref<320000xi32, #tpu.memory_space<hbm>> -> memref<80xi32, #tpu.memory_space<hbm>>
        tpu.enqueue_dma source(%dma_start3A_18 : memref<80xi32, #tpu.memory_space<hbm>>) target(%arg6 : memref<80xi32, #tpu.memory_space<vmem>>) target_semaphore(%run_scoped3A : memref<!tpu.dma_semaphore, #tpu.memory_space<semaphore_mem>>)
        %dma_wait3A = tpu.memref_slice %arg2[%add3A_11] : memref<320000xi32, #tpu.memory_space<hbm>> -> memref<80xi32, #tpu.memory_space<hbm>>
        %dma_wait3A_19 = tpu.memref_slice %arg2[%add3A_11] : memref<320000xi32, #tpu.memory_space<hbm>> -> memref<80xi32, #tpu.memory_space<hbm>>
        tpu.wait_dma2 semaphore(%run_scoped3A : memref<!tpu.dma_semaphore, #tpu.memory_space<semaphore_mem>>) src(%dma_wait3A_19 : memref<80xi32, #tpu.memory_space<hbm>>) dst(%arg6 : memref<80xi32, #tpu.memory_space<vmem>>)
        tpu.yield
      }) : () -> ()
      %scan3A_12 = arith.constant 0 : i32
      %scan3A_13 = arith.constant 0 : i32
      %scan3A_14 = arith.constant 5 : i32
      %scan3A_15 = arith.addi %scan3A_13, %scan3A_14 : i32
      %scan3A_16 = arith.constant 1 : i32
      scf.for %scan3A_18 = %scan3A_13 to %scan3A_15 step %scan3A_16  : i32 {
        %mul3A_19 = arith.constant 16 : i32
        %mul3A_20 = arith.muli %scan3A_18, %mul3A_19 : i32
        %get3A = arith.index_cast %mul3A_20 : i32 to index
        %get3A_21 = tpu.vector_load %arg6[%get3A] {strides = array<i32>} : memref<80xi32, #tpu.memory_space<vmem>>, vector<16xi32>,
        %gather3A = tpu.vector_load_idx %arg5[%get3A_21] : memref<80000xf32, #tpu.memory_space<vmem>>[vector<16xi32>], vector<16xf32>,
        %mul3A_22 = arith.constant 16 : i32
        %mul3A_23 = arith.muli %scan3A_18, %mul3A_22 : i32
        %swap3A = arith.index_cast %mul3A_23 : i32 to index
        %swap3A_24 = tpu.vector_load %arg7[%swap3A] {strides = array<i32>} : memref<80xf32, #tpu.memory_space<vmem>>, vector<16xf32>,
        tpu.vector_store %arg7[%swap3A], %gather3A {strides = array<i32>} : memref<80xf32, #tpu.memory_space<vmem>>, vector<16xf32>,
      }
      %scan3A_17 = arith.constant 5 : i32
      "tpu.region"() ({
        %run_scoped3A = tpu.sem_alloc : memref<!tpu.dma_semaphore, #tpu.memory_space<semaphore_mem>>
        %dma_start3A = tpu.memref_slice %arg4[%add3A_11] : memref<320000xf32, #tpu.memory_space<hbm>> -> memref<80xf32, #tpu.memory_space<hbm>>
        %dma_start3A_18 = tpu.memref_slice %arg4[%add3A_11] : memref<320000xf32, #tpu.memory_space<hbm>> -> memref<80xf32, #tpu.memory_space<hbm>>
        tpu.enqueue_dma source(%arg7 : memref<80xf32, #tpu.memory_space<vmem>>) target(%dma_start3A_18 : memref<80xf32, #tpu.memory_space<hbm>>) target_semaphore(%run_scoped3A : memref<!tpu.dma_semaphore, #tpu.memory_space<semaphore_mem>>)
        %dma_wait3A = tpu.memref_slice %arg4[%add3A_11] : memref<320000xf32, #tpu.memory_space<hbm>> -> memref<80xf32, #tpu.memory_space<hbm>>
        %dma_wait3A_19 = tpu.memref_slice %arg4[%add3A_11] : memref<320000xf32, #tpu.memory_space<hbm>> -> memref<80xf32, #tpu.memory_space<hbm>>
        tpu.wait_dma2 semaphore(%run_scoped3A : memref<!tpu.dma_semaphore, #tpu.memory_space<semaphore_mem>>) src(%arg7 : memref<80xf32, #tpu.memory_space<vmem>>) dst(%dma_wait3A_19 : memref<80xf32, #tpu.memory_space<hbm>>)
        tpu.yield
      }) : () -> ()
    }
    %scan3A_7 = arith.constant 125 : i32
    return
  }
}

#map = affine_map<(d0, d1) -> (0)>
module attributes {stable_mosaic.version = 14 : i64} {
  func.func @_counts_body(%arg0: i32, %arg1: i32, %arg2: memref<320000xi32, #tpu.memory_space<hbm>>, %arg3: memref<160000xf32, #tpu.memory_space<hbm>>, %arg4: memref<80xf32, #tpu.memory_space<vmem>>, %arg5: memref<80xi32, #tpu.memory_space<vmem>>, %arg6: memref<1600xf32, #tpu.memory_space<vmem>>, %arg7: memref<80000xf32, #tpu.memory_space<vmem_shared>>) attributes {dimension_semantics = [#tpu.dimension_semantics<core_parallel>, #tpu.dimension_semantics<subcore_parallel>], iteration_bounds = array<i64: 2, 16>, scalar_prefetch = 0 : i64, scratch_operands = 4 : i64, tpu.core_type = #tpu.core_type<sc_vector_subcore>, window_params = [{transform_indices = #map}, {transform_indices = #map}]} {
    %mul3A = arith.constant 2 : i32
    %mul3A_0 = arith.muli %arg1, %mul3A : i32
    %add3A = arith.addi %mul3A_0, %arg0 : i32
    %scan3A = arith.constant 0 : i32
    %scan3A_1 = arith.constant 0 : i32
    %scan3A_2 = arith.constant 100 : i32
    %scan3A_3 = arith.addi %scan3A_1, %scan3A_2 : i32
    %scan3A_4 = arith.constant 1 : i32
    scf.for %scan3A_33 = %scan3A_1 to %scan3A_3 step %scan3A_4  : i32 {
      %broadcast_in_dim3A = arith.constant 0.000000e+00 : f32
      %broadcast_in_dim3A_34 = vector.broadcast %broadcast_in_dim3A : f32 to vector<16xf32>
      %mul3A_35 = arith.constant 16 : i32
      %mul3A_36 = arith.muli %scan3A_33, %mul3A_35 : i32
      %swap3A = arith.index_cast %mul3A_36 : i32 to index
      %swap3A_37 = tpu.vector_load %arg6[%swap3A] {strides = array<i32>} : memref<1600xf32, #tpu.memory_space<vmem>>, vector<16xf32>,
      tpu.vector_store %arg6[%swap3A], %broadcast_in_dim3A_34 {strides = array<i32>} : memref<1600xf32, #tpu.memory_space<vmem>>, vector<16xf32>,
    }
    %scan3A_5 = arith.constant 100 : i32
    %scan3A_6 = arith.constant 0 : i32
    %scan3A_7 = arith.constant 0 : i32
    %scan3A_8 = arith.constant 4 : i32
    %scan3A_9 = arith.addi %scan3A_7, %scan3A_8 : i32
    %scan3A_10 = arith.constant 1 : i32
    scf.for %scan3A_33 = %scan3A_7 to %scan3A_9 step %scan3A_10  : i32 {
      %mul3A_34 = arith.constant 16 : i32
      %mul3A_35 = arith.muli %scan3A_33, %mul3A_34 : i32
      %add3A_36 = arith.addi %mul3A_35, %arg1 : i32
      %lt3A = arith.constant 50 : i32
      %lt3A_37 = arith.cmpi slt, %add3A_36, %lt3A : i32
      %convert_element_type3A = arith.extui %lt3A_37 : i1 to i32
      %cond3A = arith.constant 0 : i32
      %cond3A_38 = arith.cmpi ne, %convert_element_type3A, %cond3A : i32
      scf.if %cond3A_38 {
        %mul3A_39 = arith.constant 1600 : i32
        %mul3A_40 = arith.muli %add3A_36, %mul3A_39 : i32
        "tpu.region"() ({
          %run_scoped3A = tpu.sem_alloc : memref<!tpu.dma_semaphore, #tpu.memory_space<semaphore_mem>>
          %dma_start3A = tpu.memref_slice %arg7[%mul3A_40] : memref<80000xf32, #tpu.memory_space<vmem_shared>> -> memref<1600xf32, #tpu.memory_space<vmem_shared>>
          %dma_start3A_41 = tpu.memref_slice %arg7[%mul3A_40] : memref<80000xf32, #tpu.memory_space<vmem_shared>> -> memref<1600xf32, #tpu.memory_space<vmem_shared>>
          tpu.enqueue_dma source(%arg6 : memref<1600xf32, #tpu.memory_space<vmem>>) target(%dma_start3A_41 : memref<1600xf32, #tpu.memory_space<vmem_shared>>) target_semaphore(%run_scoped3A : memref<!tpu.dma_semaphore, #tpu.memory_space<semaphore_mem>>)
          %dma_wait3A = tpu.memref_slice %arg7[%mul3A_40] : memref<80000xf32, #tpu.memory_space<vmem_shared>> -> memref<1600xf32, #tpu.memory_space<vmem_shared>>
          %dma_wait3A_42 = tpu.memref_slice %arg7[%mul3A_40] : memref<80000xf32, #tpu.memory_space<vmem_shared>> -> memref<1600xf32, #tpu.memory_space<vmem_shared>>
          tpu.wait_dma2 semaphore(%run_scoped3A : memref<!tpu.dma_semaphore, #tpu.memory_space<semaphore_mem>>) src(%arg6 : memref<1600xf32, #tpu.memory_space<vmem>>) dst(%dma_wait3A_42 : memref<1600xf32, #tpu.memory_space<vmem_shared>>)
          tpu.yield
        }) : () -> ()
      } else {
      }
    }
    %scan3A_11 = arith.constant 4 : i32
    %scan3A_12 = arith.constant 0 : i32
    %scan3A_13 = arith.constant 0 : i32
    %scan3A_14 = arith.constant 5 : i32
    %scan3A_15 = arith.addi %scan3A_13, %scan3A_14 : i32
    %scan3A_16 = arith.constant 1 : i32
    scf.for %scan3A_33 = %scan3A_13 to %scan3A_15 step %scan3A_16  : i32 {
      %broadcast_in_dim3A = arith.constant 1.000000e+00 : f32
      %broadcast_in_dim3A_34 = vector.broadcast %broadcast_in_dim3A : f32 to vector<16xf32>
      %mul3A_35 = arith.constant 16 : i32
      %mul3A_36 = arith.muli %scan3A_33, %mul3A_35 : i32
      %swap3A = arith.index_cast %mul3A_36 : i32 to index
      %swap3A_37 = tpu.vector_load %arg4[%swap3A] {strides = array<i32>} : memref<80xf32, #tpu.memory_space<vmem>>, vector<16xf32>,
      tpu.vector_store %arg4[%swap3A], %broadcast_in_dim3A_34 {strides = array<i32>} : memref<80xf32, #tpu.memory_space<vmem>>, vector<16xf32>,
    }
    %scan3A_17 = arith.constant 5 : i32
    %barrier3A = arith.constant 0 : index
    tpu.barrier barrier_id(%barrier3A)
    %mul3A_18 = arith.constant 10000 : i32
    %mul3A_19 = arith.muli %add3A, %mul3A_18 : i32
    %scan3A_20 = arith.constant 0 : i32
    %scan3A_21 = arith.constant 0 : i32
    %scan3A_22 = arith.constant 125 : i32
    %scan3A_23 = arith.addi %scan3A_21, %scan3A_22 : i32
    %scan3A_24 = arith.constant 1 : i32
    scf.for %scan3A_33 = %scan3A_21 to %scan3A_23 step %scan3A_24  : i32 {
      %mul3A_34 = arith.constant 80 : i32
      %mul3A_35 = arith.muli %scan3A_33, %mul3A_34 : i32
      %add3A_36 = arith.addi %mul3A_19, %mul3A_35 : i32
      "tpu.region"() ({
        %run_scoped3A = tpu.sem_alloc : memref<!tpu.dma_semaphore, #tpu.memory_space<semaphore_mem>>
        %dma_start3A = tpu.memref_slice %arg2[%add3A_36] : memref<320000xi32, #tpu.memory_space<hbm>> -> memref<80xi32, #tpu.memory_space<hbm>>
        %dma_start3A_37 = tpu.memref_slice %arg2[%add3A_36] : memref<320000xi32, #tpu.memory_space<hbm>> -> memref<80xi32, #tpu.memory_space<hbm>>
        tpu.enqueue_dma source(%dma_start3A_37 : memref<80xi32, #tpu.memory_space<hbm>>) target(%arg5 : memref<80xi32, #tpu.memory_space<vmem>>) target_semaphore(%run_scoped3A : memref<!tpu.dma_semaphore, #tpu.memory_space<semaphore_mem>>)
        %dma_wait3A = tpu.memref_slice %arg2[%add3A_36] : memref<320000xi32, #tpu.memory_space<hbm>> -> memref<80xi32, #tpu.memory_space<hbm>>
        %dma_wait3A_38 = tpu.memref_slice %arg2[%add3A_36] : memref<320000xi32, #tpu.memory_space<hbm>> -> memref<80xi32, #tpu.memory_space<hbm>>
        tpu.wait_dma2 semaphore(%run_scoped3A : memref<!tpu.dma_semaphore, #tpu.memory_space<semaphore_mem>>) src(%dma_wait3A_38 : memref<80xi32, #tpu.memory_space<hbm>>) dst(%arg5 : memref<80xi32, #tpu.memory_space<vmem>>)
        tpu.yield
      }) : () -> ()
      "tpu.region"() ({
        %run_scoped3A = tpu.sem_alloc : memref<!tpu.dma_semaphore, #tpu.memory_space<semaphore_mem>>
        %dma_start3A = arith.constant 0 : i32
        %dma_start3A_37 = tpu.memref_slice %arg7[%dma_start3A] : memref<80000xf32, #tpu.memory_space<vmem_shared>> -> memref<80000xf32, #tpu.memory_space<vmem_shared>>
        tpu.enqueue_indirect_dma source(%arg4 : memref<80xf32, #tpu.memory_space<vmem>>) target(%dma_start3A_37 : memref<80000xf32, #tpu.memory_space<vmem_shared>>) offsets(%arg5 : memref<80xi32, #tpu.memory_space<vmem>>) semaphore(%run_scoped3A : memref<!tpu.dma_semaphore, #tpu.memory_space<semaphore_mem>>) {add = true}
        %dma_wait3A = arith.constant 0 : i32
        %dma_wait3A_38 = tpu.memref_slice %arg7[%dma_wait3A] : memref<80000xf32, #tpu.memory_space<vmem_shared>> -> memref<80000xf32, #tpu.memory_space<vmem_shared>>
        tpu.wait_indirect_dma semaphore(%run_scoped3A : memref<!tpu.dma_semaphore, #tpu.memory_space<semaphore_mem>>) src(%arg4 : memref<80xf32, #tpu.memory_space<vmem>>) dst(%dma_wait3A_38 : memref<80000xf32, #tpu.memory_space<vmem_shared>>)
        tpu.yield
      }) : () -> ()
    }
    %scan3A_25 = arith.constant 125 : i32
    %barrier3A_26 = arith.constant 0 : index
    tpu.barrier barrier_id(%barrier3A_26)
    %scan3A_27 = arith.constant 0 : i32
    %scan3A_28 = arith.constant 0 : i32
    %scan3A_29 = arith.constant 4 : i32
    %scan3A_30 = arith.addi %scan3A_28, %scan3A_29 : i32
    %scan3A_31 = arith.constant 1 : i32
    scf.for %scan3A_33 = %scan3A_28 to %scan3A_30 step %scan3A_31  : i32 {
      %mul3A_34 = arith.constant 16 : i32
      %mul3A_35 = arith.muli %scan3A_33, %mul3A_34 : i32
      %add3A_36 = arith.addi %mul3A_35, %arg1 : i32
      %lt3A = arith.constant 50 : i32
      %lt3A_37 = arith.cmpi slt, %add3A_36, %lt3A : i32
      %convert_element_type3A = arith.extui %lt3A_37 : i1 to i32
      %cond3A = arith.constant 0 : i32
      %cond3A_38 = arith.cmpi ne, %convert_element_type3A, %cond3A : i32
      scf.if %cond3A_38 {
        %mul3A_39 = arith.constant 1600 : i32
        %mul3A_40 = arith.muli %add3A_36, %mul3A_39 : i32
        "tpu.region"() ({
          %run_scoped3A = tpu.sem_alloc : memref<!tpu.dma_semaphore, #tpu.memory_space<semaphore_mem>>
          %dma_start3A = tpu.memref_slice %arg7[%mul3A_40] : memref<80000xf32, #tpu.memory_space<vmem_shared>> -> memref<1600xf32, #tpu.memory_space<vmem_shared>>
          %dma_start3A_44 = tpu.memref_slice %arg7[%mul3A_40] : memref<80000xf32, #tpu.memory_space<vmem_shared>> -> memref<1600xf32, #tpu.memory_space<vmem_shared>>
          tpu.enqueue_dma source(%dma_start3A_44 : memref<1600xf32, #tpu.memory_space<vmem_shared>>) target(%arg6 : memref<1600xf32, #tpu.memory_space<vmem>>) target_semaphore(%run_scoped3A : memref<!tpu.dma_semaphore, #tpu.memory_space<semaphore_mem>>)
          %dma_wait3A = tpu.memref_slice %arg7[%mul3A_40] : memref<80000xf32, #tpu.memory_space<vmem_shared>> -> memref<1600xf32, #tpu.memory_space<vmem_shared>>
          %dma_wait3A_45 = tpu.memref_slice %arg7[%mul3A_40] : memref<80000xf32, #tpu.memory_space<vmem_shared>> -> memref<1600xf32, #tpu.memory_space<vmem_shared>>
          tpu.wait_dma2 semaphore(%run_scoped3A : memref<!tpu.dma_semaphore, #tpu.memory_space<semaphore_mem>>) src(%dma_wait3A_45 : memref<1600xf32, #tpu.memory_space<vmem_shared>>) dst(%arg6 : memref<1600xf32, #tpu.memory_space<vmem>>)
          tpu.yield
        }) : () -> ()
        %mul3A_41 = arith.constant 80000 : i32
        %mul3A_42 = arith.muli %arg0, %mul3A_41 : i32
        %add3A_43 = arith.addi %mul3A_42, %mul3A_40 : i32
        "tpu.region"() ({
          %run_scoped3A = tpu.sem_alloc : memref<!tpu.dma_semaphore, #tpu.memory_space<semaphore_mem>>
          %dma_start3A = tpu.memref_slice %arg3[%add3A_43] : memref<160000xf32, #tpu.memory_space<hbm>> -> memref<1600xf32, #tpu.memory_space<hbm>>
          %dma_start3A_44 = tpu.memref_slice %arg3[%add3A_43] : memref<160000xf32, #tpu.memory_space<hbm>> -> memref<1600xf32, #tpu.memory_space<hbm>>
          tpu.enqueue_dma source(%arg6 : memref<1600xf32, #tpu.memory_space<vmem>>) target(%dma_start3A_44 : memref<1600xf32, #tpu.memory_space<hbm>>) target_semaphore(%run_scoped3A : memref<!tpu.dma_semaphore, #tpu.memory_space<semaphore_mem>>)
          %dma_wait3A = tpu.memref_slice %arg3[%add3A_43] : memref<160000xf32, #tpu.memory_space<hbm>> -> memref<1600xf32, #tpu.memory_space<hbm>>
          %dma_wait3A_45 = tpu.memref_slice %arg3[%add3A_43] : memref<160000xf32, #tpu.memory_space<hbm>> -> memref<1600xf32, #tpu.memory_space<hbm>>
          tpu.wait_dma2 semaphore(%run_scoped3A : memref<!tpu.dma_semaphore, #tpu.memory_space<semaphore_mem>>) src(%arg6 : memref<1600xf32, #tpu.memory_space<vmem>>) dst(%dma_wait3A_45 : memref<1600xf32, #tpu.memory_space<hbm>>)
          tpu.yield
        }) : () -> ()
      } else {
      }
    }
    %scan3A_32 = arith.constant 4 : i32
    return
  }
}

#map = affine_map<(d0, d1) -> (0, 0)>
#map1 = affine_map<(d0, d1) -> (0)>
#map2 = affine_map<(d0, d1) -> (0, 0, 0)>
module attributes {stable_mosaic.version = 14 : i64} {
  func.func @_msg_body(%arg0: i32, %arg1: i32, %arg2: memref<80000x128xf32, #tpu.memory_space<hbm>>, %arg3: memref<320000xi32, #tpu.memory_space<hbm>>, %arg4: memref<320000xi32, #tpu.memory_space<hbm>>, %arg5: memref<320000xf32, #tpu.memory_space<hbm>>, %arg6: memref<2x10000x128xf32, #tpu.memory_space<hbm>>, %arg7: memref<80xi32, #tpu.memory_space<vmem>>, %arg8: memref<80xi32, #tpu.memory_space<vmem>>, %arg9: memref<80xi32, #tpu.memory_space<vmem>>, %arg10: memref<80xi32, #tpu.memory_space<vmem>>, %arg11: memref<80xf32, #tpu.memory_space<vmem>>, %arg12: memref<80xf32, #tpu.memory_space<vmem>>, %arg13: memref<80x128xf32, #tpu.memory_space<vmem>>, %arg14: memref<80x128xf32, #tpu.memory_space<vmem>>, %arg15: memref<100x128xf32, #tpu.memory_space<vmem>>, %arg16: memref<!tpu.dma_semaphore, #tpu.memory_space<semaphore_mem>>, %arg17: memref<!tpu.dma_semaphore, #tpu.memory_space<semaphore_mem>>, %arg18: memref<10000x128xf32, #tpu.memory_space<vmem_shared>>) attributes {dimension_semantics = [#tpu.dimension_semantics<core_parallel>, #tpu.dimension_semantics<subcore_parallel>], iteration_bounds = array<i64: 2, 16>, scalar_prefetch = 0 : i64, scratch_operands = 12 : i64, tpu.core_type = #tpu.core_type<sc_vector_subcore>, window_params = [{transform_indices = #map}, {transform_indices = #map1}, {transform_indices = #map1}, {transform_indices = #map1}, {transform_indices = #map2}]} {
    %mul3A = arith.constant 2 : i32
    %mul3A_0 = arith.muli %arg1, %mul3A : i32
    %add3A = arith.addi %mul3A_0, %arg0 : i32
    %mul3A_1 = arith.constant 10000 : i32
    %mul3A_2 = arith.muli %add3A, %mul3A_1 : i32
    %scan3A = arith.constant 0 : i32
    %scan3A_3 = arith.constant 0 : i32
    %scan3A_4 = arith.constant 100 : i32
    %scan3A_5 = arith.addi %scan3A_3, %scan3A_4 : i32
    %scan3A_6 = arith.constant 1 : i32
    scf.for %scan3A_48 = %scan3A_3 to %scan3A_5 step %scan3A_6  : i32 {
      %broadcast_in_dim3A = arith.constant 0.000000e+00 : f32
      %broadcast_in_dim3A_49 = vector.broadcast %broadcast_in_dim3A : f32 to vector<16xf32>
      %swap3A = arith.index_cast %scan3A_48 : i32 to index
      %swap3A_50 = arith.constant 0 : index
      %swap3A_51 = tpu.vector_load %arg15[%swap3A, %swap3A_50] {strides = array<i32>} : memref<100x128xf32, #tpu.memory_space<vmem>>, vector<16xf32>,
      tpu.vector_store %arg15[%swap3A, %swap3A_50], %broadcast_in_dim3A_49 {strides = array<i32>} : memref<100x128xf32, #tpu.memory_space<vmem>>, vector<16xf32>,
      %broadcast_in_dim3A_52 = arith.constant 0.000000e+00 : f32
      %broadcast_in_dim3A_53 = vector.broadcast %broadcast_in_dim3A_52 : f32 to vector<16xf32>
      %swap3A_54 = arith.index_cast %scan3A_48 : i32 to index
      %swap3A_55 = arith.constant 16 : index
      %swap3A_56 = tpu.vector_load %arg15[%swap3A_54, %swap3A_55] {strides = array<i32>} : memref<100x128xf32, #tpu.memory_space<vmem>>, vector<16xf32>,
      tpu.vector_store %arg15[%swap3A_54, %swap3A_55], %broadcast_in_dim3A_53 {strides = array<i32>} : memref<100x128xf32, #tpu.memory_space<vmem>>, vector<16xf32>,
      %broadcast_in_dim3A_57 = arith.constant 0.000000e+00 : f32
      %broadcast_in_dim3A_58 = vector.broadcast %broadcast_in_dim3A_57 : f32 to vector<16xf32>
      %swap3A_59 = arith.index_cast %scan3A_48 : i32 to index
      %swap3A_60 = arith.constant 32 : index
      %swap3A_61 = tpu.vector_load %arg15[%swap3A_59, %swap3A_60] {strides = array<i32>} : memref<100x128xf32, #tpu.memory_space<vmem>>, vector<16xf32>,
      tpu.vector_store %arg15[%swap3A_59, %swap3A_60], %broadcast_in_dim3A_58 {strides = array<i32>} : memref<100x128xf32, #tpu.memory_space<vmem>>, vector<16xf32>,
      %broadcast_in_dim3A_62 = arith.constant 0.000000e+00 : f32
      %broadcast_in_dim3A_63 = vector.broadcast %broadcast_in_dim3A_62 : f32 to vector<16xf32>
      %swap3A_64 = arith.index_cast %scan3A_48 : i32 to index
      %swap3A_65 = arith.constant 48 : index
      %swap3A_66 = tpu.vector_load %arg15[%swap3A_64, %swap3A_65] {strides = array<i32>} : memref<100x128xf32, #tpu.memory_space<vmem>>, vector<16xf32>,
      tpu.vector_store %arg15[%swap3A_64, %swap3A_65], %broadcast_in_dim3A_63 {strides = array<i32>} : memref<100x128xf32, #tpu.memory_space<vmem>>, vector<16xf32>,
      %broadcast_in_dim3A_67 = arith.constant 0.000000e+00 : f32
      %broadcast_in_dim3A_68 = vector.broadcast %broadcast_in_dim3A_67 : f32 to vector<16xf32>
      %swap3A_69 = arith.index_cast %scan3A_48 : i32 to index
      %swap3A_70 = arith.constant 64 : index
      %swap3A_71 = tpu.vector_load %arg15[%swap3A_69, %swap3A_70] {strides = array<i32>} : memref<100x128xf32, #tpu.memory_space<vmem>>, vector<16xf32>,
      tpu.vector_store %arg15[%swap3A_69, %swap3A_70], %broadcast_in_dim3A_68 {strides = array<i32>} : memref<100x128xf32, #tpu.memory_space<vmem>>, vector<16xf32>,
      %broadcast_in_dim3A_72 = arith.constant 0.000000e+00 : f32
      %broadcast_in_dim3A_73 = vector.broadcast %broadcast_in_dim3A_72 : f32 to vector<16xf32>
      %swap3A_74 = arith.index_cast %scan3A_48 : i32 to index
      %swap3A_75 = arith.constant 80 : index
      %swap3A_76 = tpu.vector_load %arg15[%swap3A_74, %swap3A_75] {strides = array<i32>} : memref<100x128xf32, #tpu.memory_space<vmem>>, vector<16xf32>,
      tpu.vector_store %arg15[%swap3A_74, %swap3A_75], %broadcast_in_dim3A_73 {strides = array<i32>} : memref<100x128xf32, #tpu.memory_space<vmem>>, vector<16xf32>,
      %broadcast_in_dim3A_77 = arith.constant 0.000000e+00 : f32
      %broadcast_in_dim3A_78 = vector.broadcast %broadcast_in_dim3A_77 : f32 to vector<16xf32>
      %swap3A_79 = arith.index_cast %scan3A_48 : i32 to index
      %swap3A_80 = arith.constant 96 : index
      %swap3A_81 = tpu.vector_load %arg15[%swap3A_79, %swap3A_80] {strides = array<i32>} : memref<100x128xf32, #tpu.memory_space<vmem>>, vector<16xf32>,
      tpu.vector_store %arg15[%swap3A_79, %swap3A_80], %broadcast_in_dim3A_78 {strides = array<i32>} : memref<100x128xf32, #tpu.memory_space<vmem>>, vector<16xf32>,
      %broadcast_in_dim3A_82 = arith.constant 0.000000e+00 : f32
      %broadcast_in_dim3A_83 = vector.broadcast %broadcast_in_dim3A_82 : f32 to vector<16xf32>
      %swap3A_84 = arith.index_cast %scan3A_48 : i32 to index
      %swap3A_85 = arith.constant 112 : index
      %swap3A_86 = tpu.vector_load %arg15[%swap3A_84, %swap3A_85] {strides = array<i32>} : memref<100x128xf32, #tpu.memory_space<vmem>>, vector<16xf32>,
      tpu.vector_store %arg15[%swap3A_84, %swap3A_85], %broadcast_in_dim3A_83 {strides = array<i32>} : memref<100x128xf32, #tpu.memory_space<vmem>>, vector<16xf32>,
    }
    %scan3A_7 = arith.constant 100 : i32
    %scan3A_8 = arith.constant 0 : i32
    %scan3A_9 = arith.constant 0 : i32
    %scan3A_10 = arith.constant 7 : i32
    %scan3A_11 = arith.addi %scan3A_9, %scan3A_10 : i32
    %scan3A_12 = arith.constant 1 : i32
    scf.for %scan3A_48 = %scan3A_9 to %scan3A_11 step %scan3A_12  : i32 {
      %mul3A_49 = arith.constant 16 : i32
      %mul3A_50 = arith.muli %scan3A_48, %mul3A_49 : i32
      %add3A_51 = arith.addi %mul3A_50, %arg1 : i32
      %lt3A = arith.constant 100 : i32
      %lt3A_52 = arith.cmpi slt, %add3A_51, %lt3A : i32
      %convert_element_type3A = arith.extui %lt3A_52 : i1 to i32
      %cond3A = arith.constant 0 : i32
      %cond3A_53 = arith.cmpi ne, %convert_element_type3A, %cond3A : i32
      scf.if %cond3A_53 {
        %mul3A_54 = arith.constant 100 : i32
        %mul3A_55 = arith.muli %add3A_51, %mul3A_54 : i32
        "tpu.region"() ({
          %run_scoped3A = tpu.sem_alloc : memref<!tpu.dma_semaphore, #tpu.memory_space<semaphore_mem>>
          %dma_start3A_56 = arith.constant 0 : i32
          %dma_start3A_57 = tpu.memref_slice %arg18[%mul3A_55, %dma_start3A_56] : memref<10000x128xf32, #tpu.memory_space<vmem_shared>> -> memref<100x128xf32, #tpu.memory_space<vmem_shared>>
          %dma_start3A_58 = arith.constant 0 : i32
          %dma_start3A_59 = tpu.memref_slice %arg18[%mul3A_55, %dma_start3A_58] : memref<10000x128xf32, #tpu.memory_space<vmem_shared>> -> memref<100x128xf32, #tpu.memory_space<vmem_shared>>
          tpu.enqueue_dma source(%arg15 : memref<100x128xf32, #tpu.memory_space<vmem>>) target(%dma_start3A_59 : memref<100x128xf32, #tpu.memory_space<vmem_shared>>) target_semaphore(%run_scoped3A : memref<!tpu.dma_semaphore, #tpu.memory_space<semaphore_mem>>)
          %dma_wait3A_60 = arith.constant 0 : i32
          %dma_wait3A_61 = tpu.memref_slice %arg18[%mul3A_55, %dma_wait3A_60] : memref<10000x128xf32, #tpu.memory_space<vmem_shared>> -> memref<100x128xf32, #tpu.memory_space<vmem_shared>>
          %dma_wait3A_62 = arith.constant 0 : i32
          %dma_wait3A_63 = tpu.memref_slice %arg18[%mul3A_55, %dma_wait3A_62] : memref<10000x128xf32, #tpu.memory_space<vmem_shared>> -> memref<100x128xf32, #tpu.memory_space<vmem_shared>>
          tpu.wait_dma2 semaphore(%run_scoped3A : memref<!tpu.dma_semaphore, #tpu.memory_space<semaphore_mem>>) src(%arg15 : memref<100x128xf32, #tpu.memory_space<vmem>>) dst(%dma_wait3A_63 : memref<100x128xf32, #tpu.memory_space<vmem_shared>>)
          tpu.yield
        }) : () -> ()
      } else {
      }
    }
    %scan3A_13 = arith.constant 7 : i32
    %barrier3A = arith.constant 0 : index
    tpu.barrier barrier_id(%barrier3A)
    %mul3A_14 = arith.constant 0 : i32
    %mul3A_15 = arith.constant 80 : i32
    %mul3A_16 = arith.muli %mul3A_14, %mul3A_15 : i32
    %add3A_17 = arith.addi %mul3A_2, %mul3A_16 : i32
    "tpu.region"() ({
      %run_scoped3A = tpu.sem_alloc : memref<!tpu.dma_semaphore, #tpu.memory_space<semaphore_mem>>
      %dma_start3A_48 = tpu.memref_slice %arg3[%add3A_17] : memref<320000xi32, #tpu.memory_space<hbm>> -> memref<80xi32, #tpu.memory_space<hbm>>
      %dma_start3A_49 = tpu.memref_slice %arg3[%add3A_17] : memref<320000xi32, #tpu.memory_space<hbm>> -> memref<80xi32, #tpu.memory_space<hbm>>
      tpu.enqueue_dma source(%dma_start3A_49 : memref<80xi32, #tpu.memory_space<hbm>>) target(%arg7 : memref<80xi32, #tpu.memory_space<vmem>>) target_semaphore(%run_scoped3A : memref<!tpu.dma_semaphore, #tpu.memory_space<semaphore_mem>>)
      %dma_wait3A_50 = tpu.memref_slice %arg3[%add3A_17] : memref<320000xi32, #tpu.memory_space<hbm>> -> memref<80xi32, #tpu.memory_space<hbm>>
      %dma_wait3A_51 = tpu.memref_slice %arg3[%add3A_17] : memref<320000xi32, #tpu.memory_space<hbm>> -> memref<80xi32, #tpu.memory_space<hbm>>
      tpu.wait_dma2 semaphore(%run_scoped3A : memref<!tpu.dma_semaphore, #tpu.memory_space<semaphore_mem>>) src(%dma_wait3A_51 : memref<80xi32, #tpu.memory_space<hbm>>) dst(%arg7 : memref<80xi32, #tpu.memory_space<vmem>>)
      tpu.yield
    }) : () -> ()
    "tpu.region"() ({
      %run_scoped3A = tpu.sem_alloc : memref<!tpu.dma_semaphore, #tpu.memory_space<semaphore_mem>>
      %dma_start3A_48 = tpu.memref_slice %arg4[%add3A_17] : memref<320000xi32, #tpu.memory_space<hbm>> -> memref<80xi32, #tpu.memory_space<hbm>>
      %dma_start3A_49 = tpu.memref_slice %arg4[%add3A_17] : memref<320000xi32, #tpu.memory_space<hbm>> -> memref<80xi32, #tpu.memory_space<hbm>>
      tpu.enqueue_dma source(%dma_start3A_49 : memref<80xi32, #tpu.memory_space<hbm>>) target(%arg9 : memref<80xi32, #tpu.memory_space<vmem>>) target_semaphore(%run_scoped3A : memref<!tpu.dma_semaphore, #tpu.memory_space<semaphore_mem>>)
      %dma_wait3A_50 = tpu.memref_slice %arg4[%add3A_17] : memref<320000xi32, #tpu.memory_space<hbm>> -> memref<80xi32, #tpu.memory_space<hbm>>
      %dma_wait3A_51 = tpu.memref_slice %arg4[%add3A_17] : memref<320000xi32, #tpu.memory_space<hbm>> -> memref<80xi32, #tpu.memory_space<hbm>>
      tpu.wait_dma2 semaphore(%run_scoped3A : memref<!tpu.dma_semaphore, #tpu.memory_space<semaphore_mem>>) src(%dma_wait3A_51 : memref<80xi32, #tpu.memory_space<hbm>>) dst(%arg9 : memref<80xi32, #tpu.memory_space<vmem>>)
      tpu.yield
    }) : () -> ()
    "tpu.region"() ({
      %run_scoped3A = tpu.sem_alloc : memref<!tpu.dma_semaphore, #tpu.memory_space<semaphore_mem>>
      %dma_start3A_48 = tpu.memref_slice %arg5[%add3A_17] : memref<320000xf32, #tpu.memory_space<hbm>> -> memref<80xf32, #tpu.memory_space<hbm>>
      %dma_start3A_49 = tpu.memref_slice %arg5[%add3A_17] : memref<320000xf32, #tpu.memory_space<hbm>> -> memref<80xf32, #tpu.memory_space<hbm>>
      tpu.enqueue_dma source(%dma_start3A_49 : memref<80xf32, #tpu.memory_space<hbm>>) target(%arg11 : memref<80xf32, #tpu.memory_space<vmem>>) target_semaphore(%run_scoped3A : memref<!tpu.dma_semaphore, #tpu.memory_space<semaphore_mem>>)
      %dma_wait3A_50 = tpu.memref_slice %arg5[%add3A_17] : memref<320000xf32, #tpu.memory_space<hbm>> -> memref<80xf32, #tpu.memory_space<hbm>>
      %dma_wait3A_51 = tpu.memref_slice %arg5[%add3A_17] : memref<320000xf32, #tpu.memory_space<hbm>> -> memref<80xf32, #tpu.memory_space<hbm>>
      tpu.wait_dma2 semaphore(%run_scoped3A : memref<!tpu.dma_semaphore, #tpu.memory_space<semaphore_mem>>) src(%dma_wait3A_51 : memref<80xf32, #tpu.memory_space<hbm>>) dst(%arg11 : memref<80xf32, #tpu.memory_space<vmem>>)
      tpu.yield
    }) : () -> ()
    %dma_start3A = arith.constant 0 : i32
    %dma_start3A_18 = arith.constant 0 : i32
    %dma_start3A_19 = tpu.memref_slice %arg2[%dma_start3A, %dma_start3A_18] : memref<80000x128xf32, #tpu.memory_space<hbm>> -> memref<80000x128xf32, #tpu.memory_space<hbm>>
    tpu.enqueue_indirect_dma source(%dma_start3A_19 : memref<80000x128xf32, #tpu.memory_space<hbm>>) target(%arg13 : memref<80x128xf32, #tpu.memory_space<vmem>>) offsets(%arg9 : memref<80xi32, #tpu.memory_space<vmem>>) semaphore(%arg16 : memref<!tpu.dma_semaphore, #tpu.memory_space<semaphore_mem>>)
    %mul3A_20 = arith.constant 1 : i32
    %mul3A_21 = arith.constant 80 : i32
    %mul3A_22 = arith.muli %mul3A_20, %mul3A_21 : i32
    %add3A_23 = arith.addi %mul3A_2, %mul3A_22 : i32
    "tpu.region"() ({
      %run_scoped3A = tpu.sem_alloc : memref<!tpu.dma_semaphore, #tpu.memory_space<semaphore_mem>>
      %dma_start3A_48 = tpu.memref_slice %arg3[%add3A_23] : memref<320000xi32, #tpu.memory_space<hbm>> -> memref<80xi32, #tpu.memory_space<hbm>>
      %dma_start3A_49 = tpu.memref_slice %arg3[%add3A_23] : memref<320000xi32, #tpu.memory_space<hbm>> -> memref<80xi32, #tpu.memory_space<hbm>>
      tpu.enqueue_dma source(%dma_start3A_49 : memref<80xi32, #tpu.memory_space<hbm>>) target(%arg8 : memref<80xi32, #tpu.memory_space<vmem>>) target_semaphore(%run_scoped3A : memref<!tpu.dma_semaphore, #tpu.memory_space<semaphore_mem>>)
      %dma_wait3A_50 = tpu.memref_slice %arg3[%add3A_23] : memref<320000xi32, #tpu.memory_space<hbm>> -> memref<80xi32, #tpu.memory_space<hbm>>
      %dma_wait3A_51 = tpu.memref_slice %arg3[%add3A_23] : memref<320000xi32, #tpu.memory_space<hbm>> -> memref<80xi32, #tpu.memory_space<hbm>>
      tpu.wait_dma2 semaphore(%run_scoped3A : memref<!tpu.dma_semaphore, #tpu.memory_space<semaphore_mem>>) src(%dma_wait3A_51 : memref<80xi32, #tpu.memory_space<hbm>>) dst(%arg8 : memref<80xi32, #tpu.memory_space<vmem>>)
      tpu.yield
    }) : () -> ()
    "tpu.region"() ({
      %run_scoped3A = tpu.sem_alloc : memref<!tpu.dma_semaphore, #tpu.memory_space<semaphore_mem>>
      %dma_start3A_48 = tpu.memref_slice %arg4[%add3A_23] : memref<320000xi32, #tpu.memory_space<hbm>> -> memref<80xi32, #tpu.memory_space<hbm>>
      %dma_start3A_49 = tpu.memref_slice %arg4[%add3A_23] : memref<320000xi32, #tpu.memory_space<hbm>> -> memref<80xi32, #tpu.memory_space<hbm>>
      tpu.enqueue_dma source(%dma_start3A_49 : memref<80xi32, #tpu.memory_space<hbm>>) target(%arg10 : memref<80xi32, #tpu.memory_space<vmem>>) target_semaphore(%run_scoped3A : memref<!tpu.dma_semaphore, #tpu.memory_space<semaphore_mem>>)
      %dma_wait3A_50 = tpu.memref_slice %arg4[%add3A_23] : memref<320000xi32, #tpu.memory_space<hbm>> -> memref<80xi32, #tpu.memory_space<hbm>>
      %dma_wait3A_51 = tpu.memref_slice %arg4[%add3A_23] : memref<320000xi32, #tpu.memory_space<hbm>> -> memref<80xi32, #tpu.memory_space<hbm>>
      tpu.wait_dma2 semaphore(%run_scoped3A : memref<!tpu.dma_semaphore, #tpu.memory_space<semaphore_mem>>) src(%dma_wait3A_51 : memref<80xi32, #tpu.memory_space<hbm>>) dst(%arg10 : memref<80xi32, #tpu.memory_space<vmem>>)
      tpu.yield
    }) : () -> ()
    "tpu.region"() ({
      %run_scoped3A = tpu.sem_alloc : memref<!tpu.dma_semaphore, #tpu.memory_space<semaphore_mem>>
      %dma_start3A_48 = tpu.memref_slice %arg5[%add3A_23] : memref<320000xf32, #tpu.memory_space<hbm>> -> memref<80xf32, #tpu.memory_space<hbm>>
      %dma_start3A_49 = tpu.memref_slice %arg5[%add3A_23] : memref<320000xf32, #tpu.memory_space<hbm>> -> memref<80xf32, #tpu.memory_space<hbm>>
      tpu.enqueue_dma source(%dma_start3A_49 : memref<80xf32, #tpu.memory_space<hbm>>) target(%arg12 : memref<80xf32, #tpu.memory_space<vmem>>) target_semaphore(%run_scoped3A : memref<!tpu.dma_semaphore, #tpu.memory_space<semaphore_mem>>)
      %dma_wait3A_50 = tpu.memref_slice %arg5[%add3A_23] : memref<320000xf32, #tpu.memory_space<hbm>> -> memref<80xf32, #tpu.memory_space<hbm>>
      %dma_wait3A_51 = tpu.memref_slice %arg5[%add3A_23] : memref<320000xf32, #tpu.memory_space<hbm>> -> memref<80xf32, #tpu.memory_space<hbm>>
      tpu.wait_dma2 semaphore(%run_scoped3A : memref<!tpu.dma_semaphore, #tpu.memory_space<semaphore_mem>>) src(%dma_wait3A_51 : memref<80xf32, #tpu.memory_space<hbm>>) dst(%arg12 : memref<80xf32, #tpu.memory_space<vmem>>)
      tpu.yield
    }) : () -> ()
    %dma_start3A_24 = arith.constant 0 : i32
    %dma_start3A_25 = arith.constant 0 : i32
    %dma_start3A_26 = tpu.memref_slice %arg2[%dma_start3A_24, %dma_start3A_25] : memref<80000x128xf32, #tpu.memory_space<hbm>> -> memref<80000x128xf32, #tpu.memory_space<hbm>>
    tpu.enqueue_indirect_dma source(%dma_start3A_26 : memref<80000x128xf32, #tpu.memory_space<hbm>>) target(%arg14 : memref<80x128xf32, #tpu.memory_space<vmem>>) offsets(%arg10 : memref<80xi32, #tpu.memory_space<vmem>>) semaphore(%arg17 : memref<!tpu.dma_semaphore, #tpu.memory_space<semaphore_mem>>)
    %scan3A_27 = arith.constant 0 : i32
    %scan3A_28 = arith.constant 0 : i32
    %scan3A_29 = arith.constant 62 : i32
    %scan3A_30 = arith.addi %scan3A_28, %scan3A_29 : i32
    %scan3A_31 = arith.constant 1 : i32
    scf.for %scan3A_48 = %scan3A_28 to %scan3A_30 step %scan3A_31  : i32 {
      %mul3A_49 = arith.constant 2 : i32
      %mul3A_50 = arith.muli %scan3A_48, %mul3A_49 : i32
      %add3A_51 = arith.constant 0 : i32
      %add3A_52 = arith.addi %mul3A_50, %add3A_51 : i32
      %dma_wait3A_53 = arith.constant 0 : i32
      %dma_wait3A_54 = arith.constant 0 : i32
      %dma_wait3A_55 = tpu.memref_slice %arg2[%dma_wait3A_53, %dma_wait3A_54] : memref<80000x128xf32, #tpu.memory_space<hbm>> -> memref<80000x128xf32, #tpu.memory_space<hbm>>
      tpu.wait_indirect_dma semaphore(%arg16 : memref<!tpu.dma_semaphore, #tpu.memory_space<semaphore_mem>>) src(%dma_wait3A_55 : memref<80000x128xf32, #tpu.memory_space<hbm>>) dst(%arg13 : memref<80x128xf32, #tpu.memory_space<vmem>>)
      %scan3A_56 = arith.constant 0 : i32
      %scan3A_57 = arith.constant 0 : i32
      %scan3A_58 = arith.constant 80 : i32
      %scan3A_59 = arith.addi %scan3A_57, %scan3A_58 : i32
      %scan3A_60 = arith.constant 1 : i32
      scf.for %scan3A_84 = %scan3A_57 to %scan3A_59 step %scan3A_60  : i32 {
        %broadcast_in_dim3A = vector.broadcast %scan3A_84 : i32 to vector<16xi32>
        %gather3A = tpu.vector_load_idx %arg11[%broadcast_in_dim3A] : memref<80xf32, #tpu.memory_space<vmem>>[vector<16xi32>], vector<16xf32>,
        %get3A = arith.index_cast %scan3A_84 : i32 to index
        %get3A_85 = arith.constant 0 : index
        %get3A_86 = tpu.vector_load %arg13[%get3A, %get3A_85] {strides = array<i32>} : memref<80x128xf32, #tpu.memory_space<vmem>>, vector<16xf32>,
        %mul3A_87 = arith.mulf %get3A_86, %gather3A : vector<16xf32>
        %swap3A = arith.index_cast %scan3A_84 : i32 to index
        %swap3A_88 = arith.constant 0 : index
        %swap3A_89 = tpu.vector_load %arg13[%swap3A, %swap3A_88] {strides = array<i32>} : memref<80x128xf32, #tpu.memory_space<vmem>>, vector<16xf32>,
        tpu.vector_store %arg13[%swap3A, %swap3A_88], %mul3A_87 {strides = array<i32>} : memref<80x128xf32, #tpu.memory_space<vmem>>, vector<16xf32>,
        %get3A_90 = arith.index_cast %scan3A_84 : i32 to index
        %get3A_91 = arith.constant 16 : index
        %get3A_92 = tpu.vector_load %arg13[%get3A_90, %get3A_91] {strides = array<i32>} : memref<80x128xf32, #tpu.memory_space<vmem>>, vector<16xf32>,
        %mul3A_93 = arith.mulf %get3A_92, %gather3A : vector<16xf32>
        %swap3A_94 = arith.index_cast %scan3A_84 : i32 to index
        %swap3A_95 = arith.constant 16 : index
        %swap3A_96 = tpu.vector_load %arg13[%swap3A_94, %swap3A_95] {strides = array<i32>} : memref<80x128xf32, #tpu.memory_space<vmem>>, vector<16xf32>,
        tpu.vector_store %arg13[%swap3A_94, %swap3A_95], %mul3A_93 {strides = array<i32>} : memref<80x128xf32, #tpu.memory_space<vmem>>, vector<16xf32>,
        %get3A_97 = arith.index_cast %scan3A_84 : i32 to index
        %get3A_98 = arith.constant 32 : index
        %get3A_99 = tpu.vector_load %arg13[%get3A_97, %get3A_98] {strides = array<i32>} : memref<80x128xf32, #tpu.memory_space<vmem>>, vector<16xf32>,
        %mul3A_100 = arith.mulf %get3A_99, %gather3A : vector<16xf32>
        %swap3A_101 = arith.index_cast %scan3A_84 : i32 to index
        %swap3A_102 = arith.constant 32 : index
        %swap3A_103 = tpu.vector_load %arg13[%swap3A_101, %swap3A_102] {strides = array<i32>} : memref<80x128xf32, #tpu.memory_space<vmem>>, vector<16xf32>,
        tpu.vector_store %arg13[%swap3A_101, %swap3A_102], %mul3A_100 {strides = array<i32>} : memref<80x128xf32, #tpu.memory_space<vmem>>, vector<16xf32>,
        %get3A_104 = arith.index_cast %scan3A_84 : i32 to index
        %get3A_105 = arith.constant 48 : index
        %get3A_106 = tpu.vector_load %arg13[%get3A_104, %get3A_105] {strides = array<i32>} : memref<80x128xf32, #tpu.memory_space<vmem>>, vector<16xf32>,
        %mul3A_107 = arith.mulf %get3A_106, %gather3A : vector<16xf32>
        %swap3A_108 = arith.index_cast %scan3A_84 : i32 to index
        %swap3A_109 = arith.constant 48 : index
        %swap3A_110 = tpu.vector_load %arg13[%swap3A_108, %swap3A_109] {strides = array<i32>} : memref<80x128xf32, #tpu.memory_space<vmem>>, vector<16xf32>,
        tpu.vector_store %arg13[%swap3A_108, %swap3A_109], %mul3A_107 {strides = array<i32>} : memref<80x128xf32, #tpu.memory_space<vmem>>, vector<16xf32>,
        %get3A_111 = arith.index_cast %scan3A_84 : i32 to index
        %get3A_112 = arith.constant 64 : index
        %get3A_113 = tpu.vector_load %arg13[%get3A_111, %get3A_112] {strides = array<i32>} : memref<80x128xf32, #tpu.memory_space<vmem>>, vector<16xf32>,
        %mul3A_114 = arith.mulf %get3A_113, %gather3A : vector<16xf32>
        %swap3A_115 = arith.index_cast %scan3A_84 : i32 to index
        %swap3A_116 = arith.constant 64 : index
        %swap3A_117 = tpu.vector_load %arg13[%swap3A_115, %swap3A_116] {strides = array<i32>} : memref<80x128xf32, #tpu.memory_space<vmem>>, vector<16xf32>,
        tpu.vector_store %arg13[%swap3A_115, %swap3A_116], %mul3A_114 {strides = array<i32>} : memref<80x128xf32, #tpu.memory_space<vmem>>, vector<16xf32>,
        %get3A_118 = arith.index_cast %scan3A_84 : i32 to index
        %get3A_119 = arith.constant 80 : index
        %get3A_120 = tpu.vector_load %arg13[%get3A_118, %get3A_119] {strides = array<i32>} : memref<80x128xf32, #tpu.memory_space<vmem>>, vector<16xf32>,
        %mul3A_121 = arith.mulf %get3A_120, %gather3A : vector<16xf32>
        %swap3A_122 = arith.index_cast %scan3A_84 : i32 to index
        %swap3A_123 = arith.constant 80 : index
        %swap3A_124 = tpu.vector_load %arg13[%swap3A_122, %swap3A_123] {strides = array<i32>} : memref<80x128xf32, #tpu.memory_space<vmem>>, vector<16xf32>,
        tpu.vector_store %arg13[%swap3A_122, %swap3A_123], %mul3A_121 {strides = array<i32>} : memref<80x128xf32, #tpu.memory_space<vmem>>, vector<16xf32>,
        %get3A_125 = arith.index_cast %scan3A_84 : i32 to index
        %get3A_126 = arith.constant 96 : index
        %get3A_127 = tpu.vector_load %arg13[%get3A_125, %get3A_126] {strides = array<i32>} : memref<80x128xf32, #tpu.memory_space<vmem>>, vector<16xf32>,
        %mul3A_128 = arith.mulf %get3A_127, %gather3A : vector<16xf32>
        %swap3A_129 = arith.index_cast %scan3A_84 : i32 to index
        %swap3A_130 = arith.constant 96 : index
        %swap3A_131 = tpu.vector_load %arg13[%swap3A_129, %swap3A_130] {strides = array<i32>} : memref<80x128xf32, #tpu.memory_space<vmem>>, vector<16xf32>,
        tpu.vector_store %arg13[%swap3A_129, %swap3A_130], %mul3A_128 {strides = array<i32>} : memref<80x128xf32, #tpu.memory_space<vmem>>, vector<16xf32>,
        %get3A_132 = arith.index_cast %scan3A_84 : i32 to index
        %get3A_133 = arith.constant 112 : index
        %get3A_134 = tpu.vector_load %arg13[%get3A_132, %get3A_133] {strides = array<i32>} : memref<80x128xf32, #tpu.memory_space<vmem>>, vector<16xf32>,
        %mul3A_135 = arith.mulf %get3A_134, %gather3A : vector<16xf32>
        %swap3A_136 = arith.index_cast %scan3A_84 : i32 to index
        %swap3A_137 = arith.constant 112 : index
        %swap3A_138 = tpu.vector_load %arg13[%swap3A_136, %swap3A_137] {strides = array<i32>} : memref<80x128xf32, #tpu.memory_space<vmem>>, vector<16xf32>,
        tpu.vector_store %arg13[%swap3A_136, %swap3A_137], %mul3A_135 {strides = array<i32>} : memref<80x128xf32, #tpu.memory_space<vmem>>, vector<16xf32>,
      }
      %scan3A_61 = arith.constant 80 : i32
      "tpu.region"() ({
        %run_scoped3A = tpu.sem_alloc : memref<!tpu.dma_semaphore, #tpu.memory_space<semaphore_mem>>
        %dma_start3A_84 = arith.constant 0 : i32
        %dma_start3A_85 = arith.constant 0 : i32
        %dma_start3A_86 = tpu.memref_slice %arg18[%dma_start3A_84, %dma_start3A_85] : memref<10000x128xf32, #tpu.memory_space<vmem_shared>> -> memref<10000x128xf32, #tpu.memory_space<vmem_shared>>
        tpu.enqueue_indirect_dma source(%arg13 : memref<80x128xf32, #tpu.memory_space<vmem>>) target(%dma_start3A_86 : memref<10000x128xf32, #tpu.memory_space<vmem_shared>>) offsets(%arg7 : memref<80xi32, #tpu.memory_space<vmem>>) semaphore(%run_scoped3A : memref<!tpu.dma_semaphore, #tpu.memory_space<semaphore_mem>>) {add = true}
        %dma_wait3A_87 = arith.constant 0 : i32
        %dma_wait3A_88 = arith.constant 0 : i32
        %dma_wait3A_89 = tpu.memref_slice %arg18[%dma_wait3A_87, %dma_wait3A_88] : memref<10000x128xf32, #tpu.memory_space<vmem_shared>> -> memref<10000x128xf32, #tpu.memory_space<vmem_shared>>
        tpu.wait_indirect_dma semaphore(%run_scoped3A : memref<!tpu.dma_semaphore, #tpu.memory_space<semaphore_mem>>) src(%arg13 : memref<80x128xf32, #tpu.memory_space<vmem>>) dst(%dma_wait3A_89 : memref<10000x128xf32, #tpu.memory_space<vmem_shared>>)
        tpu.yield
      }) : () -> ()
      %add3A_62 = arith.constant 2 : i32
      %add3A_63 = arith.addi %add3A_52, %add3A_62 : i32
      %lt3A = arith.constant 125 : i32
      %lt3A_64 = arith.cmpi slt, %add3A_63, %lt3A : i32
      %convert_element_type3A = arith.extui %lt3A_64 : i1 to i32
      %cond3A = arith.constant 0 : i32
      %cond3A_65 = arith.cmpi ne, %convert_element_type3A, %cond3A : i32
      scf.if %cond3A_65 {
        %add3A_84 = arith.constant 2 : i32
        %add3A_85 = arith.addi %add3A_52, %add3A_84 : i32
        %mul3A_86 = arith.constant 80 : i32
        %mul3A_87 = arith.muli %add3A_85, %mul3A_86 : i32
        %add3A_88 = arith.addi %mul3A_2, %mul3A_87 : i32
        "tpu.region"() ({
          %run_scoped3A = tpu.sem_alloc : memref<!tpu.dma_semaphore, #tpu.memory_space<semaphore_mem>>
          %dma_start3A_92 = tpu.memref_slice %arg3[%add3A_88] : memref<320000xi32, #tpu.memory_space<hbm>> -> memref<80xi32, #tpu.memory_space<hbm>>
          %dma_start3A_93 = tpu.memref_slice %arg3[%add3A_88] : memref<320000xi32, #tpu.memory_space<hbm>> -> memref<80xi32, #tpu.memory_space<hbm>>
          tpu.enqueue_dma source(%dma_start3A_93 : memref<80xi32, #tpu.memory_space<hbm>>) target(%arg7 : memref<80xi32, #tpu.memory_space<vmem>>) target_semaphore(%run_scoped3A : memref<!tpu.dma_semaphore, #tpu.memory_space<semaphore_mem>>)
          %dma_wait3A_94 = tpu.memref_slice %arg3[%add3A_88] : memref<320000xi32, #tpu.memory_space<hbm>> -> memref<80xi32, #tpu.memory_space<hbm>>
          %dma_wait3A_95 = tpu.memref_slice %arg3[%add3A_88] : memref<320000xi32, #tpu.memory_space<hbm>> -> memref<80xi32, #tpu.memory_space<hbm>>
          tpu.wait_dma2 semaphore(%run_scoped3A : memref<!tpu.dma_semaphore, #tpu.memory_space<semaphore_mem>>) src(%dma_wait3A_95 : memref<80xi32, #tpu.memory_space<hbm>>) dst(%arg7 : memref<80xi32, #tpu.memory_space<vmem>>)
          tpu.yield
        }) : () -> ()
        "tpu.region"() ({
          %run_scoped3A = tpu.sem_alloc : memref<!tpu.dma_semaphore, #tpu.memory_space<semaphore_mem>>
          %dma_start3A_92 = tpu.memref_slice %arg4[%add3A_88] : memref<320000xi32, #tpu.memory_space<hbm>> -> memref<80xi32, #tpu.memory_space<hbm>>
          %dma_start3A_93 = tpu.memref_slice %arg4[%add3A_88] : memref<320000xi32, #tpu.memory_space<hbm>> -> memref<80xi32, #tpu.memory_space<hbm>>
          tpu.enqueue_dma source(%dma_start3A_93 : memref<80xi32, #tpu.memory_space<hbm>>) target(%arg9 : memref<80xi32, #tpu.memory_space<vmem>>) target_semaphore(%run_scoped3A : memref<!tpu.dma_semaphore, #tpu.memory_space<semaphore_mem>>)
          %dma_wait3A_94 = tpu.memref_slice %arg4[%add3A_88] : memref<320000xi32, #tpu.memory_space<hbm>> -> memref<80xi32, #tpu.memory_space<hbm>>
          %dma_wait3A_95 = tpu.memref_slice %arg4[%add3A_88] : memref<320000xi32, #tpu.memory_space<hbm>> -> memref<80xi32, #tpu.memory_space<hbm>>
          tpu.wait_dma2 semaphore(%run_scoped3A : memref<!tpu.dma_semaphore, #tpu.memory_space<semaphore_mem>>) src(%dma_wait3A_95 : memref<80xi32, #tpu.memory_space<hbm>>) dst(%arg9 : memref<80xi32, #tpu.memory_space<vmem>>)
          tpu.yield
        }) : () -> ()
        "tpu.region"() ({
          %run_scoped3A = tpu.sem_alloc : memref<!tpu.dma_semaphore, #tpu.memory_space<semaphore_mem>>
          %dma_start3A_92 = tpu.memref_slice %arg5[%add3A_88] : memref<320000xf32, #tpu.memory_space<hbm>> -> memref<80xf32, #tpu.memory_space<hbm>>
          %dma_start3A_93 = tpu.memref_slice %arg5[%add3A_88] : memref<320000xf32, #tpu.memory_space<hbm>> -> memref<80xf32, #tpu.memory_space<hbm>>
          tpu.enqueue_dma source(%dma_start3A_93 : memref<80xf32, #tpu.memory_space<hbm>>) target(%arg11 : memref<80xf32, #tpu.memory_space<vmem>>) target_semaphore(%run_scoped3A : memref<!tpu.dma_semaphore, #tpu.memory_space<semaphore_mem>>)
          %dma_wait3A_94 = tpu.memref_slice %arg5[%add3A_88] : memref<320000xf32, #tpu.memory_space<hbm>> -> memref<80xf32, #tpu.memory_space<hbm>>
          %dma_wait3A_95 = tpu.memref_slice %arg5[%add3A_88] : memref<320000xf32, #tpu.memory_space<hbm>> -> memref<80xf32, #tpu.memory_space<hbm>>
          tpu.wait_dma2 semaphore(%run_scoped3A : memref<!tpu.dma_semaphore, #tpu.memory_space<semaphore_mem>>) src(%dma_wait3A_95 : memref<80xf32, #tpu.memory_space<hbm>>) dst(%arg11 : memref<80xf32, #tpu.memory_space<vmem>>)
          tpu.yield
        }) : () -> ()
        %dma_start3A_89 = arith.constant 0 : i32
        %dma_start3A_90 = arith.constant 0 : i32
        %dma_start3A_91 = tpu.memref_slice %arg2[%dma_start3A_89, %dma_start3A_90] : memref<80000x128xf32, #tpu.memory_space<hbm>> -> memref<80000x128xf32, #tpu.memory_space<hbm>>
        tpu.enqueue_indirect_dma source(%dma_start3A_91 : memref<80000x128xf32, #tpu.memory_space<hbm>>) target(%arg13 : memref<80x128xf32, #tpu.memory_space<vmem>>) offsets(%arg9 : memref<80xi32, #tpu.memory_space<vmem>>) semaphore(%arg16 : memref<!tpu.dma_semaphore, #tpu.memory_space<semaphore_mem>>)
      } else {
      }
      %add3A_66 = arith.constant 1 : i32
      %add3A_67 = arith.addi %mul3A_50, %add3A_66 : i32
      %dma_wait3A_68 = arith.constant 0 : i32
      %dma_wait3A_69 = arith.constant 0 : i32
      %dma_wait3A_70 = tpu.memref_slice %arg2[%dma_wait3A_68, %dma_wait3A_69] : memref<80000x128xf32, #tpu.memory_space<hbm>> -> memref<80000x128xf32, #tpu.memory_space<hbm>>
      tpu.wait_indirect_dma semaphore(%arg17 : memref<!tpu.dma_semaphore, #tpu.memory_space<semaphore_mem>>) src(%dma_wait3A_70 : memref<80000x128xf32, #tpu.memory_space<hbm>>) dst(%arg14 : memref<80x128xf32, #tpu.memory_space<vmem>>)
      %scan3A_71 = arith.constant 0 : i32
      %scan3A_72 = arith.constant 0 : i32
      %scan3A_73 = arith.constant 80 : i32
      %scan3A_74 = arith.addi %scan3A_72, %scan3A_73 : i32
      %scan3A_75 = arith.constant 1 : i32
      scf.for %scan3A_84 = %scan3A_72 to %scan3A_74 step %scan3A_75  : i32 {
        %broadcast_in_dim3A = vector.broadcast %scan3A_84 : i32 to vector<16xi32>
        %gather3A = tpu.vector_load_idx %arg12[%broadcast_in_dim3A] : memref<80xf32, #tpu.memory_space<vmem>>[vector<16xi32>], vector<16xf32>,
        %get3A = arith.index_cast %scan3A_84 : i32 to index
        %get3A_85 = arith.constant 0 : index
        %get3A_86 = tpu.vector_load %arg14[%get3A, %get3A_85] {strides = array<i32>} : memref<80x128xf32, #tpu.memory_space<vmem>>, vector<16xf32>,
        %mul3A_87 = arith.mulf %get3A_86, %gather3A : vector<16xf32>
        %swap3A = arith.index_cast %scan3A_84 : i32 to index
        %swap3A_88 = arith.constant 0 : index
        %swap3A_89 = tpu.vector_load %arg14[%swap3A, %swap3A_88] {strides = array<i32>} : memref<80x128xf32, #tpu.memory_space<vmem>>, vector<16xf32>,
        tpu.vector_store %arg14[%swap3A, %swap3A_88], %mul3A_87 {strides = array<i32>} : memref<80x128xf32, #tpu.memory_space<vmem>>, vector<16xf32>,
        %get3A_90 = arith.index_cast %scan3A_84 : i32 to index
        %get3A_91 = arith.constant 16 : index
        %get3A_92 = tpu.vector_load %arg14[%get3A_90, %get3A_91] {strides = array<i32>} : memref<80x128xf32, #tpu.memory_space<vmem>>, vector<16xf32>,
        %mul3A_93 = arith.mulf %get3A_92, %gather3A : vector<16xf32>
        %swap3A_94 = arith.index_cast %scan3A_84 : i32 to index
        %swap3A_95 = arith.constant 16 : index
        %swap3A_96 = tpu.vector_load %arg14[%swap3A_94, %swap3A_95] {strides = array<i32>} : memref<80x128xf32, #tpu.memory_space<vmem>>, vector<16xf32>,
        tpu.vector_store %arg14[%swap3A_94, %swap3A_95], %mul3A_93 {strides = array<i32>} : memref<80x128xf32, #tpu.memory_space<vmem>>, vector<16xf32>,
        %get3A_97 = arith.index_cast %scan3A_84 : i32 to index
        %get3A_98 = arith.constant 32 : index
        %get3A_99 = tpu.vector_load %arg14[%get3A_97, %get3A_98] {strides = array<i32>} : memref<80x128xf32, #tpu.memory_space<vmem>>, vector<16xf32>,
        %mul3A_100 = arith.mulf %get3A_99, %gather3A : vector<16xf32>
        %swap3A_101 = arith.index_cast %scan3A_84 : i32 to index
        %swap3A_102 = arith.constant 32 : index
        %swap3A_103 = tpu.vector_load %arg14[%swap3A_101, %swap3A_102] {strides = array<i32>} : memref<80x128xf32, #tpu.memory_space<vmem>>, vector<16xf32>,
        tpu.vector_store %arg14[%swap3A_101, %swap3A_102], %mul3A_100 {strides = array<i32>} : memref<80x128xf32, #tpu.memory_space<vmem>>, vector<16xf32>,
        %get3A_104 = arith.index_cast %scan3A_84 : i32 to index
        %get3A_105 = arith.constant 48 : index
        %get3A_106 = tpu.vector_load %arg14[%get3A_104, %get3A_105] {strides = array<i32>} : memref<80x128xf32, #tpu.memory_space<vmem>>, vector<16xf32>,
        %mul3A_107 = arith.mulf %get3A_106, %gather3A : vector<16xf32>
        %swap3A_108 = arith.index_cast %scan3A_84 : i32 to index
        %swap3A_109 = arith.constant 48 : index
        %swap3A_110 = tpu.vector_load %arg14[%swap3A_108, %swap3A_109] {strides = array<i32>} : memref<80x128xf32, #tpu.memory_space<vmem>>, vector<16xf32>,
        tpu.vector_store %arg14[%swap3A_108, %swap3A_109], %mul3A_107 {strides = array<i32>} : memref<80x128xf32, #tpu.memory_space<vmem>>, vector<16xf32>,
        %get3A_111 = arith.index_cast %scan3A_84 : i32 to index
        %get3A_112 = arith.constant 64 : index
        %get3A_113 = tpu.vector_load %arg14[%get3A_111, %get3A_112] {strides = array<i32>} : memref<80x128xf32, #tpu.memory_space<vmem>>, vector<16xf32>,
        %mul3A_114 = arith.mulf %get3A_113, %gather3A : vector<16xf32>
        %swap3A_115 = arith.index_cast %scan3A_84 : i32 to index
        %swap3A_116 = arith.constant 64 : index
        %swap3A_117 = tpu.vector_load %arg14[%swap3A_115, %swap3A_116] {strides = array<i32>} : memref<80x128xf32, #tpu.memory_space<vmem>>, vector<16xf32>,
        tpu.vector_store %arg14[%swap3A_115, %swap3A_116], %mul3A_114 {strides = array<i32>} : memref<80x128xf32, #tpu.memory_space<vmem>>, vector<16xf32>,
        %get3A_118 = arith.index_cast %scan3A_84 : i32 to index
        %get3A_119 = arith.constant 80 : index
        %get3A_120 = tpu.vector_load %arg14[%get3A_118, %get3A_119] {strides = array<i32>} : memref<80x128xf32, #tpu.memory_space<vmem>>, vector<16xf32>,
        %mul3A_121 = arith.mulf %get3A_120, %gather3A : vector<16xf32>
        %swap3A_122 = arith.index_cast %scan3A_84 : i32 to index
        %swap3A_123 = arith.constant 80 : index
        %swap3A_124 = tpu.vector_load %arg14[%swap3A_122, %swap3A_123] {strides = array<i32>} : memref<80x128xf32, #tpu.memory_space<vmem>>, vector<16xf32>,
        tpu.vector_store %arg14[%swap3A_122, %swap3A_123], %mul3A_121 {strides = array<i32>} : memref<80x128xf32, #tpu.memory_space<vmem>>, vector<16xf32>,
        %get3A_125 = arith.index_cast %scan3A_84 : i32 to index
        %get3A_126 = arith.constant 96 : index
        %get3A_127 = tpu.vector_load %arg14[%get3A_125, %get3A_126] {strides = array<i32>} : memref<80x128xf32, #tpu.memory_space<vmem>>, vector<16xf32>,
        %mul3A_128 = arith.mulf %get3A_127, %gather3A : vector<16xf32>
        %swap3A_129 = arith.index_cast %scan3A_84 : i32 to index
        %swap3A_130 = arith.constant 96 : index
        %swap3A_131 = tpu.vector_load %arg14[%swap3A_129, %swap3A_130] {strides = array<i32>} : memref<80x128xf32, #tpu.memory_space<vmem>>, vector<16xf32>,
        tpu.vector_store %arg14[%swap3A_129, %swap3A_130], %mul3A_128 {strides = array<i32>} : memref<80x128xf32, #tpu.memory_space<vmem>>, vector<16xf32>,
        %get3A_132 = arith.index_cast %scan3A_84 : i32 to index
        %get3A_133 = arith.constant 112 : index
        %get3A_134 = tpu.vector_load %arg14[%get3A_132, %get3A_133] {strides = array<i32>} : memref<80x128xf32, #tpu.memory_space<vmem>>, vector<16xf32>,
        %mul3A_135 = arith.mulf %get3A_134, %gather3A : vector<16xf32>
        %swap3A_136 = arith.index_cast %scan3A_84 : i32 to index
        %swap3A_137 = arith.constant 112 : index
        %swap3A_138 = tpu.vector_load %arg14[%swap3A_136, %swap3A_137] {strides = array<i32>} : memref<80x128xf32, #tpu.memory_space<vmem>>, vector<16xf32>,
        tpu.vector_store %arg14[%swap3A_136, %swap3A_137], %mul3A_135 {strides = array<i32>} : memref<80x128xf32, #tpu.memory_space<vmem>>, vector<16xf32>,
      }
      %scan3A_76 = arith.constant 80 : i32
      "tpu.region"() ({
        %run_scoped3A = tpu.sem_alloc : memref<!tpu.dma_semaphore, #tpu.memory_space<semaphore_mem>>
        %dma_start3A_84 = arith.constant 0 : i32
        %dma_start3A_85 = arith.constant 0 : i32
        %dma_start3A_86 = tpu.memref_slice %arg18[%dma_start3A_84, %dma_start3A_85] : memref<10000x128xf32, #tpu.memory_space<vmem_shared>> -> memref<10000x128xf32, #tpu.memory_space<vmem_shared>>
        tpu.enqueue_indirect_dma source(%arg14 : memref<80x128xf32, #tpu.memory_space<vmem>>) target(%dma_start3A_86 : memref<10000x128xf32, #tpu.memory_space<vmem_shared>>) offsets(%arg8 : memref<80xi32, #tpu.memory_space<vmem>>) semaphore(%run_scoped3A : memref<!tpu.dma_semaphore, #tpu.memory_space<semaphore_mem>>) {add = true}
        %dma_wait3A_87 = arith.constant 0 : i32
        %dma_wait3A_88 = arith.constant 0 : i32
        %dma_wait3A_89 = tpu.memref_slice %arg18[%dma_wait3A_87, %dma_wait3A_88] : memref<10000x128xf32, #tpu.memory_space<vmem_shared>> -> memref<10000x128xf32, #tpu.memory_space<vmem_shared>>
        tpu.wait_indirect_dma semaphore(%run_scoped3A : memref<!tpu.dma_semaphore, #tpu.memory_space<semaphore_mem>>) src(%arg14 : memref<80x128xf32, #tpu.memory_space<vmem>>) dst(%dma_wait3A_89 : memref<10000x128xf32, #tpu.memory_space<vmem_shared>>)
        tpu.yield
      }) : () -> ()
      %add3A_77 = arith.constant 2 : i32
      %add3A_78 = arith.addi %add3A_67, %add3A_77 : i32
      %lt3A_79 = arith.constant 125 : i32
      %lt3A_80 = arith.cmpi slt, %add3A_78, %lt3A_79 : i32
      %convert_element_type3A_81 = arith.extui %lt3A_80 : i1 to i32
      %cond3A_82 = arith.constant 0 : i32
      %cond3A_83 = arith.cmpi ne, %convert_element_type3A_81, %cond3A_82 : i32
      scf.if %cond3A_83 {
        %add3A_84 = arith.constant 2 : i32
        %add3A_85 = arith.addi %add3A_67, %add3A_84 : i32
        %mul3A_86 = arith.constant 80 : i32
        %mul3A_87 = arith.muli %add3A_85, %mul3A_86 : i32
        %add3A_88 = arith.addi %mul3A_2, %mul3A_87 : i32
        "tpu.region"() ({
          %run_scoped3A = tpu.sem_alloc : memref<!tpu.dma_semaphore, #tpu.memory_space<semaphore_mem>>
          %dma_start3A_92 = tpu.memref_slice %arg3[%add3A_88] : memref<320000xi32, #tpu.memory_space<hbm>> -> memref<80xi32, #tpu.memory_space<hbm>>
          %dma_start3A_93 = tpu.memref_slice %arg3[%add3A_88] : memref<320000xi32, #tpu.memory_space<hbm>> -> memref<80xi32, #tpu.memory_space<hbm>>
          tpu.enqueue_dma source(%dma_start3A_93 : memref<80xi32, #tpu.memory_space<hbm>>) target(%arg8 : memref<80xi32, #tpu.memory_space<vmem>>) target_semaphore(%run_scoped3A : memref<!tpu.dma_semaphore, #tpu.memory_space<semaphore_mem>>)
          %dma_wait3A_94 = tpu.memref_slice %arg3[%add3A_88] : memref<320000xi32, #tpu.memory_space<hbm>> -> memref<80xi32, #tpu.memory_space<hbm>>
          %dma_wait3A_95 = tpu.memref_slice %arg3[%add3A_88] : memref<320000xi32, #tpu.memory_space<hbm>> -> memref<80xi32, #tpu.memory_space<hbm>>
          tpu.wait_dma2 semaphore(%run_scoped3A : memref<!tpu.dma_semaphore, #tpu.memory_space<semaphore_mem>>) src(%dma_wait3A_95 : memref<80xi32, #tpu.memory_space<hbm>>) dst(%arg8 : memref<80xi32, #tpu.memory_space<vmem>>)
          tpu.yield
        }) : () -> ()
        "tpu.region"() ({
          %run_scoped3A = tpu.sem_alloc : memref<!tpu.dma_semaphore, #tpu.memory_space<semaphore_mem>>
          %dma_start3A_92 = tpu.memref_slice %arg4[%add3A_88] : memref<320000xi32, #tpu.memory_space<hbm>> -> memref<80xi32, #tpu.memory_space<hbm>>
          %dma_start3A_93 = tpu.memref_slice %arg4[%add3A_88] : memref<320000xi32, #tpu.memory_space<hbm>> -> memref<80xi32, #tpu.memory_space<hbm>>
          tpu.enqueue_dma source(%dma_start3A_93 : memref<80xi32, #tpu.memory_space<hbm>>) target(%arg10 : memref<80xi32, #tpu.memory_space<vmem>>) target_semaphore(%run_scoped3A : memref<!tpu.dma_semaphore, #tpu.memory_space<semaphore_mem>>)
          %dma_wait3A_94 = tpu.memref_slice %arg4[%add3A_88] : memref<320000xi32, #tpu.memory_space<hbm>> -> memref<80xi32, #tpu.memory_space<hbm>>
          %dma_wait3A_95 = tpu.memref_slice %arg4[%add3A_88] : memref<320000xi32, #tpu.memory_space<hbm>> -> memref<80xi32, #tpu.memory_space<hbm>>
          tpu.wait_dma2 semaphore(%run_scoped3A : memref<!tpu.dma_semaphore, #tpu.memory_space<semaphore_mem>>) src(%dma_wait3A_95 : memref<80xi32, #tpu.memory_space<hbm>>) dst(%arg10 : memref<80xi32, #tpu.memory_space<vmem>>)
          tpu.yield
        }) : () -> ()
        "tpu.region"() ({
          %run_scoped3A = tpu.sem_alloc : memref<!tpu.dma_semaphore, #tpu.memory_space<semaphore_mem>>
          %dma_start3A_92 = tpu.memref_slice %arg5[%add3A_88] : memref<320000xf32, #tpu.memory_space<hbm>> -> memref<80xf32, #tpu.memory_space<hbm>>
          %dma_start3A_93 = tpu.memref_slice %arg5[%add3A_88] : memref<320000xf32, #tpu.memory_space<hbm>> -> memref<80xf32, #tpu.memory_space<hbm>>
          tpu.enqueue_dma source(%dma_start3A_93 : memref<80xf32, #tpu.memory_space<hbm>>) target(%arg12 : memref<80xf32, #tpu.memory_space<vmem>>) target_semaphore(%run_scoped3A : memref<!tpu.dma_semaphore, #tpu.memory_space<semaphore_mem>>)
          %dma_wait3A_94 = tpu.memref_slice %arg5[%add3A_88] : memref<320000xf32, #tpu.memory_space<hbm>> -> memref<80xf32, #tpu.memory_space<hbm>>
          %dma_wait3A_95 = tpu.memref_slice %arg5[%add3A_88] : memref<320000xf32, #tpu.memory_space<hbm>> -> memref<80xf32, #tpu.memory_space<hbm>>
          tpu.wait_dma2 semaphore(%run_scoped3A : memref<!tpu.dma_semaphore, #tpu.memory_space<semaphore_mem>>) src(%dma_wait3A_95 : memref<80xf32, #tpu.memory_space<hbm>>) dst(%arg12 : memref<80xf32, #tpu.memory_space<vmem>>)
          tpu.yield
        }) : () -> ()
        %dma_start3A_89 = arith.constant 0 : i32
        %dma_start3A_90 = arith.constant 0 : i32
        %dma_start3A_91 = tpu.memref_slice %arg2[%dma_start3A_89, %dma_start3A_90] : memref<80000x128xf32, #tpu.memory_space<hbm>> -> memref<80000x128xf32, #tpu.memory_space<hbm>>
        tpu.enqueue_indirect_dma source(%dma_start3A_91 : memref<80000x128xf32, #tpu.memory_space<hbm>>) target(%arg14 : memref<80x128xf32, #tpu.memory_space<vmem>>) offsets(%arg10 : memref<80xi32, #tpu.memory_space<vmem>>) semaphore(%arg17 : memref<!tpu.dma_semaphore, #tpu.memory_space<semaphore_mem>>)
      } else {
      }
    }
    %scan3A_32 = arith.constant 62 : i32
    %dma_wait3A = arith.constant 0 : i32
    %dma_wait3A_33 = arith.constant 0 : i32
    %dma_wait3A_34 = tpu.memref_slice %arg2[%dma_wait3A, %dma_wait3A_33] : memref<80000x128xf32, #tpu.memory_space<hbm>> -> memref<80000x128xf32, #tpu.memory_space<hbm>>
    tpu.wait_indirect_dma semaphore(%arg16 : memref<!tpu.dma_semaphore, #tpu.memory_space<semaphore_mem>>) src(%dma_wait3A_34 : memref<80000x128xf32, #tpu.memory_space<hbm>>) dst(%arg13 : memref<80x128xf32, #tpu.memory_space<vmem>>)
    %scan3A_35 = arith.constant 0 : i32
    %scan3A_36 = arith.constant 0 : i32
    %scan3A_37 = arith.constant 80 : i32
    %scan3A_38 = arith.addi %scan3A_36, %scan3A_37 : i32
    %scan3A_39 = arith.constant 1 : i32
    scf.for %scan3A_48 = %scan3A_36 to %scan3A_38 step %scan3A_39  : i32 {
      %broadcast_in_dim3A = vector.broadcast %scan3A_48 : i32 to vector<16xi32>
      %gather3A = tpu.vector_load_idx %arg11[%broadcast_in_dim3A] : memref<80xf32, #tpu.memory_space<vmem>>[vector<16xi32>], vector<16xf32>,
      %get3A = arith.index_cast %scan3A_48 : i32 to index
      %get3A_49 = arith.constant 0 : index
      %get3A_50 = tpu.vector_load %arg13[%get3A, %get3A_49] {strides = array<i32>} : memref<80x128xf32, #tpu.memory_space<vmem>>, vector<16xf32>,
      %mul3A_51 = arith.mulf %get3A_50, %gather3A : vector<16xf32>
      %swap3A = arith.index_cast %scan3A_48 : i32 to index
      %swap3A_52 = arith.constant 0 : index
      %swap3A_53 = tpu.vector_load %arg13[%swap3A, %swap3A_52] {strides = array<i32>} : memref<80x128xf32, #tpu.memory_space<vmem>>, vector<16xf32>,
      tpu.vector_store %arg13[%swap3A, %swap3A_52], %mul3A_51 {strides = array<i32>} : memref<80x128xf32, #tpu.memory_space<vmem>>, vector<16xf32>,
      %get3A_54 = arith.index_cast %scan3A_48 : i32 to index
      %get3A_55 = arith.constant 16 : index
      %get3A_56 = tpu.vector_load %arg13[%get3A_54, %get3A_55] {strides = array<i32>} : memref<80x128xf32, #tpu.memory_space<vmem>>, vector<16xf32>,
      %mul3A_57 = arith.mulf %get3A_56, %gather3A : vector<16xf32>
      %swap3A_58 = arith.index_cast %scan3A_48 : i32 to index
      %swap3A_59 = arith.constant 16 : index
      %swap3A_60 = tpu.vector_load %arg13[%swap3A_58, %swap3A_59] {strides = array<i32>} : memref<80x128xf32, #tpu.memory_space<vmem>>, vector<16xf32>,
      tpu.vector_store %arg13[%swap3A_58, %swap3A_59], %mul3A_57 {strides = array<i32>} : memref<80x128xf32, #tpu.memory_space<vmem>>, vector<16xf32>,
      %get3A_61 = arith.index_cast %scan3A_48 : i32 to index
      %get3A_62 = arith.constant 32 : index
      %get3A_63 = tpu.vector_load %arg13[%get3A_61, %get3A_62] {strides = array<i32>} : memref<80x128xf32, #tpu.memory_space<vmem>>, vector<16xf32>,
      %mul3A_64 = arith.mulf %get3A_63, %gather3A : vector<16xf32>
      %swap3A_65 = arith.index_cast %scan3A_48 : i32 to index
      %swap3A_66 = arith.constant 32 : index
      %swap3A_67 = tpu.vector_load %arg13[%swap3A_65, %swap3A_66] {strides = array<i32>} : memref<80x128xf32, #tpu.memory_space<vmem>>, vector<16xf32>,
      tpu.vector_store %arg13[%swap3A_65, %swap3A_66], %mul3A_64 {strides = array<i32>} : memref<80x128xf32, #tpu.memory_space<vmem>>, vector<16xf32>,
      %get3A_68 = arith.index_cast %scan3A_48 : i32 to index
      %get3A_69 = arith.constant 48 : index
      %get3A_70 = tpu.vector_load %arg13[%get3A_68, %get3A_69] {strides = array<i32>} : memref<80x128xf32, #tpu.memory_space<vmem>>, vector<16xf32>,
      %mul3A_71 = arith.mulf %get3A_70, %gather3A : vector<16xf32>
      %swap3A_72 = arith.index_cast %scan3A_48 : i32 to index
      %swap3A_73 = arith.constant 48 : index
      %swap3A_74 = tpu.vector_load %arg13[%swap3A_72, %swap3A_73] {strides = array<i32>} : memref<80x128xf32, #tpu.memory_space<vmem>>, vector<16xf32>,
      tpu.vector_store %arg13[%swap3A_72, %swap3A_73], %mul3A_71 {strides = array<i32>} : memref<80x128xf32, #tpu.memory_space<vmem>>, vector<16xf32>,
      %get3A_75 = arith.index_cast %scan3A_48 : i32 to index
      %get3A_76 = arith.constant 64 : index
      %get3A_77 = tpu.vector_load %arg13[%get3A_75, %get3A_76] {strides = array<i32>} : memref<80x128xf32, #tpu.memory_space<vmem>>, vector<16xf32>,
      %mul3A_78 = arith.mulf %get3A_77, %gather3A : vector<16xf32>
      %swap3A_79 = arith.index_cast %scan3A_48 : i32 to index
      %swap3A_80 = arith.constant 64 : index
      %swap3A_81 = tpu.vector_load %arg13[%swap3A_79, %swap3A_80] {strides = array<i32>} : memref<80x128xf32, #tpu.memory_space<vmem>>, vector<16xf32>,
      tpu.vector_store %arg13[%swap3A_79, %swap3A_80], %mul3A_78 {strides = array<i32>} : memref<80x128xf32, #tpu.memory_space<vmem>>, vector<16xf32>,
      %get3A_82 = arith.index_cast %scan3A_48 : i32 to index
      %get3A_83 = arith.constant 80 : index
      %get3A_84 = tpu.vector_load %arg13[%get3A_82, %get3A_83] {strides = array<i32>} : memref<80x128xf32, #tpu.memory_space<vmem>>, vector<16xf32>,
      %mul3A_85 = arith.mulf %get3A_84, %gather3A : vector<16xf32>
      %swap3A_86 = arith.index_cast %scan3A_48 : i32 to index
      %swap3A_87 = arith.constant 80 : index
      %swap3A_88 = tpu.vector_load %arg13[%swap3A_86, %swap3A_87] {strides = array<i32>} : memref<80x128xf32, #tpu.memory_space<vmem>>, vector<16xf32>,
      tpu.vector_store %arg13[%swap3A_86, %swap3A_87], %mul3A_85 {strides = array<i32>} : memref<80x128xf32, #tpu.memory_space<vmem>>, vector<16xf32>,
      %get3A_89 = arith.index_cast %scan3A_48 : i32 to index
      %get3A_90 = arith.constant 96 : index
      %get3A_91 = tpu.vector_load %arg13[%get3A_89, %get3A_90] {strides = array<i32>} : memref<80x128xf32, #tpu.memory_space<vmem>>, vector<16xf32>,
      %mul3A_92 = arith.mulf %get3A_91, %gather3A : vector<16xf32>
      %swap3A_93 = arith.index_cast %scan3A_48 : i32 to index
      %swap3A_94 = arith.constant 96 : index
      %swap3A_95 = tpu.vector_load %arg13[%swap3A_93, %swap3A_94] {strides = array<i32>} : memref<80x128xf32, #tpu.memory_space<vmem>>, vector<16xf32>,
      tpu.vector_store %arg13[%swap3A_93, %swap3A_94], %mul3A_92 {strides = array<i32>} : memref<80x128xf32, #tpu.memory_space<vmem>>, vector<16xf32>,
      %get3A_96 = arith.index_cast %scan3A_48 : i32 to index
      %get3A_97 = arith.constant 112 : index
      %get3A_98 = tpu.vector_load %arg13[%get3A_96, %get3A_97] {strides = array<i32>} : memref<80x128xf32, #tpu.memory_space<vmem>>, vector<16xf32>,
      %mul3A_99 = arith.mulf %get3A_98, %gather3A : vector<16xf32>
      %swap3A_100 = arith.index_cast %scan3A_48 : i32 to index
      %swap3A_101 = arith.constant 112 : index
      %swap3A_102 = tpu.vector_load %arg13[%swap3A_100, %swap3A_101] {strides = array<i32>} : memref<80x128xf32, #tpu.memory_space<vmem>>, vector<16xf32>,
      tpu.vector_store %arg13[%swap3A_100, %swap3A_101], %mul3A_99 {strides = array<i32>} : memref<80x128xf32, #tpu.memory_space<vmem>>, vector<16xf32>,
    }
    %scan3A_40 = arith.constant 80 : i32
    "tpu.region"() ({
      %run_scoped3A = tpu.sem_alloc : memref<!tpu.dma_semaphore, #tpu.memory_space<semaphore_mem>>
      %dma_start3A_48 = arith.constant 0 : i32
      %dma_start3A_49 = arith.constant 0 : i32
      %dma_start3A_50 = tpu.memref_slice %arg18[%dma_start3A_48, %dma_start3A_49] : memref<10000x128xf32, #tpu.memory_space<vmem_shared>> -> memref<10000x128xf32, #tpu.memory_space<vmem_shared>>
      tpu.enqueue_indirect_dma source(%arg13 : memref<80x128xf32, #tpu.memory_space<vmem>>) target(%dma_start3A_50 : memref<10000x128xf32, #tpu.memory_space<vmem_shared>>) offsets(%arg7 : memref<80xi32, #tpu.memory_space<vmem>>) semaphore(%run_scoped3A : memref<!tpu.dma_semaphore, #tpu.memory_space<semaphore_mem>>) {add = true}
      %dma_wait3A_51 = arith.constant 0 : i32
      %dma_wait3A_52 = arith.constant 0 : i32
      %dma_wait3A_53 = tpu.memref_slice %arg18[%dma_wait3A_51, %dma_wait3A_52] : memref<10000x128xf32, #tpu.memory_space<vmem_shared>> -> memref<10000x128xf32, #tpu.memory_space<vmem_shared>>
      tpu.wait_indirect_dma semaphore(%run_scoped3A : memref<!tpu.dma_semaphore, #tpu.memory_space<semaphore_mem>>) src(%arg13 : memref<80x128xf32, #tpu.memory_space<vmem>>) dst(%dma_wait3A_53 : memref<10000x128xf32, #tpu.memory_space<vmem_shared>>)
      tpu.yield
    }) : () -> ()
    %barrier3A_41 = arith.constant 0 : index
    tpu.barrier barrier_id(%barrier3A_41)
    %scan3A_42 = arith.constant 0 : i32
    %scan3A_43 = arith.constant 0 : i32
    %scan3A_44 = arith.constant 7 : i32
    %scan3A_45 = arith.addi %scan3A_43, %scan3A_44 : i32
    %scan3A_46 = arith.constant 1 : i32
    scf.for %scan3A_48 = %scan3A_43 to %scan3A_45 step %scan3A_46  : i32 {
      %mul3A_49 = arith.constant 16 : i32
      %mul3A_50 = arith.muli %scan3A_48, %mul3A_49 : i32
      %add3A_51 = arith.addi %mul3A_50, %arg1 : i32
      %lt3A = arith.constant 100 : i32
      %lt3A_52 = arith.cmpi slt, %add3A_51, %lt3A : i32
      %convert_element_type3A = arith.extui %lt3A_52 : i1 to i32
      %cond3A = arith.constant 0 : i32
      %cond3A_53 = arith.cmpi ne, %convert_element_type3A, %cond3A : i32
      scf.if %cond3A_53 {
        %mul3A_54 = arith.constant 100 : i32
        %mul3A_55 = arith.muli %add3A_51, %mul3A_54 : i32
        "tpu.region"() ({
          %run_scoped3A = tpu.sem_alloc : memref<!tpu.dma_semaphore, #tpu.memory_space<semaphore_mem>>
          %dma_start3A_58 = arith.constant 0 : i32
          %dma_start3A_59 = tpu.memref_slice %arg18[%mul3A_55, %dma_start3A_58] : memref<10000x128xf32, #tpu.memory_space<vmem_shared>> -> memref<100x128xf32, #tpu.memory_space<vmem_shared>>
          %dma_start3A_60 = arith.constant 0 : i32
          %dma_start3A_61 = tpu.memref_slice %arg18[%mul3A_55, %dma_start3A_60] : memref<10000x128xf32, #tpu.memory_space<vmem_shared>> -> memref<100x128xf32, #tpu.memory_space<vmem_shared>>
          tpu.enqueue_dma source(%dma_start3A_61 : memref<100x128xf32, #tpu.memory_space<vmem_shared>>) target(%arg15 : memref<100x128xf32, #tpu.memory_space<vmem>>) target_semaphore(%run_scoped3A : memref<!tpu.dma_semaphore, #tpu.memory_space<semaphore_mem>>)
          %dma_wait3A_62 = arith.constant 0 : i32
          %dma_wait3A_63 = tpu.memref_slice %arg18[%mul3A_55, %dma_wait3A_62] : memref<10000x128xf32, #tpu.memory_space<vmem_shared>> -> memref<100x128xf32, #tpu.memory_space<vmem_shared>>
          %dma_wait3A_64 = arith.constant 0 : i32
          %dma_wait3A_65 = tpu.memref_slice %arg18[%mul3A_55, %dma_wait3A_64] : memref<10000x128xf32, #tpu.memory_space<vmem_shared>> -> memref<100x128xf32, #tpu.memory_space<vmem_shared>>
          tpu.wait_dma2 semaphore(%run_scoped3A : memref<!tpu.dma_semaphore, #tpu.memory_space<semaphore_mem>>) src(%dma_wait3A_65 : memref<100x128xf32, #tpu.memory_space<vmem_shared>>) dst(%arg15 : memref<100x128xf32, #tpu.memory_space<vmem>>)
          tpu.yield
        }) : () -> ()
        %mul3A_56 = arith.constant 100 : i32
        %mul3A_57 = arith.muli %add3A_51, %mul3A_56 : i32
        "tpu.region"() ({
          %run_scoped3A = tpu.sem_alloc : memref<!tpu.dma_semaphore, #tpu.memory_space<semaphore_mem>>
          %dma_start3A_58 = arith.constant 0 : i32
          %dma_start3A_59 = tpu.memref_slice %arg6[%arg0, %mul3A_57, %dma_start3A_58] : memref<2x10000x128xf32, #tpu.memory_space<hbm>> -> memref<1x100x128xf32, #tpu.memory_space<hbm>>
          %dma_start3A_60 = tpu.memref_squeeze %dma_start3A_59 : memref<1x100x128xf32, #tpu.memory_space<hbm>> -> memref<100x128xf32, #tpu.memory_space<hbm>>
          %dma_start3A_61 = arith.constant 0 : i32
          %dma_start3A_62 = tpu.memref_slice %arg6[%arg0, %mul3A_57, %dma_start3A_61] : memref<2x10000x128xf32, #tpu.memory_space<hbm>> -> memref<1x100x128xf32, #tpu.memory_space<hbm>>
          %dma_start3A_63 = tpu.memref_squeeze %dma_start3A_62 : memref<1x100x128xf32, #tpu.memory_space<hbm>> -> memref<100x128xf32, #tpu.memory_space<hbm>>
          tpu.enqueue_dma source(%arg15 : memref<100x128xf32, #tpu.memory_space<vmem>>) target(%dma_start3A_63 : memref<100x128xf32, #tpu.memory_space<hbm>>) target_semaphore(%run_scoped3A : memref<!tpu.dma_semaphore, #tpu.memory_space<semaphore_mem>>)
          %dma_wait3A_64 = arith.constant 0 : i32
          %dma_wait3A_65 = tpu.memref_slice %arg6[%arg0, %mul3A_57, %dma_wait3A_64] : memref<2x10000x128xf32, #tpu.memory_space<hbm>> -> memref<1x100x128xf32, #tpu.memory_space<hbm>>
          %dma_wait3A_66 = tpu.memref_squeeze %dma_wait3A_65 : memref<1x100x128xf32, #tpu.memory_space<hbm>> -> memref<100x128xf32, #tpu.memory_space<hbm>>
          %dma_wait3A_67 = arith.constant 0 : i32
          %dma_wait3A_68 = tpu.memref_slice %arg6[%arg0, %mul3A_57, %dma_wait3A_67] : memref<2x10000x128xf32, #tpu.memory_space<hbm>> -> memref<1x100x128xf32, #tpu.memory_space<hbm>>
          %dma_wait3A_69 = tpu.memref_squeeze %dma_wait3A_68 : memref<1x100x128xf32, #tpu.memory_space<hbm>> -> memref<100x128xf32, #tpu.memory_space<hbm>>
          tpu.wait_dma2 semaphore(%run_scoped3A : memref<!tpu.dma_semaphore, #tpu.memory_space<semaphore_mem>>) src(%arg15 : memref<100x128xf32, #tpu.memory_space<vmem>>) dst(%dma_wait3A_69 : memref<100x128xf32, #tpu.memory_space<hbm>>)
          tpu.yield
        }) : () -> ()
      } else {
      }
    }
    %scan3A_47 = arith.constant 7 : i32
    return
  }
}

#map = affine_map<(d0, d1) -> (0, 0)>
#map1 = affine_map<(d0, d1) -> (0)>
#map2 = affine_map<(d0, d1) -> (0, 0, 0)>
module attributes {stable_mosaic.version = 14 : i64} {
  func.func @_msg_body(%arg0: i32, %arg1: i32, %arg2: memref<80000x128xf32, #tpu.memory_space<hbm>>, %arg3: memref<320000xi32, #tpu.memory_space<hbm>>, %arg4: memref<320000xi32, #tpu.memory_space<hbm>>, %arg5: memref<320000xf32, #tpu.memory_space<hbm>>, %arg6: memref<2x10000x128xf32, #tpu.memory_space<hbm>>, %arg7: memref<80xi32, #tpu.memory_space<vmem>>, %arg8: memref<80xi32, #tpu.memory_space<vmem>>, %arg9: memref<80xi32, #tpu.memory_space<vmem>>, %arg10: memref<80xi32, #tpu.memory_space<vmem>>, %arg11: memref<80xf32, #tpu.memory_space<vmem>>, %arg12: memref<80xf32, #tpu.memory_space<vmem>>, %arg13: memref<80x128xf32, #tpu.memory_space<vmem>>, %arg14: memref<80x128xf32, #tpu.memory_space<vmem>>, %arg15: memref<100x128xf32, #tpu.memory_space<vmem>>, %arg16: memref<!tpu.dma_semaphore, #tpu.memory_space<semaphore_mem>>, %arg17: memref<!tpu.dma_semaphore, #tpu.memory_space<semaphore_mem>>, %arg18: memref<10000x128xf32, #tpu.memory_space<vmem_shared>>) attributes {dimension_semantics = [#tpu.dimension_semantics<core_parallel>, #tpu.dimension_semantics<subcore_parallel>], iteration_bounds = array<i64: 2, 16>, scalar_prefetch = 0 : i64, scratch_operands = 12 : i64, tpu.core_type = #tpu.core_type<sc_vector_subcore>, window_params = [{transform_indices = #map}, {transform_indices = #map1}, {transform_indices = #map1}, {transform_indices = #map1}, {transform_indices = #map2}]} {
    %mul3A = arith.constant 2 : i32
    %mul3A_0 = arith.muli %arg1, %mul3A : i32
    %add3A = arith.addi %mul3A_0, %arg0 : i32
    %mul3A_1 = arith.constant 10000 : i32
    %mul3A_2 = arith.muli %add3A, %mul3A_1 : i32
    %scan3A = arith.constant 0 : i32
    %scan3A_3 = arith.constant 0 : i32
    %scan3A_4 = arith.constant 100 : i32
    %scan3A_5 = arith.addi %scan3A_3, %scan3A_4 : i32
    %scan3A_6 = arith.constant 1 : i32
    scf.for %scan3A_48 = %scan3A_3 to %scan3A_5 step %scan3A_6  : i32 {
      %broadcast_in_dim3A = arith.constant 0.000000e+00 : f32
      %broadcast_in_dim3A_49 = vector.broadcast %broadcast_in_dim3A : f32 to vector<16xf32>
      %swap3A = arith.index_cast %scan3A_48 : i32 to index
      %swap3A_50 = arith.constant 0 : index
      %swap3A_51 = tpu.vector_load %arg15[%swap3A, %swap3A_50] {strides = array<i32>} : memref<100x128xf32, #tpu.memory_space<vmem>>, vector<16xf32>,
      tpu.vector_store %arg15[%swap3A, %swap3A_50], %broadcast_in_dim3A_49 {strides = array<i32>} : memref<100x128xf32, #tpu.memory_space<vmem>>, vector<16xf32>,
      %broadcast_in_dim3A_52 = arith.constant 0.000000e+00 : f32
      %broadcast_in_dim3A_53 = vector.broadcast %broadcast_in_dim3A_52 : f32 to vector<16xf32>
      %swap3A_54 = arith.index_cast %scan3A_48 : i32 to index
      %swap3A_55 = arith.constant 16 : index
      %swap3A_56 = tpu.vector_load %arg15[%swap3A_54, %swap3A_55] {strides = array<i32>} : memref<100x128xf32, #tpu.memory_space<vmem>>, vector<16xf32>,
      tpu.vector_store %arg15[%swap3A_54, %swap3A_55], %broadcast_in_dim3A_53 {strides = array<i32>} : memref<100x128xf32, #tpu.memory_space<vmem>>, vector<16xf32>,
      %broadcast_in_dim3A_57 = arith.constant 0.000000e+00 : f32
      %broadcast_in_dim3A_58 = vector.broadcast %broadcast_in_dim3A_57 : f32 to vector<16xf32>
      %swap3A_59 = arith.index_cast %scan3A_48 : i32 to index
      %swap3A_60 = arith.constant 32 : index
      %swap3A_61 = tpu.vector_load %arg15[%swap3A_59, %swap3A_60] {strides = array<i32>} : memref<100x128xf32, #tpu.memory_space<vmem>>, vector<16xf32>,
      tpu.vector_store %arg15[%swap3A_59, %swap3A_60], %broadcast_in_dim3A_58 {strides = array<i32>} : memref<100x128xf32, #tpu.memory_space<vmem>>, vector<16xf32>,
      %broadcast_in_dim3A_62 = arith.constant 0.000000e+00 : f32
      %broadcast_in_dim3A_63 = vector.broadcast %broadcast_in_dim3A_62 : f32 to vector<16xf32>
      %swap3A_64 = arith.index_cast %scan3A_48 : i32 to index
      %swap3A_65 = arith.constant 48 : index
      %swap3A_66 = tpu.vector_load %arg15[%swap3A_64, %swap3A_65] {strides = array<i32>} : memref<100x128xf32, #tpu.memory_space<vmem>>, vector<16xf32>,
      tpu.vector_store %arg15[%swap3A_64, %swap3A_65], %broadcast_in_dim3A_63 {strides = array<i32>} : memref<100x128xf32, #tpu.memory_space<vmem>>, vector<16xf32>,
      %broadcast_in_dim3A_67 = arith.constant 0.000000e+00 : f32
      %broadcast_in_dim3A_68 = vector.broadcast %broadcast_in_dim3A_67 : f32 to vector<16xf32>
      %swap3A_69 = arith.index_cast %scan3A_48 : i32 to index
      %swap3A_70 = arith.constant 64 : index
      %swap3A_71 = tpu.vector_load %arg15[%swap3A_69, %swap3A_70] {strides = array<i32>} : memref<100x128xf32, #tpu.memory_space<vmem>>, vector<16xf32>,
      tpu.vector_store %arg15[%swap3A_69, %swap3A_70], %broadcast_in_dim3A_68 {strides = array<i32>} : memref<100x128xf32, #tpu.memory_space<vmem>>, vector<16xf32>,
      %broadcast_in_dim3A_72 = arith.constant 0.000000e+00 : f32
      %broadcast_in_dim3A_73 = vector.broadcast %broadcast_in_dim3A_72 : f32 to vector<16xf32>
      %swap3A_74 = arith.index_cast %scan3A_48 : i32 to index
      %swap3A_75 = arith.constant 80 : index
      %swap3A_76 = tpu.vector_load %arg15[%swap3A_74, %swap3A_75] {strides = array<i32>} : memref<100x128xf32, #tpu.memory_space<vmem>>, vector<16xf32>,
      tpu.vector_store %arg15[%swap3A_74, %swap3A_75], %broadcast_in_dim3A_73 {strides = array<i32>} : memref<100x128xf32, #tpu.memory_space<vmem>>, vector<16xf32>,
      %broadcast_in_dim3A_77 = arith.constant 0.000000e+00 : f32
      %broadcast_in_dim3A_78 = vector.broadcast %broadcast_in_dim3A_77 : f32 to vector<16xf32>
      %swap3A_79 = arith.index_cast %scan3A_48 : i32 to index
      %swap3A_80 = arith.constant 96 : index
      %swap3A_81 = tpu.vector_load %arg15[%swap3A_79, %swap3A_80] {strides = array<i32>} : memref<100x128xf32, #tpu.memory_space<vmem>>, vector<16xf32>,
      tpu.vector_store %arg15[%swap3A_79, %swap3A_80], %broadcast_in_dim3A_78 {strides = array<i32>} : memref<100x128xf32, #tpu.memory_space<vmem>>, vector<16xf32>,
      %broadcast_in_dim3A_82 = arith.constant 0.000000e+00 : f32
      %broadcast_in_dim3A_83 = vector.broadcast %broadcast_in_dim3A_82 : f32 to vector<16xf32>
      %swap3A_84 = arith.index_cast %scan3A_48 : i32 to index
      %swap3A_85 = arith.constant 112 : index
      %swap3A_86 = tpu.vector_load %arg15[%swap3A_84, %swap3A_85] {strides = array<i32>} : memref<100x128xf32, #tpu.memory_space<vmem>>, vector<16xf32>,
      tpu.vector_store %arg15[%swap3A_84, %swap3A_85], %broadcast_in_dim3A_83 {strides = array<i32>} : memref<100x128xf32, #tpu.memory_space<vmem>>, vector<16xf32>,
    }
    %scan3A_7 = arith.constant 100 : i32
    %scan3A_8 = arith.constant 0 : i32
    %scan3A_9 = arith.constant 0 : i32
    %scan3A_10 = arith.constant 7 : i32
    %scan3A_11 = arith.addi %scan3A_9, %scan3A_10 : i32
    %scan3A_12 = arith.constant 1 : i32
    scf.for %scan3A_48 = %scan3A_9 to %scan3A_11 step %scan3A_12  : i32 {
      %mul3A_49 = arith.constant 16 : i32
      %mul3A_50 = arith.muli %scan3A_48, %mul3A_49 : i32
      %add3A_51 = arith.addi %mul3A_50, %arg1 : i32
      %lt3A = arith.constant 100 : i32
      %lt3A_52 = arith.cmpi slt, %add3A_51, %lt3A : i32
      %convert_element_type3A = arith.extui %lt3A_52 : i1 to i32
      %cond3A = arith.constant 0 : i32
      %cond3A_53 = arith.cmpi ne, %convert_element_type3A, %cond3A : i32
      scf.if %cond3A_53 {
        %mul3A_54 = arith.constant 100 : i32
        %mul3A_55 = arith.muli %add3A_51, %mul3A_54 : i32
        "tpu.region"() ({
          %run_scoped3A = tpu.sem_alloc : memref<!tpu.dma_semaphore, #tpu.memory_space<semaphore_mem>>
          %dma_start3A_56 = arith.constant 0 : i32
          %dma_start3A_57 = tpu.memref_slice %arg18[%mul3A_55, %dma_start3A_56] : memref<10000x128xf32, #tpu.memory_space<vmem_shared>> -> memref<100x128xf32, #tpu.memory_space<vmem_shared>>
          %dma_start3A_58 = arith.constant 0 : i32
          %dma_start3A_59 = tpu.memref_slice %arg18[%mul3A_55, %dma_start3A_58] : memref<10000x128xf32, #tpu.memory_space<vmem_shared>> -> memref<100x128xf32, #tpu.memory_space<vmem_shared>>
          tpu.enqueue_dma source(%arg15 : memref<100x128xf32, #tpu.memory_space<vmem>>) target(%dma_start3A_59 : memref<100x128xf32, #tpu.memory_space<vmem_shared>>) target_semaphore(%run_scoped3A : memref<!tpu.dma_semaphore, #tpu.memory_space<semaphore_mem>>)
          %dma_wait3A_60 = arith.constant 0 : i32
          %dma_wait3A_61 = tpu.memref_slice %arg18[%mul3A_55, %dma_wait3A_60] : memref<10000x128xf32, #tpu.memory_space<vmem_shared>> -> memref<100x128xf32, #tpu.memory_space<vmem_shared>>
          %dma_wait3A_62 = arith.constant 0 : i32
          %dma_wait3A_63 = tpu.memref_slice %arg18[%mul3A_55, %dma_wait3A_62] : memref<10000x128xf32, #tpu.memory_space<vmem_shared>> -> memref<100x128xf32, #tpu.memory_space<vmem_shared>>
          tpu.wait_dma2 semaphore(%run_scoped3A : memref<!tpu.dma_semaphore, #tpu.memory_space<semaphore_mem>>) src(%arg15 : memref<100x128xf32, #tpu.memory_space<vmem>>) dst(%dma_wait3A_63 : memref<100x128xf32, #tpu.memory_space<vmem_shared>>)
          tpu.yield
        }) : () -> ()
      } else {
      }
    }
    %scan3A_13 = arith.constant 7 : i32
    %barrier3A = arith.constant 0 : index
    tpu.barrier barrier_id(%barrier3A)
    %mul3A_14 = arith.constant 0 : i32
    %mul3A_15 = arith.constant 80 : i32
    %mul3A_16 = arith.muli %mul3A_14, %mul3A_15 : i32
    %add3A_17 = arith.addi %mul3A_2, %mul3A_16 : i32
    "tpu.region"() ({
      %run_scoped3A = tpu.sem_alloc : memref<!tpu.dma_semaphore, #tpu.memory_space<semaphore_mem>>
      %dma_start3A_48 = tpu.memref_slice %arg3[%add3A_17] : memref<320000xi32, #tpu.memory_space<hbm>> -> memref<80xi32, #tpu.memory_space<hbm>>
      %dma_start3A_49 = tpu.memref_slice %arg3[%add3A_17] : memref<320000xi32, #tpu.memory_space<hbm>> -> memref<80xi32, #tpu.memory_space<hbm>>
      tpu.enqueue_dma source(%dma_start3A_49 : memref<80xi32, #tpu.memory_space<hbm>>) target(%arg7 : memref<80xi32, #tpu.memory_space<vmem>>) target_semaphore(%run_scoped3A : memref<!tpu.dma_semaphore, #tpu.memory_space<semaphore_mem>>)
      %dma_wait3A_50 = tpu.memref_slice %arg3[%add3A_17] : memref<320000xi32, #tpu.memory_space<hbm>> -> memref<80xi32, #tpu.memory_space<hbm>>
      %dma_wait3A_51 = tpu.memref_slice %arg3[%add3A_17] : memref<320000xi32, #tpu.memory_space<hbm>> -> memref<80xi32, #tpu.memory_space<hbm>>
      tpu.wait_dma2 semaphore(%run_scoped3A : memref<!tpu.dma_semaphore, #tpu.memory_space<semaphore_mem>>) src(%dma_wait3A_51 : memref<80xi32, #tpu.memory_space<hbm>>) dst(%arg7 : memref<80xi32, #tpu.memory_space<vmem>>)
      tpu.yield
    }) : () -> ()
    "tpu.region"() ({
      %run_scoped3A = tpu.sem_alloc : memref<!tpu.dma_semaphore, #tpu.memory_space<semaphore_mem>>
      %dma_start3A_48 = tpu.memref_slice %arg4[%add3A_17] : memref<320000xi32, #tpu.memory_space<hbm>> -> memref<80xi32, #tpu.memory_space<hbm>>
      %dma_start3A_49 = tpu.memref_slice %arg4[%add3A_17] : memref<320000xi32, #tpu.memory_space<hbm>> -> memref<80xi32, #tpu.memory_space<hbm>>
      tpu.enqueue_dma source(%dma_start3A_49 : memref<80xi32, #tpu.memory_space<hbm>>) target(%arg9 : memref<80xi32, #tpu.memory_space<vmem>>) target_semaphore(%run_scoped3A : memref<!tpu.dma_semaphore, #tpu.memory_space<semaphore_mem>>)
      %dma_wait3A_50 = tpu.memref_slice %arg4[%add3A_17] : memref<320000xi32, #tpu.memory_space<hbm>> -> memref<80xi32, #tpu.memory_space<hbm>>
      %dma_wait3A_51 = tpu.memref_slice %arg4[%add3A_17] : memref<320000xi32, #tpu.memory_space<hbm>> -> memref<80xi32, #tpu.memory_space<hbm>>
      tpu.wait_dma2 semaphore(%run_scoped3A : memref<!tpu.dma_semaphore, #tpu.memory_space<semaphore_mem>>) src(%dma_wait3A_51 : memref<80xi32, #tpu.memory_space<hbm>>) dst(%arg9 : memref<80xi32, #tpu.memory_space<vmem>>)
      tpu.yield
    }) : () -> ()
    "tpu.region"() ({
      %run_scoped3A = tpu.sem_alloc : memref<!tpu.dma_semaphore, #tpu.memory_space<semaphore_mem>>
      %dma_start3A_48 = tpu.memref_slice %arg5[%add3A_17] : memref<320000xf32, #tpu.memory_space<hbm>> -> memref<80xf32, #tpu.memory_space<hbm>>
      %dma_start3A_49 = tpu.memref_slice %arg5[%add3A_17] : memref<320000xf32, #tpu.memory_space<hbm>> -> memref<80xf32, #tpu.memory_space<hbm>>
      tpu.enqueue_dma source(%dma_start3A_49 : memref<80xf32, #tpu.memory_space<hbm>>) target(%arg11 : memref<80xf32, #tpu.memory_space<vmem>>) target_semaphore(%run_scoped3A : memref<!tpu.dma_semaphore, #tpu.memory_space<semaphore_mem>>)
      %dma_wait3A_50 = tpu.memref_slice %arg5[%add3A_17] : memref<320000xf32, #tpu.memory_space<hbm>> -> memref<80xf32, #tpu.memory_space<hbm>>
      %dma_wait3A_51 = tpu.memref_slice %arg5[%add3A_17] : memref<320000xf32, #tpu.memory_space<hbm>> -> memref<80xf32, #tpu.memory_space<hbm>>
      tpu.wait_dma2 semaphore(%run_scoped3A : memref<!tpu.dma_semaphore, #tpu.memory_space<semaphore_mem>>) src(%dma_wait3A_51 : memref<80xf32, #tpu.memory_space<hbm>>) dst(%arg11 : memref<80xf32, #tpu.memory_space<vmem>>)
      tpu.yield
    }) : () -> ()
    %dma_start3A = arith.constant 0 : i32
    %dma_start3A_18 = arith.constant 0 : i32
    %dma_start3A_19 = tpu.memref_slice %arg2[%dma_start3A, %dma_start3A_18] : memref<80000x128xf32, #tpu.memory_space<hbm>> -> memref<80000x128xf32, #tpu.memory_space<hbm>>
    tpu.enqueue_indirect_dma source(%dma_start3A_19 : memref<80000x128xf32, #tpu.memory_space<hbm>>) target(%arg13 : memref<80x128xf32, #tpu.memory_space<vmem>>) offsets(%arg9 : memref<80xi32, #tpu.memory_space<vmem>>) semaphore(%arg16 : memref<!tpu.dma_semaphore, #tpu.memory_space<semaphore_mem>>)
    %mul3A_20 = arith.constant 1 : i32
    %mul3A_21 = arith.constant 80 : i32
    %mul3A_22 = arith.muli %mul3A_20, %mul3A_21 : i32
    %add3A_23 = arith.addi %mul3A_2, %mul3A_22 : i32
    "tpu.region"() ({
      %run_scoped3A = tpu.sem_alloc : memref<!tpu.dma_semaphore, #tpu.memory_space<semaphore_mem>>
      %dma_start3A_48 = tpu.memref_slice %arg3[%add3A_23] : memref<320000xi32, #tpu.memory_space<hbm>> -> memref<80xi32, #tpu.memory_space<hbm>>
      %dma_start3A_49 = tpu.memref_slice %arg3[%add3A_23] : memref<320000xi32, #tpu.memory_space<hbm>> -> memref<80xi32, #tpu.memory_space<hbm>>
      tpu.enqueue_dma source(%dma_start3A_49 : memref<80xi32, #tpu.memory_space<hbm>>) target(%arg8 : memref<80xi32, #tpu.memory_space<vmem>>) target_semaphore(%run_scoped3A : memref<!tpu.dma_semaphore, #tpu.memory_space<semaphore_mem>>)
      %dma_wait3A_50 = tpu.memref_slice %arg3[%add3A_23] : memref<320000xi32, #tpu.memory_space<hbm>> -> memref<80xi32, #tpu.memory_space<hbm>>
      %dma_wait3A_51 = tpu.memref_slice %arg3[%add3A_23] : memref<320000xi32, #tpu.memory_space<hbm>> -> memref<80xi32, #tpu.memory_space<hbm>>
      tpu.wait_dma2 semaphore(%run_scoped3A : memref<!tpu.dma_semaphore, #tpu.memory_space<semaphore_mem>>) src(%dma_wait3A_51 : memref<80xi32, #tpu.memory_space<hbm>>) dst(%arg8 : memref<80xi32, #tpu.memory_space<vmem>>)
      tpu.yield
    }) : () -> ()
    "tpu.region"() ({
      %run_scoped3A = tpu.sem_alloc : memref<!tpu.dma_semaphore, #tpu.memory_space<semaphore_mem>>
      %dma_start3A_48 = tpu.memref_slice %arg4[%add3A_23] : memref<320000xi32, #tpu.memory_space<hbm>> -> memref<80xi32, #tpu.memory_space<hbm>>
      %dma_start3A_49 = tpu.memref_slice %arg4[%add3A_23] : memref<320000xi32, #tpu.memory_space<hbm>> -> memref<80xi32, #tpu.memory_space<hbm>>
      tpu.enqueue_dma source(%dma_start3A_49 : memref<80xi32, #tpu.memory_space<hbm>>) target(%arg10 : memref<80xi32, #tpu.memory_space<vmem>>) target_semaphore(%run_scoped3A : memref<!tpu.dma_semaphore, #tpu.memory_space<semaphore_mem>>)
      %dma_wait3A_50 = tpu.memref_slice %arg4[%add3A_23] : memref<320000xi32, #tpu.memory_space<hbm>> -> memref<80xi32, #tpu.memory_space<hbm>>
      %dma_wait3A_51 = tpu.memref_slice %arg4[%add3A_23] : memref<320000xi32, #tpu.memory_space<hbm>> -> memref<80xi32, #tpu.memory_space<hbm>>
      tpu.wait_dma2 semaphore(%run_scoped3A : memref<!tpu.dma_semaphore, #tpu.memory_space<semaphore_mem>>) src(%dma_wait3A_51 : memref<80xi32, #tpu.memory_space<hbm>>) dst(%arg10 : memref<80xi32, #tpu.memory_space<vmem>>)
      tpu.yield
    }) : () -> ()
    "tpu.region"() ({
      %run_scoped3A = tpu.sem_alloc : memref<!tpu.dma_semaphore, #tpu.memory_space<semaphore_mem>>
      %dma_start3A_48 = tpu.memref_slice %arg5[%add3A_23] : memref<320000xf32, #tpu.memory_space<hbm>> -> memref<80xf32, #tpu.memory_space<hbm>>
      %dma_start3A_49 = tpu.memref_slice %arg5[%add3A_23] : memref<320000xf32, #tpu.memory_space<hbm>> -> memref<80xf32, #tpu.memory_space<hbm>>
      tpu.enqueue_dma source(%dma_start3A_49 : memref<80xf32, #tpu.memory_space<hbm>>) target(%arg12 : memref<80xf32, #tpu.memory_space<vmem>>) target_semaphore(%run_scoped3A : memref<!tpu.dma_semaphore, #tpu.memory_space<semaphore_mem>>)
      %dma_wait3A_50 = tpu.memref_slice %arg5[%add3A_23] : memref<320000xf32, #tpu.memory_space<hbm>> -> memref<80xf32, #tpu.memory_space<hbm>>
      %dma_wait3A_51 = tpu.memref_slice %arg5[%add3A_23] : memref<320000xf32, #tpu.memory_space<hbm>> -> memref<80xf32, #tpu.memory_space<hbm>>
      tpu.wait_dma2 semaphore(%run_scoped3A : memref<!tpu.dma_semaphore, #tpu.memory_space<semaphore_mem>>) src(%dma_wait3A_51 : memref<80xf32, #tpu.memory_space<hbm>>) dst(%arg12 : memref<80xf32, #tpu.memory_space<vmem>>)
      tpu.yield
    }) : () -> ()
    %dma_start3A_24 = arith.constant 0 : i32
    %dma_start3A_25 = arith.constant 0 : i32
    %dma_start3A_26 = tpu.memref_slice %arg2[%dma_start3A_24, %dma_start3A_25] : memref<80000x128xf32, #tpu.memory_space<hbm>> -> memref<80000x128xf32, #tpu.memory_space<hbm>>
    tpu.enqueue_indirect_dma source(%dma_start3A_26 : memref<80000x128xf32, #tpu.memory_space<hbm>>) target(%arg14 : memref<80x128xf32, #tpu.memory_space<vmem>>) offsets(%arg10 : memref<80xi32, #tpu.memory_space<vmem>>) semaphore(%arg17 : memref<!tpu.dma_semaphore, #tpu.memory_space<semaphore_mem>>)
    %scan3A_27 = arith.constant 0 : i32
    %scan3A_28 = arith.constant 0 : i32
    %scan3A_29 = arith.constant 62 : i32
    %scan3A_30 = arith.addi %scan3A_28, %scan3A_29 : i32
    %scan3A_31 = arith.constant 1 : i32
    scf.for %scan3A_48 = %scan3A_28 to %scan3A_30 step %scan3A_31  : i32 {
      %mul3A_49 = arith.constant 2 : i32
      %mul3A_50 = arith.muli %scan3A_48, %mul3A_49 : i32
      %add3A_51 = arith.constant 0 : i32
      %add3A_52 = arith.addi %mul3A_50, %add3A_51 : i32
      %dma_wait3A_53 = arith.constant 0 : i32
      %dma_wait3A_54 = arith.constant 0 : i32
      %dma_wait3A_55 = tpu.memref_slice %arg2[%dma_wait3A_53, %dma_wait3A_54] : memref<80000x128xf32, #tpu.memory_space<hbm>> -> memref<80000x128xf32, #tpu.memory_space<hbm>>
      tpu.wait_indirect_dma semaphore(%arg16 : memref<!tpu.dma_semaphore, #tpu.memory_space<semaphore_mem>>) src(%dma_wait3A_55 : memref<80000x128xf32, #tpu.memory_space<hbm>>) dst(%arg13 : memref<80x128xf32, #tpu.memory_space<vmem>>)
      %scan3A_56 = arith.constant 0 : i32
      %scan3A_57 = arith.constant 0 : i32
      %scan3A_58 = arith.constant 80 : i32
      %scan3A_59 = arith.addi %scan3A_57, %scan3A_58 : i32
      %scan3A_60 = arith.constant 1 : i32
      scf.for %scan3A_84 = %scan3A_57 to %scan3A_59 step %scan3A_60  : i32 {
        %broadcast_in_dim3A = vector.broadcast %scan3A_84 : i32 to vector<16xi32>
        %gather3A = tpu.vector_load_idx %arg11[%broadcast_in_dim3A] : memref<80xf32, #tpu.memory_space<vmem>>[vector<16xi32>], vector<16xf32>,
        %get3A = arith.index_cast %scan3A_84 : i32 to index
        %get3A_85 = arith.constant 0 : index
        %get3A_86 = tpu.vector_load %arg13[%get3A, %get3A_85] {strides = array<i32>} : memref<80x128xf32, #tpu.memory_space<vmem>>, vector<16xf32>,
        %mul3A_87 = arith.mulf %get3A_86, %gather3A : vector<16xf32>
        %swap3A = arith.index_cast %scan3A_84 : i32 to index
        %swap3A_88 = arith.constant 0 : index
        %swap3A_89 = tpu.vector_load %arg13[%swap3A, %swap3A_88] {strides = array<i32>} : memref<80x128xf32, #tpu.memory_space<vmem>>, vector<16xf32>,
        tpu.vector_store %arg13[%swap3A, %swap3A_88], %mul3A_87 {strides = array<i32>} : memref<80x128xf32, #tpu.memory_space<vmem>>, vector<16xf32>,
        %get3A_90 = arith.index_cast %scan3A_84 : i32 to index
        %get3A_91 = arith.constant 16 : index
        %get3A_92 = tpu.vector_load %arg13[%get3A_90, %get3A_91] {strides = array<i32>} : memref<80x128xf32, #tpu.memory_space<vmem>>, vector<16xf32>,
        %mul3A_93 = arith.mulf %get3A_92, %gather3A : vector<16xf32>
        %swap3A_94 = arith.index_cast %scan3A_84 : i32 to index
        %swap3A_95 = arith.constant 16 : index
        %swap3A_96 = tpu.vector_load %arg13[%swap3A_94, %swap3A_95] {strides = array<i32>} : memref<80x128xf32, #tpu.memory_space<vmem>>, vector<16xf32>,
        tpu.vector_store %arg13[%swap3A_94, %swap3A_95], %mul3A_93 {strides = array<i32>} : memref<80x128xf32, #tpu.memory_space<vmem>>, vector<16xf32>,
        %get3A_97 = arith.index_cast %scan3A_84 : i32 to index
        %get3A_98 = arith.constant 32 : index
        %get3A_99 = tpu.vector_load %arg13[%get3A_97, %get3A_98] {strides = array<i32>} : memref<80x128xf32, #tpu.memory_space<vmem>>, vector<16xf32>,
        %mul3A_100 = arith.mulf %get3A_99, %gather3A : vector<16xf32>
        %swap3A_101 = arith.index_cast %scan3A_84 : i32 to index
        %swap3A_102 = arith.constant 32 : index
        %swap3A_103 = tpu.vector_load %arg13[%swap3A_101, %swap3A_102] {strides = array<i32>} : memref<80x128xf32, #tpu.memory_space<vmem>>, vector<16xf32>,
        tpu.vector_store %arg13[%swap3A_101, %swap3A_102], %mul3A_100 {strides = array<i32>} : memref<80x128xf32, #tpu.memory_space<vmem>>, vector<16xf32>,
        %get3A_104 = arith.index_cast %scan3A_84 : i32 to index
        %get3A_105 = arith.constant 48 : index
        %get3A_106 = tpu.vector_load %arg13[%get3A_104, %get3A_105] {strides = array<i32>} : memref<80x128xf32, #tpu.memory_space<vmem>>, vector<16xf32>,
        %mul3A_107 = arith.mulf %get3A_106, %gather3A : vector<16xf32>
        %swap3A_108 = arith.index_cast %scan3A_84 : i32 to index
        %swap3A_109 = arith.constant 48 : index
        %swap3A_110 = tpu.vector_load %arg13[%swap3A_108, %swap3A_109] {strides = array<i32>} : memref<80x128xf32, #tpu.memory_space<vmem>>, vector<16xf32>,
        tpu.vector_store %arg13[%swap3A_108, %swap3A_109], %mul3A_107 {strides = array<i32>} : memref<80x128xf32, #tpu.memory_space<vmem>>, vector<16xf32>,
        %get3A_111 = arith.index_cast %scan3A_84 : i32 to index
        %get3A_112 = arith.constant 64 : index
        %get3A_113 = tpu.vector_load %arg13[%get3A_111, %get3A_112] {strides = array<i32>} : memref<80x128xf32, #tpu.memory_space<vmem>>, vector<16xf32>,
        %mul3A_114 = arith.mulf %get3A_113, %gather3A : vector<16xf32>
        %swap3A_115 = arith.index_cast %scan3A_84 : i32 to index
        %swap3A_116 = arith.constant 64 : index
        %swap3A_117 = tpu.vector_load %arg13[%swap3A_115, %swap3A_116] {strides = array<i32>} : memref<80x128xf32, #tpu.memory_space<vmem>>, vector<16xf32>,
        tpu.vector_store %arg13[%swap3A_115, %swap3A_116], %mul3A_114 {strides = array<i32>} : memref<80x128xf32, #tpu.memory_space<vmem>>, vector<16xf32>,
        %get3A_118 = arith.index_cast %scan3A_84 : i32 to index
        %get3A_119 = arith.constant 80 : index
        %get3A_120 = tpu.vector_load %arg13[%get3A_118, %get3A_119] {strides = array<i32>} : memref<80x128xf32, #tpu.memory_space<vmem>>, vector<16xf32>,
        %mul3A_121 = arith.mulf %get3A_120, %gather3A : vector<16xf32>
        %swap3A_122 = arith.index_cast %scan3A_84 : i32 to index
        %swap3A_123 = arith.constant 80 : index
        %swap3A_124 = tpu.vector_load %arg13[%swap3A_122, %swap3A_123] {strides = array<i32>} : memref<80x128xf32, #tpu.memory_space<vmem>>, vector<16xf32>,
        tpu.vector_store %arg13[%swap3A_122, %swap3A_123], %mul3A_121 {strides = array<i32>} : memref<80x128xf32, #tpu.memory_space<vmem>>, vector<16xf32>,
        %get3A_125 = arith.index_cast %scan3A_84 : i32 to index
        %get3A_126 = arith.constant 96 : index
        %get3A_127 = tpu.vector_load %arg13[%get3A_125, %get3A_126] {strides = array<i32>} : memref<80x128xf32, #tpu.memory_space<vmem>>, vector<16xf32>,
        %mul3A_128 = arith.mulf %get3A_127, %gather3A : vector<16xf32>
        %swap3A_129 = arith.index_cast %scan3A_84 : i32 to index
        %swap3A_130 = arith.constant 96 : index
        %swap3A_131 = tpu.vector_load %arg13[%swap3A_129, %swap3A_130] {strides = array<i32>} : memref<80x128xf32, #tpu.memory_space<vmem>>, vector<16xf32>,
        tpu.vector_store %arg13[%swap3A_129, %swap3A_130], %mul3A_128 {strides = array<i32>} : memref<80x128xf32, #tpu.memory_space<vmem>>, vector<16xf32>,
        %get3A_132 = arith.index_cast %scan3A_84 : i32 to index
        %get3A_133 = arith.constant 112 : index
        %get3A_134 = tpu.vector_load %arg13[%get3A_132, %get3A_133] {strides = array<i32>} : memref<80x128xf32, #tpu.memory_space<vmem>>, vector<16xf32>,
        %mul3A_135 = arith.mulf %get3A_134, %gather3A : vector<16xf32>
        %swap3A_136 = arith.index_cast %scan3A_84 : i32 to index
        %swap3A_137 = arith.constant 112 : index
        %swap3A_138 = tpu.vector_load %arg13[%swap3A_136, %swap3A_137] {strides = array<i32>} : memref<80x128xf32, #tpu.memory_space<vmem>>, vector<16xf32>,
        tpu.vector_store %arg13[%swap3A_136, %swap3A_137], %mul3A_135 {strides = array<i32>} : memref<80x128xf32, #tpu.memory_space<vmem>>, vector<16xf32>,
      }
      %scan3A_61 = arith.constant 80 : i32
      "tpu.region"() ({
        %run_scoped3A = tpu.sem_alloc : memref<!tpu.dma_semaphore, #tpu.memory_space<semaphore_mem>>
        %dma_start3A_84 = arith.constant 0 : i32
        %dma_start3A_85 = arith.constant 0 : i32
        %dma_start3A_86 = tpu.memref_slice %arg18[%dma_start3A_84, %dma_start3A_85] : memref<10000x128xf32, #tpu.memory_space<vmem_shared>> -> memref<10000x128xf32, #tpu.memory_space<vmem_shared>>
        tpu.enqueue_indirect_dma source(%arg13 : memref<80x128xf32, #tpu.memory_space<vmem>>) target(%dma_start3A_86 : memref<10000x128xf32, #tpu.memory_space<vmem_shared>>) offsets(%arg7 : memref<80xi32, #tpu.memory_space<vmem>>) semaphore(%run_scoped3A : memref<!tpu.dma_semaphore, #tpu.memory_space<semaphore_mem>>) {add = true}
        %dma_wait3A_87 = arith.constant 0 : i32
        %dma_wait3A_88 = arith.constant 0 : i32
        %dma_wait3A_89 = tpu.memref_slice %arg18[%dma_wait3A_87, %dma_wait3A_88] : memref<10000x128xf32, #tpu.memory_space<vmem_shared>> -> memref<10000x128xf32, #tpu.memory_space<vmem_shared>>
        tpu.wait_indirect_dma semaphore(%run_scoped3A : memref<!tpu.dma_semaphore, #tpu.memory_space<semaphore_mem>>) src(%arg13 : memref<80x128xf32, #tpu.memory_space<vmem>>) dst(%dma_wait3A_89 : memref<10000x128xf32, #tpu.memory_space<vmem_shared>>)
        tpu.yield
      }) : () -> ()
      %add3A_62 = arith.constant 2 : i32
      %add3A_63 = arith.addi %add3A_52, %add3A_62 : i32
      %lt3A = arith.constant 125 : i32
      %lt3A_64 = arith.cmpi slt, %add3A_63, %lt3A : i32
      %convert_element_type3A = arith.extui %lt3A_64 : i1 to i32
      %cond3A = arith.constant 0 : i32
      %cond3A_65 = arith.cmpi ne, %convert_element_type3A, %cond3A : i32
      scf.if %cond3A_65 {
        %add3A_84 = arith.constant 2 : i32
        %add3A_85 = arith.addi %add3A_52, %add3A_84 : i32
        %mul3A_86 = arith.constant 80 : i32
        %mul3A_87 = arith.muli %add3A_85, %mul3A_86 : i32
        %add3A_88 = arith.addi %mul3A_2, %mul3A_87 : i32
        "tpu.region"() ({
          %run_scoped3A = tpu.sem_alloc : memref<!tpu.dma_semaphore, #tpu.memory_space<semaphore_mem>>
          %dma_start3A_92 = tpu.memref_slice %arg3[%add3A_88] : memref<320000xi32, #tpu.memory_space<hbm>> -> memref<80xi32, #tpu.memory_space<hbm>>
          %dma_start3A_93 = tpu.memref_slice %arg3[%add3A_88] : memref<320000xi32, #tpu.memory_space<hbm>> -> memref<80xi32, #tpu.memory_space<hbm>>
          tpu.enqueue_dma source(%dma_start3A_93 : memref<80xi32, #tpu.memory_space<hbm>>) target(%arg7 : memref<80xi32, #tpu.memory_space<vmem>>) target_semaphore(%run_scoped3A : memref<!tpu.dma_semaphore, #tpu.memory_space<semaphore_mem>>)
          %dma_wait3A_94 = tpu.memref_slice %arg3[%add3A_88] : memref<320000xi32, #tpu.memory_space<hbm>> -> memref<80xi32, #tpu.memory_space<hbm>>
          %dma_wait3A_95 = tpu.memref_slice %arg3[%add3A_88] : memref<320000xi32, #tpu.memory_space<hbm>> -> memref<80xi32, #tpu.memory_space<hbm>>
          tpu.wait_dma2 semaphore(%run_scoped3A : memref<!tpu.dma_semaphore, #tpu.memory_space<semaphore_mem>>) src(%dma_wait3A_95 : memref<80xi32, #tpu.memory_space<hbm>>) dst(%arg7 : memref<80xi32, #tpu.memory_space<vmem>>)
          tpu.yield
        }) : () -> ()
        "tpu.region"() ({
          %run_scoped3A = tpu.sem_alloc : memref<!tpu.dma_semaphore, #tpu.memory_space<semaphore_mem>>
          %dma_start3A_92 = tpu.memref_slice %arg4[%add3A_88] : memref<320000xi32, #tpu.memory_space<hbm>> -> memref<80xi32, #tpu.memory_space<hbm>>
          %dma_start3A_93 = tpu.memref_slice %arg4[%add3A_88] : memref<320000xi32, #tpu.memory_space<hbm>> -> memref<80xi32, #tpu.memory_space<hbm>>
          tpu.enqueue_dma source(%dma_start3A_93 : memref<80xi32, #tpu.memory_space<hbm>>) target(%arg9 : memref<80xi32, #tpu.memory_space<vmem>>) target_semaphore(%run_scoped3A : memref<!tpu.dma_semaphore, #tpu.memory_space<semaphore_mem>>)
          %dma_wait3A_94 = tpu.memref_slice %arg4[%add3A_88] : memref<320000xi32, #tpu.memory_space<hbm>> -> memref<80xi32, #tpu.memory_space<hbm>>
          %dma_wait3A_95 = tpu.memref_slice %arg4[%add3A_88] : memref<320000xi32, #tpu.memory_space<hbm>> -> memref<80xi32, #tpu.memory_space<hbm>>
          tpu.wait_dma2 semaphore(%run_scoped3A : memref<!tpu.dma_semaphore, #tpu.memory_space<semaphore_mem>>) src(%dma_wait3A_95 : memref<80xi32, #tpu.memory_space<hbm>>) dst(%arg9 : memref<80xi32, #tpu.memory_space<vmem>>)
          tpu.yield
        }) : () -> ()
        "tpu.region"() ({
          %run_scoped3A = tpu.sem_alloc : memref<!tpu.dma_semaphore, #tpu.memory_space<semaphore_mem>>
          %dma_start3A_92 = tpu.memref_slice %arg5[%add3A_88] : memref<320000xf32, #tpu.memory_space<hbm>> -> memref<80xf32, #tpu.memory_space<hbm>>
          %dma_start3A_93 = tpu.memref_slice %arg5[%add3A_88] : memref<320000xf32, #tpu.memory_space<hbm>> -> memref<80xf32, #tpu.memory_space<hbm>>
          tpu.enqueue_dma source(%dma_start3A_93 : memref<80xf32, #tpu.memory_space<hbm>>) target(%arg11 : memref<80xf32, #tpu.memory_space<vmem>>) target_semaphore(%run_scoped3A : memref<!tpu.dma_semaphore, #tpu.memory_space<semaphore_mem>>)
          %dma_wait3A_94 = tpu.memref_slice %arg5[%add3A_88] : memref<320000xf32, #tpu.memory_space<hbm>> -> memref<80xf32, #tpu.memory_space<hbm>>
          %dma_wait3A_95 = tpu.memref_slice %arg5[%add3A_88] : memref<320000xf32, #tpu.memory_space<hbm>> -> memref<80xf32, #tpu.memory_space<hbm>>
          tpu.wait_dma2 semaphore(%run_scoped3A : memref<!tpu.dma_semaphore, #tpu.memory_space<semaphore_mem>>) src(%dma_wait3A_95 : memref<80xf32, #tpu.memory_space<hbm>>) dst(%arg11 : memref<80xf32, #tpu.memory_space<vmem>>)
          tpu.yield
        }) : () -> ()
        %dma_start3A_89 = arith.constant 0 : i32
        %dma_start3A_90 = arith.constant 0 : i32
        %dma_start3A_91 = tpu.memref_slice %arg2[%dma_start3A_89, %dma_start3A_90] : memref<80000x128xf32, #tpu.memory_space<hbm>> -> memref<80000x128xf32, #tpu.memory_space<hbm>>
        tpu.enqueue_indirect_dma source(%dma_start3A_91 : memref<80000x128xf32, #tpu.memory_space<hbm>>) target(%arg13 : memref<80x128xf32, #tpu.memory_space<vmem>>) offsets(%arg9 : memref<80xi32, #tpu.memory_space<vmem>>) semaphore(%arg16 : memref<!tpu.dma_semaphore, #tpu.memory_space<semaphore_mem>>)
      } else {
      }
      %add3A_66 = arith.constant 1 : i32
      %add3A_67 = arith.addi %mul3A_50, %add3A_66 : i32
      %dma_wait3A_68 = arith.constant 0 : i32
      %dma_wait3A_69 = arith.constant 0 : i32
      %dma_wait3A_70 = tpu.memref_slice %arg2[%dma_wait3A_68, %dma_wait3A_69] : memref<80000x128xf32, #tpu.memory_space<hbm>> -> memref<80000x128xf32, #tpu.memory_space<hbm>>
      tpu.wait_indirect_dma semaphore(%arg17 : memref<!tpu.dma_semaphore, #tpu.memory_space<semaphore_mem>>) src(%dma_wait3A_70 : memref<80000x128xf32, #tpu.memory_space<hbm>>) dst(%arg14 : memref<80x128xf32, #tpu.memory_space<vmem>>)
      %scan3A_71 = arith.constant 0 : i32
      %scan3A_72 = arith.constant 0 : i32
      %scan3A_73 = arith.constant 80 : i32
      %scan3A_74 = arith.addi %scan3A_72, %scan3A_73 : i32
      %scan3A_75 = arith.constant 1 : i32
      scf.for %scan3A_84 = %scan3A_72 to %scan3A_74 step %scan3A_75  : i32 {
        %broadcast_in_dim3A = vector.broadcast %scan3A_84 : i32 to vector<16xi32>
        %gather3A = tpu.vector_load_idx %arg12[%broadcast_in_dim3A] : memref<80xf32, #tpu.memory_space<vmem>>[vector<16xi32>], vector<16xf32>,
        %get3A = arith.index_cast %scan3A_84 : i32 to index
        %get3A_85 = arith.constant 0 : index
        %get3A_86 = tpu.vector_load %arg14[%get3A, %get3A_85] {strides = array<i32>} : memref<80x128xf32, #tpu.memory_space<vmem>>, vector<16xf32>,
        %mul3A_87 = arith.mulf %get3A_86, %gather3A : vector<16xf32>
        %swap3A = arith.index_cast %scan3A_84 : i32 to index
        %swap3A_88 = arith.constant 0 : index
        %swap3A_89 = tpu.vector_load %arg14[%swap3A, %swap3A_88] {strides = array<i32>} : memref<80x128xf32, #tpu.memory_space<vmem>>, vector<16xf32>,
        tpu.vector_store %arg14[%swap3A, %swap3A_88], %mul3A_87 {strides = array<i32>} : memref<80x128xf32, #tpu.memory_space<vmem>>, vector<16xf32>,
        %get3A_90 = arith.index_cast %scan3A_84 : i32 to index
        %get3A_91 = arith.constant 16 : index
        %get3A_92 = tpu.vector_load %arg14[%get3A_90, %get3A_91] {strides = array<i32>} : memref<80x128xf32, #tpu.memory_space<vmem>>, vector<16xf32>,
        %mul3A_93 = arith.mulf %get3A_92, %gather3A : vector<16xf32>
        %swap3A_94 = arith.index_cast %scan3A_84 : i32 to index
        %swap3A_95 = arith.constant 16 : index
        %swap3A_96 = tpu.vector_load %arg14[%swap3A_94, %swap3A_95] {strides = array<i32>} : memref<80x128xf32, #tpu.memory_space<vmem>>, vector<16xf32>,
        tpu.vector_store %arg14[%swap3A_94, %swap3A_95], %mul3A_93 {strides = array<i32>} : memref<80x128xf32, #tpu.memory_space<vmem>>, vector<16xf32>,
        %get3A_97 = arith.index_cast %scan3A_84 : i32 to index
        %get3A_98 = arith.constant 32 : index
        %get3A_99 = tpu.vector_load %arg14[%get3A_97, %get3A_98] {strides = array<i32>} : memref<80x128xf32, #tpu.memory_space<vmem>>, vector<16xf32>,
        %mul3A_100 = arith.mulf %get3A_99, %gather3A : vector<16xf32>
        %swap3A_101 = arith.index_cast %scan3A_84 : i32 to index
        %swap3A_102 = arith.constant 32 : index
        %swap3A_103 = tpu.vector_load %arg14[%swap3A_101, %swap3A_102] {strides = array<i32>} : memref<80x128xf32, #tpu.memory_space<vmem>>, vector<16xf32>,
        tpu.vector_store %arg14[%swap3A_101, %swap3A_102], %mul3A_100 {strides = array<i32>} : memref<80x128xf32, #tpu.memory_space<vmem>>, vector<16xf32>,
        %get3A_104 = arith.index_cast %scan3A_84 : i32 to index
        %get3A_105 = arith.constant 48 : index
        %get3A_106 = tpu.vector_load %arg14[%get3A_104, %get3A_105] {strides = array<i32>} : memref<80x128xf32, #tpu.memory_space<vmem>>, vector<16xf32>,
        %mul3A_107 = arith.mulf %get3A_106, %gather3A : vector<16xf32>
        %swap3A_108 = arith.index_cast %scan3A_84 : i32 to index
        %swap3A_109 = arith.constant 48 : index
        %swap3A_110 = tpu.vector_load %arg14[%swap3A_108, %swap3A_109] {strides = array<i32>} : memref<80x128xf32, #tpu.memory_space<vmem>>, vector<16xf32>,
        tpu.vector_store %arg14[%swap3A_108, %swap3A_109], %mul3A_107 {strides = array<i32>} : memref<80x128xf32, #tpu.memory_space<vmem>>, vector<16xf32>,
        %get3A_111 = arith.index_cast %scan3A_84 : i32 to index
        %get3A_112 = arith.constant 64 : index
        %get3A_113 = tpu.vector_load %arg14[%get3A_111, %get3A_112] {strides = array<i32>} : memref<80x128xf32, #tpu.memory_space<vmem>>, vector<16xf32>,
        %mul3A_114 = arith.mulf %get3A_113, %gather3A : vector<16xf32>
        %swap3A_115 = arith.index_cast %scan3A_84 : i32 to index
        %swap3A_116 = arith.constant 64 : index
        %swap3A_117 = tpu.vector_load %arg14[%swap3A_115, %swap3A_116] {strides = array<i32>} : memref<80x128xf32, #tpu.memory_space<vmem>>, vector<16xf32>,
        tpu.vector_store %arg14[%swap3A_115, %swap3A_116], %mul3A_114 {strides = array<i32>} : memref<80x128xf32, #tpu.memory_space<vmem>>, vector<16xf32>,
        %get3A_118 = arith.index_cast %scan3A_84 : i32 to index
        %get3A_119 = arith.constant 80 : index
        %get3A_120 = tpu.vector_load %arg14[%get3A_118, %get3A_119] {strides = array<i32>} : memref<80x128xf32, #tpu.memory_space<vmem>>, vector<16xf32>,
        %mul3A_121 = arith.mulf %get3A_120, %gather3A : vector<16xf32>
        %swap3A_122 = arith.index_cast %scan3A_84 : i32 to index
        %swap3A_123 = arith.constant 80 : index
        %swap3A_124 = tpu.vector_load %arg14[%swap3A_122, %swap3A_123] {strides = array<i32>} : memref<80x128xf32, #tpu.memory_space<vmem>>, vector<16xf32>,
        tpu.vector_store %arg14[%swap3A_122, %swap3A_123], %mul3A_121 {strides = array<i32>} : memref<80x128xf32, #tpu.memory_space<vmem>>, vector<16xf32>,
        %get3A_125 = arith.index_cast %scan3A_84 : i32 to index
        %get3A_126 = arith.constant 96 : index
        %get3A_127 = tpu.vector_load %arg14[%get3A_125, %get3A_126] {strides = array<i32>} : memref<80x128xf32, #tpu.memory_space<vmem>>, vector<16xf32>,
        %mul3A_128 = arith.mulf %get3A_127, %gather3A : vector<16xf32>
        %swap3A_129 = arith.index_cast %scan3A_84 : i32 to index
        %swap3A_130 = arith.constant 96 : index
        %swap3A_131 = tpu.vector_load %arg14[%swap3A_129, %swap3A_130] {strides = array<i32>} : memref<80x128xf32, #tpu.memory_space<vmem>>, vector<16xf32>,
        tpu.vector_store %arg14[%swap3A_129, %swap3A_130], %mul3A_128 {strides = array<i32>} : memref<80x128xf32, #tpu.memory_space<vmem>>, vector<16xf32>,
        %get3A_132 = arith.index_cast %scan3A_84 : i32 to index
        %get3A_133 = arith.constant 112 : index
        %get3A_134 = tpu.vector_load %arg14[%get3A_132, %get3A_133] {strides = array<i32>} : memref<80x128xf32, #tpu.memory_space<vmem>>, vector<16xf32>,
        %mul3A_135 = arith.mulf %get3A_134, %gather3A : vector<16xf32>
        %swap3A_136 = arith.index_cast %scan3A_84 : i32 to index
        %swap3A_137 = arith.constant 112 : index
        %swap3A_138 = tpu.vector_load %arg14[%swap3A_136, %swap3A_137] {strides = array<i32>} : memref<80x128xf32, #tpu.memory_space<vmem>>, vector<16xf32>,
        tpu.vector_store %arg14[%swap3A_136, %swap3A_137], %mul3A_135 {strides = array<i32>} : memref<80x128xf32, #tpu.memory_space<vmem>>, vector<16xf32>,
      }
      %scan3A_76 = arith.constant 80 : i32
      "tpu.region"() ({
        %run_scoped3A = tpu.sem_alloc : memref<!tpu.dma_semaphore, #tpu.memory_space<semaphore_mem>>
        %dma_start3A_84 = arith.constant 0 : i32
        %dma_start3A_85 = arith.constant 0 : i32
        %dma_start3A_86 = tpu.memref_slice %arg18[%dma_start3A_84, %dma_start3A_85] : memref<10000x128xf32, #tpu.memory_space<vmem_shared>> -> memref<10000x128xf32, #tpu.memory_space<vmem_shared>>
        tpu.enqueue_indirect_dma source(%arg14 : memref<80x128xf32, #tpu.memory_space<vmem>>) target(%dma_start3A_86 : memref<10000x128xf32, #tpu.memory_space<vmem_shared>>) offsets(%arg8 : memref<80xi32, #tpu.memory_space<vmem>>) semaphore(%run_scoped3A : memref<!tpu.dma_semaphore, #tpu.memory_space<semaphore_mem>>) {add = true}
        %dma_wait3A_87 = arith.constant 0 : i32
        %dma_wait3A_88 = arith.constant 0 : i32
        %dma_wait3A_89 = tpu.memref_slice %arg18[%dma_wait3A_87, %dma_wait3A_88] : memref<10000x128xf32, #tpu.memory_space<vmem_shared>> -> memref<10000x128xf32, #tpu.memory_space<vmem_shared>>
        tpu.wait_indirect_dma semaphore(%run_scoped3A : memref<!tpu.dma_semaphore, #tpu.memory_space<semaphore_mem>>) src(%arg14 : memref<80x128xf32, #tpu.memory_space<vmem>>) dst(%dma_wait3A_89 : memref<10000x128xf32, #tpu.memory_space<vmem_shared>>)
        tpu.yield
      }) : () -> ()
      %add3A_77 = arith.constant 2 : i32
      %add3A_78 = arith.addi %add3A_67, %add3A_77 : i32
      %lt3A_79 = arith.constant 125 : i32
      %lt3A_80 = arith.cmpi slt, %add3A_78, %lt3A_79 : i32
      %convert_element_type3A_81 = arith.extui %lt3A_80 : i1 to i32
      %cond3A_82 = arith.constant 0 : i32
      %cond3A_83 = arith.cmpi ne, %convert_element_type3A_81, %cond3A_82 : i32
      scf.if %cond3A_83 {
        %add3A_84 = arith.constant 2 : i32
        %add3A_85 = arith.addi %add3A_67, %add3A_84 : i32
        %mul3A_86 = arith.constant 80 : i32
        %mul3A_87 = arith.muli %add3A_85, %mul3A_86 : i32
        %add3A_88 = arith.addi %mul3A_2, %mul3A_87 : i32
        "tpu.region"() ({
          %run_scoped3A = tpu.sem_alloc : memref<!tpu.dma_semaphore, #tpu.memory_space<semaphore_mem>>
          %dma_start3A_92 = tpu.memref_slice %arg3[%add3A_88] : memref<320000xi32, #tpu.memory_space<hbm>> -> memref<80xi32, #tpu.memory_space<hbm>>
          %dma_start3A_93 = tpu.memref_slice %arg3[%add3A_88] : memref<320000xi32, #tpu.memory_space<hbm>> -> memref<80xi32, #tpu.memory_space<hbm>>
          tpu.enqueue_dma source(%dma_start3A_93 : memref<80xi32, #tpu.memory_space<hbm>>) target(%arg8 : memref<80xi32, #tpu.memory_space<vmem>>) target_semaphore(%run_scoped3A : memref<!tpu.dma_semaphore, #tpu.memory_space<semaphore_mem>>)
          %dma_wait3A_94 = tpu.memref_slice %arg3[%add3A_88] : memref<320000xi32, #tpu.memory_space<hbm>> -> memref<80xi32, #tpu.memory_space<hbm>>
          %dma_wait3A_95 = tpu.memref_slice %arg3[%add3A_88] : memref<320000xi32, #tpu.memory_space<hbm>> -> memref<80xi32, #tpu.memory_space<hbm>>
          tpu.wait_dma2 semaphore(%run_scoped3A : memref<!tpu.dma_semaphore, #tpu.memory_space<semaphore_mem>>) src(%dma_wait3A_95 : memref<80xi32, #tpu.memory_space<hbm>>) dst(%arg8 : memref<80xi32, #tpu.memory_space<vmem>>)
          tpu.yield
        }) : () -> ()
        "tpu.region"() ({
          %run_scoped3A = tpu.sem_alloc : memref<!tpu.dma_semaphore, #tpu.memory_space<semaphore_mem>>
          %dma_start3A_92 = tpu.memref_slice %arg4[%add3A_88] : memref<320000xi32, #tpu.memory_space<hbm>> -> memref<80xi32, #tpu.memory_space<hbm>>
          %dma_start3A_93 = tpu.memref_slice %arg4[%add3A_88] : memref<320000xi32, #tpu.memory_space<hbm>> -> memref<80xi32, #tpu.memory_space<hbm>>
          tpu.enqueue_dma source(%dma_start3A_93 : memref<80xi32, #tpu.memory_space<hbm>>) target(%arg10 : memref<80xi32, #tpu.memory_space<vmem>>) target_semaphore(%run_scoped3A : memref<!tpu.dma_semaphore, #tpu.memory_space<semaphore_mem>>)
          %dma_wait3A_94 = tpu.memref_slice %arg4[%add3A_88] : memref<320000xi32, #tpu.memory_space<hbm>> -> memref<80xi32, #tpu.memory_space<hbm>>
          %dma_wait3A_95 = tpu.memref_slice %arg4[%add3A_88] : memref<320000xi32, #tpu.memory_space<hbm>> -> memref<80xi32, #tpu.memory_space<hbm>>
          tpu.wait_dma2 semaphore(%run_scoped3A : memref<!tpu.dma_semaphore, #tpu.memory_space<semaphore_mem>>) src(%dma_wait3A_95 : memref<80xi32, #tpu.memory_space<hbm>>) dst(%arg10 : memref<80xi32, #tpu.memory_space<vmem>>)
          tpu.yield
        }) : () -> ()
        "tpu.region"() ({
          %run_scoped3A = tpu.sem_alloc : memref<!tpu.dma_semaphore, #tpu.memory_space<semaphore_mem>>
          %dma_start3A_92 = tpu.memref_slice %arg5[%add3A_88] : memref<320000xf32, #tpu.memory_space<hbm>> -> memref<80xf32, #tpu.memory_space<hbm>>
          %dma_start3A_93 = tpu.memref_slice %arg5[%add3A_88] : memref<320000xf32, #tpu.memory_space<hbm>> -> memref<80xf32, #tpu.memory_space<hbm>>
          tpu.enqueue_dma source(%dma_start3A_93 : memref<80xf32, #tpu.memory_space<hbm>>) target(%arg12 : memref<80xf32, #tpu.memory_space<vmem>>) target_semaphore(%run_scoped3A : memref<!tpu.dma_semaphore, #tpu.memory_space<semaphore_mem>>)
          %dma_wait3A_94 = tpu.memref_slice %arg5[%add3A_88] : memref<320000xf32, #tpu.memory_space<hbm>> -> memref<80xf32, #tpu.memory_space<hbm>>
          %dma_wait3A_95 = tpu.memref_slice %arg5[%add3A_88] : memref<320000xf32, #tpu.memory_space<hbm>> -> memref<80xf32, #tpu.memory_space<hbm>>
          tpu.wait_dma2 semaphore(%run_scoped3A : memref<!tpu.dma_semaphore, #tpu.memory_space<semaphore_mem>>) src(%dma_wait3A_95 : memref<80xf32, #tpu.memory_space<hbm>>) dst(%arg12 : memref<80xf32, #tpu.memory_space<vmem>>)
          tpu.yield
        }) : () -> ()
        %dma_start3A_89 = arith.constant 0 : i32
        %dma_start3A_90 = arith.constant 0 : i32
        %dma_start3A_91 = tpu.memref_slice %arg2[%dma_start3A_89, %dma_start3A_90] : memref<80000x128xf32, #tpu.memory_space<hbm>> -> memref<80000x128xf32, #tpu.memory_space<hbm>>
        tpu.enqueue_indirect_dma source(%dma_start3A_91 : memref<80000x128xf32, #tpu.memory_space<hbm>>) target(%arg14 : memref<80x128xf32, #tpu.memory_space<vmem>>) offsets(%arg10 : memref<80xi32, #tpu.memory_space<vmem>>) semaphore(%arg17 : memref<!tpu.dma_semaphore, #tpu.memory_space<semaphore_mem>>)
      } else {
      }
    }
    %scan3A_32 = arith.constant 62 : i32
    %dma_wait3A = arith.constant 0 : i32
    %dma_wait3A_33 = arith.constant 0 : i32
    %dma_wait3A_34 = tpu.memref_slice %arg2[%dma_wait3A, %dma_wait3A_33] : memref<80000x128xf32, #tpu.memory_space<hbm>> -> memref<80000x128xf32, #tpu.memory_space<hbm>>
    tpu.wait_indirect_dma semaphore(%arg16 : memref<!tpu.dma_semaphore, #tpu.memory_space<semaphore_mem>>) src(%dma_wait3A_34 : memref<80000x128xf32, #tpu.memory_space<hbm>>) dst(%arg13 : memref<80x128xf32, #tpu.memory_space<vmem>>)
    %scan3A_35 = arith.constant 0 : i32
    %scan3A_36 = arith.constant 0 : i32
    %scan3A_37 = arith.constant 80 : i32
    %scan3A_38 = arith.addi %scan3A_36, %scan3A_37 : i32
    %scan3A_39 = arith.constant 1 : i32
    scf.for %scan3A_48 = %scan3A_36 to %scan3A_38 step %scan3A_39  : i32 {
      %broadcast_in_dim3A = vector.broadcast %scan3A_48 : i32 to vector<16xi32>
      %gather3A = tpu.vector_load_idx %arg11[%broadcast_in_dim3A] : memref<80xf32, #tpu.memory_space<vmem>>[vector<16xi32>], vector<16xf32>,
      %get3A = arith.index_cast %scan3A_48 : i32 to index
      %get3A_49 = arith.constant 0 : index
      %get3A_50 = tpu.vector_load %arg13[%get3A, %get3A_49] {strides = array<i32>} : memref<80x128xf32, #tpu.memory_space<vmem>>, vector<16xf32>,
      %mul3A_51 = arith.mulf %get3A_50, %gather3A : vector<16xf32>
      %swap3A = arith.index_cast %scan3A_48 : i32 to index
      %swap3A_52 = arith.constant 0 : index
      %swap3A_53 = tpu.vector_load %arg13[%swap3A, %swap3A_52] {strides = array<i32>} : memref<80x128xf32, #tpu.memory_space<vmem>>, vector<16xf32>,
      tpu.vector_store %arg13[%swap3A, %swap3A_52], %mul3A_51 {strides = array<i32>} : memref<80x128xf32, #tpu.memory_space<vmem>>, vector<16xf32>,
      %get3A_54 = arith.index_cast %scan3A_48 : i32 to index
      %get3A_55 = arith.constant 16 : index
      %get3A_56 = tpu.vector_load %arg13[%get3A_54, %get3A_55] {strides = array<i32>} : memref<80x128xf32, #tpu.memory_space<vmem>>, vector<16xf32>,
      %mul3A_57 = arith.mulf %get3A_56, %gather3A : vector<16xf32>
      %swap3A_58 = arith.index_cast %scan3A_48 : i32 to index
      %swap3A_59 = arith.constant 16 : index
      %swap3A_60 = tpu.vector_load %arg13[%swap3A_58, %swap3A_59] {strides = array<i32>} : memref<80x128xf32, #tpu.memory_space<vmem>>, vector<16xf32>,
      tpu.vector_store %arg13[%swap3A_58, %swap3A_59], %mul3A_57 {strides = array<i32>} : memref<80x128xf32, #tpu.memory_space<vmem>>, vector<16xf32>,
      %get3A_61 = arith.index_cast %scan3A_48 : i32 to index
      %get3A_62 = arith.constant 32 : index
      %get3A_63 = tpu.vector_load %arg13[%get3A_61, %get3A_62] {strides = array<i32>} : memref<80x128xf32, #tpu.memory_space<vmem>>, vector<16xf32>,
      %mul3A_64 = arith.mulf %get3A_63, %gather3A : vector<16xf32>
      %swap3A_65 = arith.index_cast %scan3A_48 : i32 to index
      %swap3A_66 = arith.constant 32 : index
      %swap3A_67 = tpu.vector_load %arg13[%swap3A_65, %swap3A_66] {strides = array<i32>} : memref<80x128xf32, #tpu.memory_space<vmem>>, vector<16xf32>,
      tpu.vector_store %arg13[%swap3A_65, %swap3A_66], %mul3A_64 {strides = array<i32>} : memref<80x128xf32, #tpu.memory_space<vmem>>, vector<16xf32>,
      %get3A_68 = arith.index_cast %scan3A_48 : i32 to index
      %get3A_69 = arith.constant 48 : index
      %get3A_70 = tpu.vector_load %arg13[%get3A_68, %get3A_69] {strides = array<i32>} : memref<80x128xf32, #tpu.memory_space<vmem>>, vector<16xf32>,
      %mul3A_71 = arith.mulf %get3A_70, %gather3A : vector<16xf32>
      %swap3A_72 = arith.index_cast %scan3A_48 : i32 to index
      %swap3A_73 = arith.constant 48 : index
      %swap3A_74 = tpu.vector_load %arg13[%swap3A_72, %swap3A_73] {strides = array<i32>} : memref<80x128xf32, #tpu.memory_space<vmem>>, vector<16xf32>,
      tpu.vector_store %arg13[%swap3A_72, %swap3A_73], %mul3A_71 {strides = array<i32>} : memref<80x128xf32, #tpu.memory_space<vmem>>, vector<16xf32>,
      %get3A_75 = arith.index_cast %scan3A_48 : i32 to index
      %get3A_76 = arith.constant 64 : index
      %get3A_77 = tpu.vector_load %arg13[%get3A_75, %get3A_76] {strides = array<i32>} : memref<80x128xf32, #tpu.memory_space<vmem>>, vector<16xf32>,
      %mul3A_78 = arith.mulf %get3A_77, %gather3A : vector<16xf32>
      %swap3A_79 = arith.index_cast %scan3A_48 : i32 to index
      %swap3A_80 = arith.constant 64 : index
      %swap3A_81 = tpu.vector_load %arg13[%swap3A_79, %swap3A_80] {strides = array<i32>} : memref<80x128xf32, #tpu.memory_space<vmem>>, vector<16xf32>,
      tpu.vector_store %arg13[%swap3A_79, %swap3A_80], %mul3A_78 {strides = array<i32>} : memref<80x128xf32, #tpu.memory_space<vmem>>, vector<16xf32>,
      %get3A_82 = arith.index_cast %scan3A_48 : i32 to index
      %get3A_83 = arith.constant 80 : index
      %get3A_84 = tpu.vector_load %arg13[%get3A_82, %get3A_83] {strides = array<i32>} : memref<80x128xf32, #tpu.memory_space<vmem>>, vector<16xf32>,
      %mul3A_85 = arith.mulf %get3A_84, %gather3A : vector<16xf32>
      %swap3A_86 = arith.index_cast %scan3A_48 : i32 to index
      %swap3A_87 = arith.constant 80 : index
      %swap3A_88 = tpu.vector_load %arg13[%swap3A_86, %swap3A_87] {strides = array<i32>} : memref<80x128xf32, #tpu.memory_space<vmem>>, vector<16xf32>,
      tpu.vector_store %arg13[%swap3A_86, %swap3A_87], %mul3A_85 {strides = array<i32>} : memref<80x128xf32, #tpu.memory_space<vmem>>, vector<16xf32>,
      %get3A_89 = arith.index_cast %scan3A_48 : i32 to index
      %get3A_90 = arith.constant 96 : index
      %get3A_91 = tpu.vector_load %arg13[%get3A_89, %get3A_90] {strides = array<i32>} : memref<80x128xf32, #tpu.memory_space<vmem>>, vector<16xf32>,
      %mul3A_92 = arith.mulf %get3A_91, %gather3A : vector<16xf32>
      %swap3A_93 = arith.index_cast %scan3A_48 : i32 to index
      %swap3A_94 = arith.constant 96 : index
      %swap3A_95 = tpu.vector_load %arg13[%swap3A_93, %swap3A_94] {strides = array<i32>} : memref<80x128xf32, #tpu.memory_space<vmem>>, vector<16xf32>,
      tpu.vector_store %arg13[%swap3A_93, %swap3A_94], %mul3A_92 {strides = array<i32>} : memref<80x128xf32, #tpu.memory_space<vmem>>, vector<16xf32>,
      %get3A_96 = arith.index_cast %scan3A_48 : i32 to index
      %get3A_97 = arith.constant 112 : index
      %get3A_98 = tpu.vector_load %arg13[%get3A_96, %get3A_97] {strides = array<i32>} : memref<80x128xf32, #tpu.memory_space<vmem>>, vector<16xf32>,
      %mul3A_99 = arith.mulf %get3A_98, %gather3A : vector<16xf32>
      %swap3A_100 = arith.index_cast %scan3A_48 : i32 to index
      %swap3A_101 = arith.constant 112 : index
      %swap3A_102 = tpu.vector_load %arg13[%swap3A_100, %swap3A_101] {strides = array<i32>} : memref<80x128xf32, #tpu.memory_space<vmem>>, vector<16xf32>,
      tpu.vector_store %arg13[%swap3A_100, %swap3A_101], %mul3A_99 {strides = array<i32>} : memref<80x128xf32, #tpu.memory_space<vmem>>, vector<16xf32>,
    }
    %scan3A_40 = arith.constant 80 : i32
    "tpu.region"() ({
      %run_scoped3A = tpu.sem_alloc : memref<!tpu.dma_semaphore, #tpu.memory_space<semaphore_mem>>
      %dma_start3A_48 = arith.constant 0 : i32
      %dma_start3A_49 = arith.constant 0 : i32
      %dma_start3A_50 = tpu.memref_slice %arg18[%dma_start3A_48, %dma_start3A_49] : memref<10000x128xf32, #tpu.memory_space<vmem_shared>> -> memref<10000x128xf32, #tpu.memory_space<vmem_shared>>
      tpu.enqueue_indirect_dma source(%arg13 : memref<80x128xf32, #tpu.memory_space<vmem>>) target(%dma_start3A_50 : memref<10000x128xf32, #tpu.memory_space<vmem_shared>>) offsets(%arg7 : memref<80xi32, #tpu.memory_space<vmem>>) semaphore(%run_scoped3A : memref<!tpu.dma_semaphore, #tpu.memory_space<semaphore_mem>>) {add = true}
      %dma_wait3A_51 = arith.constant 0 : i32
      %dma_wait3A_52 = arith.constant 0 : i32
      %dma_wait3A_53 = tpu.memref_slice %arg18[%dma_wait3A_51, %dma_wait3A_52] : memref<10000x128xf32, #tpu.memory_space<vmem_shared>> -> memref<10000x128xf32, #tpu.memory_space<vmem_shared>>
      tpu.wait_indirect_dma semaphore(%run_scoped3A : memref<!tpu.dma_semaphore, #tpu.memory_space<semaphore_mem>>) src(%arg13 : memref<80x128xf32, #tpu.memory_space<vmem>>) dst(%dma_wait3A_53 : memref<10000x128xf32, #tpu.memory_space<vmem_shared>>)
      tpu.yield
    }) : () -> ()
    %barrier3A_41 = arith.constant 0 : index
    tpu.barrier barrier_id(%barrier3A_41)
    %scan3A_42 = arith.constant 0 : i32
    %scan3A_43 = arith.constant 0 : i32
    %scan3A_44 = arith.constant 7 : i32
    %scan3A_45 = arith.addi %scan3A_43, %scan3A_44 : i32
    %scan3A_46 = arith.constant 1 : i32
    scf.for %scan3A_48 = %scan3A_43 to %scan3A_45 step %scan3A_46  : i32 {
      %mul3A_49 = arith.constant 16 : i32
      %mul3A_50 = arith.muli %scan3A_48, %mul3A_49 : i32
      %add3A_51 = arith.addi %mul3A_50, %arg1 : i32
      %lt3A = arith.constant 100 : i32
      %lt3A_52 = arith.cmpi slt, %add3A_51, %lt3A : i32
      %convert_element_type3A = arith.extui %lt3A_52 : i1 to i32
      %cond3A = arith.constant 0 : i32
      %cond3A_53 = arith.cmpi ne, %convert_element_type3A, %cond3A : i32
      scf.if %cond3A_53 {
        %mul3A_54 = arith.constant 100 : i32
        %mul3A_55 = arith.muli %add3A_51, %mul3A_54 : i32
        "tpu.region"() ({
          %run_scoped3A = tpu.sem_alloc : memref<!tpu.dma_semaphore, #tpu.memory_space<semaphore_mem>>
          %dma_start3A_58 = arith.constant 0 : i32
          %dma_start3A_59 = tpu.memref_slice %arg18[%mul3A_55, %dma_start3A_58] : memref<10000x128xf32, #tpu.memory_space<vmem_shared>> -> memref<100x128xf32, #tpu.memory_space<vmem_shared>>
          %dma_start3A_60 = arith.constant 0 : i32
          %dma_start3A_61 = tpu.memref_slice %arg18[%mul3A_55, %dma_start3A_60] : memref<10000x128xf32, #tpu.memory_space<vmem_shared>> -> memref<100x128xf32, #tpu.memory_space<vmem_shared>>
          tpu.enqueue_dma source(%dma_start3A_61 : memref<100x128xf32, #tpu.memory_space<vmem_shared>>) target(%arg15 : memref<100x128xf32, #tpu.memory_space<vmem>>) target_semaphore(%run_scoped3A : memref<!tpu.dma_semaphore, #tpu.memory_space<semaphore_mem>>)
          %dma_wait3A_62 = arith.constant 0 : i32
          %dma_wait3A_63 = tpu.memref_slice %arg18[%mul3A_55, %dma_wait3A_62] : memref<10000x128xf32, #tpu.memory_space<vmem_shared>> -> memref<100x128xf32, #tpu.memory_space<vmem_shared>>
          %dma_wait3A_64 = arith.constant 0 : i32
          %dma_wait3A_65 = tpu.memref_slice %arg18[%mul3A_55, %dma_wait3A_64] : memref<10000x128xf32, #tpu.memory_space<vmem_shared>> -> memref<100x128xf32, #tpu.memory_space<vmem_shared>>
          tpu.wait_dma2 semaphore(%run_scoped3A : memref<!tpu.dma_semaphore, #tpu.memory_space<semaphore_mem>>) src(%dma_wait3A_65 : memref<100x128xf32, #tpu.memory_space<vmem_shared>>) dst(%arg15 : memref<100x128xf32, #tpu.memory_space<vmem>>)
          tpu.yield
        }) : () -> ()
        %mul3A_56 = arith.constant 100 : i32
        %mul3A_57 = arith.muli %add3A_51, %mul3A_56 : i32
        "tpu.region"() ({
          %run_scoped3A = tpu.sem_alloc : memref<!tpu.dma_semaphore, #tpu.memory_space<semaphore_mem>>
          %dma_start3A_58 = arith.constant 0 : i32
          %dma_start3A_59 = tpu.memref_slice %arg6[%arg0, %mul3A_57, %dma_start3A_58] : memref<2x10000x128xf32, #tpu.memory_space<hbm>> -> memref<1x100x128xf32, #tpu.memory_space<hbm>>
          %dma_start3A_60 = tpu.memref_squeeze %dma_start3A_59 : memref<1x100x128xf32, #tpu.memory_space<hbm>> -> memref<100x128xf32, #tpu.memory_space<hbm>>
          %dma_start3A_61 = arith.constant 0 : i32
          %dma_start3A_62 = tpu.memref_slice %arg6[%arg0, %mul3A_57, %dma_start3A_61] : memref<2x10000x128xf32, #tpu.memory_space<hbm>> -> memref<1x100x128xf32, #tpu.memory_space<hbm>>
          %dma_start3A_63 = tpu.memref_squeeze %dma_start3A_62 : memref<1x100x128xf32, #tpu.memory_space<hbm>> -> memref<100x128xf32, #tpu.memory_space<hbm>>
          tpu.enqueue_dma source(%arg15 : memref<100x128xf32, #tpu.memory_space<vmem>>) target(%dma_start3A_63 : memref<100x128xf32, #tpu.memory_space<hbm>>) target_semaphore(%run_scoped3A : memref<!tpu.dma_semaphore, #tpu.memory_space<semaphore_mem>>)
          %dma_wait3A_64 = arith.constant 0 : i32
          %dma_wait3A_65 = tpu.memref_slice %arg6[%arg0, %mul3A_57, %dma_wait3A_64] : memref<2x10000x128xf32, #tpu.memory_space<hbm>> -> memref<1x100x128xf32, #tpu.memory_space<hbm>>
          %dma_wait3A_66 = tpu.memref_squeeze %dma_wait3A_65 : memref<1x100x128xf32, #tpu.memory_space<hbm>> -> memref<100x128xf32, #tpu.memory_space<hbm>>
          %dma_wait3A_67 = arith.constant 0 : i32
          %dma_wait3A_68 = tpu.memref_slice %arg6[%arg0, %mul3A_57, %dma_wait3A_67] : memref<2x10000x128xf32, #tpu.memory_space<hbm>> -> memref<1x100x128xf32, #tpu.memory_space<hbm>>
          %dma_wait3A_69 = tpu.memref_squeeze %dma_wait3A_68 : memref<1x100x128xf32, #tpu.memory_space<hbm>> -> memref<100x128xf32, #tpu.memory_space<hbm>>
          tpu.wait_dma2 semaphore(%run_scoped3A : memref<!tpu.dma_semaphore, #tpu.memory_space<semaphore_mem>>) src(%arg15 : memref<100x128xf32, #tpu.memory_space<vmem>>) dst(%dma_wait3A_69 : memref<100x128xf32, #tpu.memory_space<hbm>>)
          tpu.yield
        }) : () -> ()
      } else {
      }
    }
    %scan3A_47 = arith.constant 7 : i32
    return
  }
}

module attributes {stable_mosaic.version = 14 : i64} {
  func.func @_lin_in_body(%arg0: i32, %arg1: memref<1000x128xf32, #tpu.memory_space<vmem>>, %arg2: memref<8x128x128xf32, #tpu.memory_space<vmem>>, %arg3: memref<128x128xf32, #tpu.memory_space<vmem>>, %arg4: memref<1x128xf32, #tpu.memory_space<vmem>>, %arg5: memref<8x1000x128xf32, #tpu.memory_space<vmem>>, %arg6: memref<1000x128xf32, #tpu.memory_space<vmem>>) attributes {dimension_semantics = [#tpu.dimension_semantics<arbitrary>], iteration_bounds = array<i64: 10>, scalar_prefetch = 0 : i64, scratch_operands = 0 : i64, tpu.core_type = #tpu.core_type<tc>, window_params = [{transform_indices = @transform_0, window_bounds = array<i64: 1000, 128>}, {pipeline_mode = #tpu.pipeline_mode<synchronous>, transform_indices = @transform_1, window_bounds = array<i64: 8, 128, 128>}, {pipeline_mode = #tpu.pipeline_mode<synchronous>, transform_indices = @transform_2, window_bounds = array<i64: 128, 128>}, {pipeline_mode = #tpu.pipeline_mode<synchronous>, transform_indices = @transform_3, window_bounds = array<i64: 1, 128>}, {transform_indices = @transform_4, window_bounds = array<i64: 8, 1000, 128>}, {transform_indices = @transform_5, window_bounds = array<i64: 1000, 128>}]} {
    %get3A = arith.constant 0 : index
    %get3A_0 = arith.constant 0 : index
    %get3A_1 = vector.load %arg1[%get3A, %get3A_0] : memref<1000x128xf32, #tpu.memory_space<vmem>>, vector<1000x128xf32>
    %get3A_2 = arith.constant 0 : index
    %get3A_3 = arith.constant 0 : index
    %get3A_4 = arith.constant 0 : index
    %get3A_5 = vector.load %arg2[%get3A_2, %get3A_3, %get3A_4] : memref<8x128x128xf32, #tpu.memory_space<vmem>>, vector<1x128x128xf32>
    %get3A_6 = vector.shape_cast %get3A_5 : vector<1x128x128xf32> to vector<128x128xf32>
    %dot_general3A = arith.constant dense<0.000000e+00> : vector<1000x128xf32>
    %dot_general3A_7 = tpu.matmul %get3A_1, %get3A_6, %dot_general3A {dimension_numbers = #tpu.dot_dimension_numbers<[1], [0], [0], [1], [0, 0, 1, 1], [], []>, transpose_lhs_hint = false} : vector<1000x128xf32>, vector<128x128xf32>, vector<1000x128xf32> -> vector<1000x128xf32>
    %swap3A = arith.constant 0 : index
    %swap3A_8 = arith.constant 0 : index
    %swap3A_9 = arith.constant 0 : index
    %swap3A_10 = vector.load %arg5[%swap3A, %swap3A_8, %swap3A_9] : memref<8x1000x128xf32, #tpu.memory_space<vmem>>, vector<1x1000x128xf32>
    %swap3A_11 = vector.shape_cast %swap3A_10 : vector<1x1000x128xf32> to vector<1000x128xf32>
    %swap3A_12 = vector.shape_cast %dot_general3A_7 : vector<1000x128xf32> to vector<1x1000x128xf32>
    tpu.vector_store %arg5[%swap3A, %swap3A_8, %swap3A_9], %swap3A_12 {strides = array<i32>} : memref<8x1000x128xf32, #tpu.memory_space<vmem>>, vector<1x1000x128xf32>,
    %get3A_13 = arith.constant 1 : index
    %get3A_14 = arith.constant 0 : index
    %get3A_15 = arith.constant 0 : index
    %get3A_16 = vector.load %arg2[%get3A_13, %get3A_14, %get3A_15] : memref<8x128x128xf32, #tpu.memory_space<vmem>>, vector<1x128x128xf32>
    %get3A_17 = vector.shape_cast %get3A_16 : vector<1x128x128xf32> to vector<128x128xf32>
    %dot_general3A_18 = arith.constant dense<0.000000e+00> : vector<1000x128xf32>
    %dot_general3A_19 = tpu.matmul %get3A_1, %get3A_17, %dot_general3A_18 {dimension_numbers = #tpu.dot_dimension_numbers<[1], [0], [0], [1], [0, 0, 1, 1], [], []>, transpose_lhs_hint = false} : vector<1000x128xf32>, vector<128x128xf32>, vector<1000x128xf32> -> vector<1000x128xf32>
    %swap3A_20 = arith.constant 1 : index
    %swap3A_21 = arith.constant 0 : index
    %swap3A_22 = arith.constant 0 : index
    %swap3A_23 = vector.load %arg5[%swap3A_20, %swap3A_21, %swap3A_22] : memref<8x1000x128xf32, #tpu.memory_space<vmem>>, vector<1x1000x128xf32>
    %swap3A_24 = vector.shape_cast %swap3A_23 : vector<1x1000x128xf32> to vector<1000x128xf32>
    %swap3A_25 = vector.shape_cast %dot_general3A_19 : vector<1000x128xf32> to vector<1x1000x128xf32>
    tpu.vector_store %arg5[%swap3A_20, %swap3A_21, %swap3A_22], %swap3A_25 {strides = array<i32>} : memref<8x1000x128xf32, #tpu.memory_space<vmem>>, vector<1x1000x128xf32>,
    %get3A_26 = arith.constant 2 : index
    %get3A_27 = arith.constant 0 : index
    %get3A_28 = arith.constant 0 : index
    %get3A_29 = vector.load %arg2[%get3A_26, %get3A_27, %get3A_28] : memref<8x128x128xf32, #tpu.memory_space<vmem>>, vector<1x128x128xf32>
    %get3A_30 = vector.shape_cast %get3A_29 : vector<1x128x128xf32> to vector<128x128xf32>
    %dot_general3A_31 = arith.constant dense<0.000000e+00> : vector<1000x128xf32>
    %dot_general3A_32 = tpu.matmul %get3A_1, %get3A_30, %dot_general3A_31 {dimension_numbers = #tpu.dot_dimension_numbers<[1], [0], [0], [1], [0, 0, 1, 1], [], []>, transpose_lhs_hint = false} : vector<1000x128xf32>, vector<128x128xf32>, vector<1000x128xf32> -> vector<1000x128xf32>
    %swap3A_33 = arith.constant 2 : index
    %swap3A_34 = arith.constant 0 : index
    %swap3A_35 = arith.constant 0 : index
    %swap3A_36 = vector.load %arg5[%swap3A_33, %swap3A_34, %swap3A_35] : memref<8x1000x128xf32, #tpu.memory_space<vmem>>, vector<1x1000x128xf32>
    %swap3A_37 = vector.shape_cast %swap3A_36 : vector<1x1000x128xf32> to vector<1000x128xf32>
    %swap3A_38 = vector.shape_cast %dot_general3A_32 : vector<1000x128xf32> to vector<1x1000x128xf32>
    tpu.vector_store %arg5[%swap3A_33, %swap3A_34, %swap3A_35], %swap3A_38 {strides = array<i32>} : memref<8x1000x128xf32, #tpu.memory_space<vmem>>, vector<1x1000x128xf32>,
    %get3A_39 = arith.constant 3 : index
    %get3A_40 = arith.constant 0 : index
    %get3A_41 = arith.constant 0 : index
    %get3A_42 = vector.load %arg2[%get3A_39, %get3A_40, %get3A_41] : memref<8x128x128xf32, #tpu.memory_space<vmem>>, vector<1x128x128xf32>
    %get3A_43 = vector.shape_cast %get3A_42 : vector<1x128x128xf32> to vector<128x128xf32>
    %dot_general3A_44 = arith.constant dense<0.000000e+00> : vector<1000x128xf32>
    %dot_general3A_45 = tpu.matmul %get3A_1, %get3A_43, %dot_general3A_44 {dimension_numbers = #tpu.dot_dimension_numbers<[1], [0], [0], [1], [0, 0, 1, 1], [], []>, transpose_lhs_hint = false} : vector<1000x128xf32>, vector<128x128xf32>, vector<1000x128xf32> -> vector<1000x128xf32>
    %swap3A_46 = arith.constant 3 : index
    %swap3A_47 = arith.constant 0 : index
    %swap3A_48 = arith.constant 0 : index
    %swap3A_49 = vector.load %arg5[%swap3A_46, %swap3A_47, %swap3A_48] : memref<8x1000x128xf32, #tpu.memory_space<vmem>>, vector<1x1000x128xf32>
    %swap3A_50 = vector.shape_cast %swap3A_49 : vector<1x1000x128xf32> to vector<1000x128xf32>
    %swap3A_51 = vector.shape_cast %dot_general3A_45 : vector<1000x128xf32> to vector<1x1000x128xf32>
    tpu.vector_store %arg5[%swap3A_46, %swap3A_47, %swap3A_48], %swap3A_51 {strides = array<i32>} : memref<8x1000x128xf32, #tpu.memory_space<vmem>>, vector<1x1000x128xf32>,
    %get3A_52 = arith.constant 4 : index
    %get3A_53 = arith.constant 0 : index
    %get3A_54 = arith.constant 0 : index
    %get3A_55 = vector.load %arg2[%get3A_52, %get3A_53, %get3A_54] : memref<8x128x128xf32, #tpu.memory_space<vmem>>, vector<1x128x128xf32>
    %get3A_56 = vector.shape_cast %get3A_55 : vector<1x128x128xf32> to vector<128x128xf32>
    %dot_general3A_57 = arith.constant dense<0.000000e+00> : vector<1000x128xf32>
    %dot_general3A_58 = tpu.matmul %get3A_1, %get3A_56, %dot_general3A_57 {dimension_numbers = #tpu.dot_dimension_numbers<[1], [0], [0], [1], [0, 0, 1, 1], [], []>, transpose_lhs_hint = false} : vector<1000x128xf32>, vector<128x128xf32>, vector<1000x128xf32> -> vector<1000x128xf32>
    %swap3A_59 = arith.constant 4 : index
    %swap3A_60 = arith.constant 0 : index
    %swap3A_61 = arith.constant 0 : index
    %swap3A_62 = vector.load %arg5[%swap3A_59, %swap3A_60, %swap3A_61] : memref<8x1000x128xf32, #tpu.memory_space<vmem>>, vector<1x1000x128xf32>
    %swap3A_63 = vector.shape_cast %swap3A_62 : vector<1x1000x128xf32> to vector<1000x128xf32>
    %swap3A_64 = vector.shape_cast %dot_general3A_58 : vector<1000x128xf32> to vector<1x1000x128xf32>
    tpu.vector_store %arg5[%swap3A_59, %swap3A_60, %swap3A_61], %swap3A_64 {strides = array<i32>} : memref<8x1000x128xf32, #tpu.memory_space<vmem>>, vector<1x1000x128xf32>,
    %get3A_65 = arith.constant 5 : index
    %get3A_66 = arith.constant 0 : index
    %get3A_67 = arith.constant 0 : index
    %get3A_68 = vector.load %arg2[%get3A_65, %get3A_66, %get3A_67] : memref<8x128x128xf32, #tpu.memory_space<vmem>>, vector<1x128x128xf32>
    %get3A_69 = vector.shape_cast %get3A_68 : vector<1x128x128xf32> to vector<128x128xf32>
    %dot_general3A_70 = arith.constant dense<0.000000e+00> : vector<1000x128xf32>
    %dot_general3A_71 = tpu.matmul %get3A_1, %get3A_69, %dot_general3A_70 {dimension_numbers = #tpu.dot_dimension_numbers<[1], [0], [0], [1], [0, 0, 1, 1], [], []>, transpose_lhs_hint = false} : vector<1000x128xf32>, vector<128x128xf32>, vector<1000x128xf32> -> vector<1000x128xf32>
    %swap3A_72 = arith.constant 5 : index
    %swap3A_73 = arith.constant 0 : index
    %swap3A_74 = arith.constant 0 : index
    %swap3A_75 = vector.load %arg5[%swap3A_72, %swap3A_73, %swap3A_74] : memref<8x1000x128xf32, #tpu.memory_space<vmem>>, vector<1x1000x128xf32>
    %swap3A_76 = vector.shape_cast %swap3A_75 : vector<1x1000x128xf32> to vector<1000x128xf32>
    %swap3A_77 = vector.shape_cast %dot_general3A_71 : vector<1000x128xf32> to vector<1x1000x128xf32>
    tpu.vector_store %arg5[%swap3A_72, %swap3A_73, %swap3A_74], %swap3A_77 {strides = array<i32>} : memref<8x1000x128xf32, #tpu.memory_space<vmem>>, vector<1x1000x128xf32>,
    %get3A_78 = arith.constant 6 : index
    %get3A_79 = arith.constant 0 : index
    %get3A_80 = arith.constant 0 : index
    %get3A_81 = vector.load %arg2[%get3A_78, %get3A_79, %get3A_80] : memref<8x128x128xf32, #tpu.memory_space<vmem>>, vector<1x128x128xf32>
    %get3A_82 = vector.shape_cast %get3A_81 : vector<1x128x128xf32> to vector<128x128xf32>
    %dot_general3A_83 = arith.constant dense<0.000000e+00> : vector<1000x128xf32>
    %dot_general3A_84 = tpu.matmul %get3A_1, %get3A_82, %dot_general3A_83 {dimension_numbers = #tpu.dot_dimension_numbers<[1], [0], [0], [1], [0, 0, 1, 1], [], []>, transpose_lhs_hint = false} : vector<1000x128xf32>, vector<128x128xf32>, vector<1000x128xf32> -> vector<1000x128xf32>
    %swap3A_85 = arith.constant 6 : index
    %swap3A_86 = arith.constant 0 : index
    %swap3A_87 = arith.constant 0 : index
    %swap3A_88 = vector.load %arg5[%swap3A_85, %swap3A_86, %swap3A_87] : memref<8x1000x128xf32, #tpu.memory_space<vmem>>, vector<1x1000x128xf32>
    %swap3A_89 = vector.shape_cast %swap3A_88 : vector<1x1000x128xf32> to vector<1000x128xf32>
    %swap3A_90 = vector.shape_cast %dot_general3A_84 : vector<1000x128xf32> to vector<1x1000x128xf32>
    tpu.vector_store %arg5[%swap3A_85, %swap3A_86, %swap3A_87], %swap3A_90 {strides = array<i32>} : memref<8x1000x128xf32, #tpu.memory_space<vmem>>, vector<1x1000x128xf32>,
    %get3A_91 = arith.constant 7 : index
    %get3A_92 = arith.constant 0 : index
    %get3A_93 = arith.constant 0 : index
    %get3A_94 = vector.load %arg2[%get3A_91, %get3A_92, %get3A_93] : memref<8x128x128xf32, #tpu.memory_space<vmem>>, vector<1x128x128xf32>
    %get3A_95 = vector.shape_cast %get3A_94 : vector<1x128x128xf32> to vector<128x128xf32>
    %dot_general3A_96 = arith.constant dense<0.000000e+00> : vector<1000x128xf32>
    %dot_general3A_97 = tpu.matmul %get3A_1, %get3A_95, %dot_general3A_96 {dimension_numbers = #tpu.dot_dimension_numbers<[1], [0], [0], [1], [0, 0, 1, 1], [], []>, transpose_lhs_hint = false} : vector<1000x128xf32>, vector<128x128xf32>, vector<1000x128xf32> -> vector<1000x128xf32>
    %swap3A_98 = arith.constant 7 : index
    %swap3A_99 = arith.constant 0 : index
    %swap3A_100 = arith.constant 0 : index
    %swap3A_101 = vector.load %arg5[%swap3A_98, %swap3A_99, %swap3A_100] : memref<8x1000x128xf32, #tpu.memory_space<vmem>>, vector<1x1000x128xf32>
    %swap3A_102 = vector.shape_cast %swap3A_101 : vector<1x1000x128xf32> to vector<1000x128xf32>
    %swap3A_103 = vector.shape_cast %dot_general3A_97 : vector<1000x128xf32> to vector<1x1000x128xf32>
    tpu.vector_store %arg5[%swap3A_98, %swap3A_99, %swap3A_100], %swap3A_103 {strides = array<i32>} : memref<8x1000x128xf32, #tpu.memory_space<vmem>>, vector<1x1000x128xf32>,
    %get3A_104 = arith.constant 0 : index
    %get3A_105 = arith.constant 0 : index
    %get3A_106 = vector.load %arg3[%get3A_104, %get3A_105] : memref<128x128xf32, #tpu.memory_space<vmem>>, vector<128x128xf32>
    %dot_general3A_107 = arith.constant dense<0.000000e+00> : vector<1000x128xf32>
    %dot_general3A_108 = tpu.matmul %get3A_1, %get3A_106, %dot_general3A_107 {dimension_numbers = #tpu.dot_dimension_numbers<[1], [0], [0], [1], [0, 0, 1, 1], [], []>, transpose_lhs_hint = false} : vector<1000x128xf32>, vector<128x128xf32>, vector<1000x128xf32> -> vector<1000x128xf32>
    %get3A_109 = arith.constant 0 : index
    %get3A_110 = arith.constant 0 : index
    %get3A_111 = vector.load %arg4[%get3A_109, %get3A_110] : memref<1x128xf32, #tpu.memory_space<vmem>>, vector<1x128xf32>
    %add3A = vector.broadcast %get3A_111 : vector<1x128xf32> to vector<1000x128xf32>
    %add3A_112 = arith.addf %dot_general3A_108, %add3A : vector<1000x128xf32>
    %swap3A_113 = arith.constant 0 : index
    %swap3A_114 = arith.constant 0 : index
    %swap3A_115 = vector.load %arg6[%swap3A_113, %swap3A_114] : memref<1000x128xf32, #tpu.memory_space<vmem>>, vector<1000x128xf32>
    tpu.vector_store %arg6[%swap3A_113, %swap3A_114], %add3A_112 {strides = array<i32>} : memref<1000x128xf32, #tpu.memory_space<vmem>>, vector<1000x128xf32>,
    return
  }
  func.func @transform_0(%arg0: i32) -> (i32, i32) {
    %c0_i32 = arith.constant 0 : i32
    %c0_i32_0 = arith.constant 0 : i32
    return %arg0, %c0_i32 : i32, i32
  }
  func.func @transform_1(%arg0: i32) -> (i32, i32, i32) {
    %c0_i32 = arith.constant 0 : i32
    %c0_i32_0 = arith.constant 0 : i32
    %c0_i32_1 = arith.constant 0 : i32
    %c0_i32_2 = arith.constant 0 : i32
    return %c0_i32, %c0_i32_0, %c0_i32_1 : i32, i32, i32
  }
  func.func @transform_2(%arg0: i32) -> (i32, i32) {
    %c0_i32 = arith.constant 0 : i32
    %c0_i32_0 = arith.constant 0 : i32
    %c0_i32_1 = arith.constant 0 : i32
    return %c0_i32, %c0_i32_0 : i32, i32
  }
  func.func @transform_3(%arg0: i32) -> (i32, i32) {
    %c0_i32 = arith.constant 0 : i32
    %c0_i32_0 = arith.constant 0 : i32
    %c0_i32_1 = arith.constant 0 : i32
    return %c0_i32, %c0_i32_0 : i32, i32
  }
  func.func @transform_4(%arg0: i32) -> (i32, i32, i32) {
    %c0_i32 = arith.constant 0 : i32
    %c0_i32_0 = arith.constant 0 : i32
    %c0_i32_1 = arith.constant 0 : i32
    return %c0_i32, %arg0, %c0_i32_0 : i32, i32, i32
  }
  func.func @transform_5(%arg0: i32) -> (i32, i32) {
    %c0_i32 = arith.constant 0 : i32
    %c0_i32_0 = arith.constant 0 : i32
    return %arg0, %c0_i32 : i32, i32
  }
}

module attributes {stable_mosaic.version = 14 : i64} {
  func.func @_inv_body(%arg0: memref<625x128xf32, #tpu.memory_space<vmem>>, %arg1: memref<625x128xf32, #tpu.memory_space<vmem>>, %arg2: memref<625x128xf32, #tpu.memory_space<vmem>>) attributes {dimension_semantics = [], scalar_prefetch = 0 : i64, scratch_operands = 0 : i64, tpu.core_type = #tpu.core_type<tc>} {
    %get3A = arith.constant 0 : index
    %get3A_0 = arith.constant 0 : index
    %get3A_1 = vector.load %arg0[%get3A, %get3A_0] : memref<625x128xf32, #tpu.memory_space<vmem>>, vector<625x128xf32>
    %get3A_2 = arith.constant 0 : index
    %get3A_3 = arith.constant 0 : index
    %get3A_4 = vector.load %arg1[%get3A_2, %get3A_3] : memref<625x128xf32, #tpu.memory_space<vmem>>, vector<625x128xf32>
    %add3A = arith.addf %get3A_1, %get3A_4 : vector<625x128xf32>
    %max3A = arith.constant 1.000000e+00 : f32
    %max3A_5 = vector.broadcast %max3A : f32 to vector<625x128xf32>
    %max3A_6 = arith.maximumf %add3A, %max3A_5 : vector<625x128xf32>
    %div3A = arith.constant 1.000000e+00 : f32
    %div3A_7 = vector.broadcast %div3A : f32 to vector<625x128xf32>
    %div3A_8 = arith.divf %div3A_7, %max3A_6 : vector<625x128xf32>
    %swap3A = arith.constant 0 : index
    %swap3A_9 = arith.constant 0 : index
    %swap3A_10 = vector.load %arg2[%swap3A, %swap3A_9] : memref<625x128xf32, #tpu.memory_space<vmem>>, vector<625x128xf32>
    tpu.vector_store %arg2[%swap3A, %swap3A_9], %div3A_8 {strides = array<i32>} : memref<625x128xf32, #tpu.memory_space<vmem>>, vector<625x128xf32>,
    return
  }
}

module attributes {stable_mosaic.version = 14 : i64} {
  func.func @_lin_mid_body(%arg0: i32, %arg1: memref<2x1000x128xf32, #tpu.memory_space<vmem>>, %arg2: memref<1000x128xf32, #tpu.memory_space<vmem>>, %arg3: memref<8x128x128xf32, #tpu.memory_space<vmem>>, %arg4: memref<128x128xf32, #tpu.memory_space<vmem>>, %arg5: memref<1x128xf32, #tpu.memory_space<vmem>>, %arg6: memref<8x1000x128xf32, #tpu.memory_space<vmem>>, %arg7: memref<1000x128xf32, #tpu.memory_space<vmem>>) attributes {dimension_semantics = [#tpu.dimension_semantics<arbitrary>], iteration_bounds = array<i64: 10>, scalar_prefetch = 0 : i64, scratch_operands = 0 : i64, tpu.core_type = #tpu.core_type<tc>, window_params = [{transform_indices = @transform_0, window_bounds = array<i64: 2, 1000, 128>}, {transform_indices = @transform_1, window_bounds = array<i64: 1000, 128>}, {pipeline_mode = #tpu.pipeline_mode<synchronous>, transform_indices = @transform_2, window_bounds = array<i64: 8, 128, 128>}, {pipeline_mode = #tpu.pipeline_mode<synchronous>, transform_indices = @transform_3, window_bounds = array<i64: 128, 128>}, {pipeline_mode = #tpu.pipeline_mode<synchronous>, transform_indices = @transform_4, window_bounds = array<i64: 1, 128>}, {transform_indices = @transform_5, window_bounds = array<i64: 8, 1000, 128>}, {transform_indices = @transform_6, window_bounds = array<i64: 1000, 128>}]} {
    %get3A = arith.constant 0 : index
    %get3A_0 = arith.constant 0 : index
    %get3A_1 = arith.constant 0 : index
    %get3A_2 = vector.load %arg1[%get3A, %get3A_0, %get3A_1] : memref<2x1000x128xf32, #tpu.memory_space<vmem>>, vector<1x1000x128xf32>
    %get3A_3 = vector.shape_cast %get3A_2 : vector<1x1000x128xf32> to vector<1000x128xf32>
    %get3A_4 = arith.constant 1 : index
    %get3A_5 = arith.constant 0 : index
    %get3A_6 = arith.constant 0 : index
    %get3A_7 = vector.load %arg1[%get3A_4, %get3A_5, %get3A_6] : memref<2x1000x128xf32, #tpu.memory_space<vmem>>, vector<1x1000x128xf32>
    %get3A_8 = vector.shape_cast %get3A_7 : vector<1x1000x128xf32> to vector<1000x128xf32>
    %add3A = arith.addf %get3A_3, %get3A_8 : vector<1000x128xf32>
    %get3A_9 = arith.constant 0 : index
    %get3A_10 = arith.constant 0 : index
    %get3A_11 = vector.load %arg2[%get3A_9, %get3A_10] : memref<1000x128xf32, #tpu.memory_space<vmem>>, vector<1000x128xf32>
    %add3A_12 = arith.addf %add3A, %get3A_11 : vector<1000x128xf32>
    %max3A = arith.constant 0.000000e+00 : f32
    %max3A_13 = vector.broadcast %max3A : f32 to vector<1000x128xf32>
    %max3A_14 = arith.maximumf %add3A_12, %max3A_13 : vector<1000x128xf32>
    %get3A_15 = arith.constant 0 : index
    %get3A_16 = arith.constant 0 : index
    %get3A_17 = arith.constant 0 : index
    %get3A_18 = vector.load %arg3[%get3A_15, %get3A_16, %get3A_17] : memref<8x128x128xf32, #tpu.memory_space<vmem>>, vector<1x128x128xf32>
    %get3A_19 = vector.shape_cast %get3A_18 : vector<1x128x128xf32> to vector<128x128xf32>
    %dot_general3A = arith.constant dense<0.000000e+00> : vector<1000x128xf32>
    %dot_general3A_20 = tpu.matmul %max3A_14, %get3A_19, %dot_general3A {dimension_numbers = #tpu.dot_dimension_numbers<[1], [0], [0], [1], [0, 0, 1, 1], [], []>, transpose_lhs_hint = false} : vector<1000x128xf32>, vector<128x128xf32>, vector<1000x128xf32> -> vector<1000x128xf32>
    %swap3A = arith.constant 0 : index
    %swap3A_21 = arith.constant 0 : index
    %swap3A_22 = arith.constant 0 : index
    %swap3A_23 = vector.load %arg6[%swap3A, %swap3A_21, %swap3A_22] : memref<8x1000x128xf32, #tpu.memory_space<vmem>>, vector<1x1000x128xf32>
    %swap3A_24 = vector.shape_cast %swap3A_23 : vector<1x1000x128xf32> to vector<1000x128xf32>
    %swap3A_25 = vector.shape_cast %dot_general3A_20 : vector<1000x128xf32> to vector<1x1000x128xf32>
    tpu.vector_store %arg6[%swap3A, %swap3A_21, %swap3A_22], %swap3A_25 {strides = array<i32>} : memref<8x1000x128xf32, #tpu.memory_space<vmem>>, vector<1x1000x128xf32>,
    %get3A_26 = arith.constant 1 : index
    %get3A_27 = arith.constant 0 : index
    %get3A_28 = arith.constant 0 : index
    %get3A_29 = vector.load %arg3[%get3A_26, %get3A_27, %get3A_28] : memref<8x128x128xf32, #tpu.memory_space<vmem>>, vector<1x128x128xf32>
    %get3A_30 = vector.shape_cast %get3A_29 : vector<1x128x128xf32> to vector<128x128xf32>
    %dot_general3A_31 = arith.constant dense<0.000000e+00> : vector<1000x128xf32>
    %dot_general3A_32 = tpu.matmul %max3A_14, %get3A_30, %dot_general3A_31 {dimension_numbers = #tpu.dot_dimension_numbers<[1], [0], [0], [1], [0, 0, 1, 1], [], []>, transpose_lhs_hint = false} : vector<1000x128xf32>, vector<128x128xf32>, vector<1000x128xf32> -> vector<1000x128xf32>
    %swap3A_33 = arith.constant 1 : index
    %swap3A_34 = arith.constant 0 : index
    %swap3A_35 = arith.constant 0 : index
    %swap3A_36 = vector.load %arg6[%swap3A_33, %swap3A_34, %swap3A_35] : memref<8x1000x128xf32, #tpu.memory_space<vmem>>, vector<1x1000x128xf32>
    %swap3A_37 = vector.shape_cast %swap3A_36 : vector<1x1000x128xf32> to vector<1000x128xf32>
    %swap3A_38 = vector.shape_cast %dot_general3A_32 : vector<1000x128xf32> to vector<1x1000x128xf32>
    tpu.vector_store %arg6[%swap3A_33, %swap3A_34, %swap3A_35], %swap3A_38 {strides = array<i32>} : memref<8x1000x128xf32, #tpu.memory_space<vmem>>, vector<1x1000x128xf32>,
    %get3A_39 = arith.constant 2 : index
    %get3A_40 = arith.constant 0 : index
    %get3A_41 = arith.constant 0 : index
    %get3A_42 = vector.load %arg3[%get3A_39, %get3A_40, %get3A_41] : memref<8x128x128xf32, #tpu.memory_space<vmem>>, vector<1x128x128xf32>
    %get3A_43 = vector.shape_cast %get3A_42 : vector<1x128x128xf32> to vector<128x128xf32>
    %dot_general3A_44 = arith.constant dense<0.000000e+00> : vector<1000x128xf32>
    %dot_general3A_45 = tpu.matmul %max3A_14, %get3A_43, %dot_general3A_44 {dimension_numbers = #tpu.dot_dimension_numbers<[1], [0], [0], [1], [0, 0, 1, 1], [], []>, transpose_lhs_hint = false} : vector<1000x128xf32>, vector<128x128xf32>, vector<1000x128xf32> -> vector<1000x128xf32>
    %swap3A_46 = arith.constant 2 : index
    %swap3A_47 = arith.constant 0 : index
    %swap3A_48 = arith.constant 0 : index
    %swap3A_49 = vector.load %arg6[%swap3A_46, %swap3A_47, %swap3A_48] : memref<8x1000x128xf32, #tpu.memory_space<vmem>>, vector<1x1000x128xf32>
    %swap3A_50 = vector.shape_cast %swap3A_49 : vector<1x1000x128xf32> to vector<1000x128xf32>
    %swap3A_51 = vector.shape_cast %dot_general3A_45 : vector<1000x128xf32> to vector<1x1000x128xf32>
    tpu.vector_store %arg6[%swap3A_46, %swap3A_47, %swap3A_48], %swap3A_51 {strides = array<i32>} : memref<8x1000x128xf32, #tpu.memory_space<vmem>>, vector<1x1000x128xf32>,
    %get3A_52 = arith.constant 3 : index
    %get3A_53 = arith.constant 0 : index
    %get3A_54 = arith.constant 0 : index
    %get3A_55 = vector.load %arg3[%get3A_52, %get3A_53, %get3A_54] : memref<8x128x128xf32, #tpu.memory_space<vmem>>, vector<1x128x128xf32>
    %get3A_56 = vector.shape_cast %get3A_55 : vector<1x128x128xf32> to vector<128x128xf32>
    %dot_general3A_57 = arith.constant dense<0.000000e+00> : vector<1000x128xf32>
    %dot_general3A_58 = tpu.matmul %max3A_14, %get3A_56, %dot_general3A_57 {dimension_numbers = #tpu.dot_dimension_numbers<[1], [0], [0], [1], [0, 0, 1, 1], [], []>, transpose_lhs_hint = false} : vector<1000x128xf32>, vector<128x128xf32>, vector<1000x128xf32> -> vector<1000x128xf32>
    %swap3A_59 = arith.constant 3 : index
    %swap3A_60 = arith.constant 0 : index
    %swap3A_61 = arith.constant 0 : index
    %swap3A_62 = vector.load %arg6[%swap3A_59, %swap3A_60, %swap3A_61] : memref<8x1000x128xf32, #tpu.memory_space<vmem>>, vector<1x1000x128xf32>
    %swap3A_63 = vector.shape_cast %swap3A_62 : vector<1x1000x128xf32> to vector<1000x128xf32>
    %swap3A_64 = vector.shape_cast %dot_general3A_58 : vector<1000x128xf32> to vector<1x1000x128xf32>
    tpu.vector_store %arg6[%swap3A_59, %swap3A_60, %swap3A_61], %swap3A_64 {strides = array<i32>} : memref<8x1000x128xf32, #tpu.memory_space<vmem>>, vector<1x1000x128xf32>,
    %get3A_65 = arith.constant 4 : index
    %get3A_66 = arith.constant 0 : index
    %get3A_67 = arith.constant 0 : index
    %get3A_68 = vector.load %arg3[%get3A_65, %get3A_66, %get3A_67] : memref<8x128x128xf32, #tpu.memory_space<vmem>>, vector<1x128x128xf32>
    %get3A_69 = vector.shape_cast %get3A_68 : vector<1x128x128xf32> to vector<128x128xf32>
    %dot_general3A_70 = arith.constant dense<0.000000e+00> : vector<1000x128xf32>
    %dot_general3A_71 = tpu.matmul %max3A_14, %get3A_69, %dot_general3A_70 {dimension_numbers = #tpu.dot_dimension_numbers<[1], [0], [0], [1], [0, 0, 1, 1], [], []>, transpose_lhs_hint = false} : vector<1000x128xf32>, vector<128x128xf32>, vector<1000x128xf32> -> vector<1000x128xf32>
    %swap3A_72 = arith.constant 4 : index
    %swap3A_73 = arith.constant 0 : index
    %swap3A_74 = arith.constant 0 : index
    %swap3A_75 = vector.load %arg6[%swap3A_72, %swap3A_73, %swap3A_74] : memref<8x1000x128xf32, #tpu.memory_space<vmem>>, vector<1x1000x128xf32>
    %swap3A_76 = vector.shape_cast %swap3A_75 : vector<1x1000x128xf32> to vector<1000x128xf32>
    %swap3A_77 = vector.shape_cast %dot_general3A_71 : vector<1000x128xf32> to vector<1x1000x128xf32>
    tpu.vector_store %arg6[%swap3A_72, %swap3A_73, %swap3A_74], %swap3A_77 {strides = array<i32>} : memref<8x1000x128xf32, #tpu.memory_space<vmem>>, vector<1x1000x128xf32>,
    %get3A_78 = arith.constant 5 : index
    %get3A_79 = arith.constant 0 : index
    %get3A_80 = arith.constant 0 : index
    %get3A_81 = vector.load %arg3[%get3A_78, %get3A_79, %get3A_80] : memref<8x128x128xf32, #tpu.memory_space<vmem>>, vector<1x128x128xf32>
    %get3A_82 = vector.shape_cast %get3A_81 : vector<1x128x128xf32> to vector<128x128xf32>
    %dot_general3A_83 = arith.constant dense<0.000000e+00> : vector<1000x128xf32>
    %dot_general3A_84 = tpu.matmul %max3A_14, %get3A_82, %dot_general3A_83 {dimension_numbers = #tpu.dot_dimension_numbers<[1], [0], [0], [1], [0, 0, 1, 1], [], []>, transpose_lhs_hint = false} : vector<1000x128xf32>, vector<128x128xf32>, vector<1000x128xf32> -> vector<1000x128xf32>
    %swap3A_85 = arith.constant 5 : index
    %swap3A_86 = arith.constant 0 : index
    %swap3A_87 = arith.constant 0 : index
    %swap3A_88 = vector.load %arg6[%swap3A_85, %swap3A_86, %swap3A_87] : memref<8x1000x128xf32, #tpu.memory_space<vmem>>, vector<1x1000x128xf32>
    %swap3A_89 = vector.shape_cast %swap3A_88 : vector<1x1000x128xf32> to vector<1000x128xf32>
    %swap3A_90 = vector.shape_cast %dot_general3A_84 : vector<1000x128xf32> to vector<1x1000x128xf32>
    tpu.vector_store %arg6[%swap3A_85, %swap3A_86, %swap3A_87], %swap3A_90 {strides = array<i32>} : memref<8x1000x128xf32, #tpu.memory_space<vmem>>, vector<1x1000x128xf32>,
    %get3A_91 = arith.constant 6 : index
    %get3A_92 = arith.constant 0 : index
    %get3A_93 = arith.constant 0 : index
    %get3A_94 = vector.load %arg3[%get3A_91, %get3A_92, %get3A_93] : memref<8x128x128xf32, #tpu.memory_space<vmem>>, vector<1x128x128xf32>
    %get3A_95 = vector.shape_cast %get3A_94 : vector<1x128x128xf32> to vector<128x128xf32>
    %dot_general3A_96 = arith.constant dense<0.000000e+00> : vector<1000x128xf32>
    %dot_general3A_97 = tpu.matmul %max3A_14, %get3A_95, %dot_general3A_96 {dimension_numbers = #tpu.dot_dimension_numbers<[1], [0], [0], [1], [0, 0, 1, 1], [], []>, transpose_lhs_hint = false} : vector<1000x128xf32>, vector<128x128xf32>, vector<1000x128xf32> -> vector<1000x128xf32>
    %swap3A_98 = arith.constant 6 : index
    %swap3A_99 = arith.constant 0 : index
    %swap3A_100 = arith.constant 0 : index
    %swap3A_101 = vector.load %arg6[%swap3A_98, %swap3A_99, %swap3A_100] : memref<8x1000x128xf32, #tpu.memory_space<vmem>>, vector<1x1000x128xf32>
    %swap3A_102 = vector.shape_cast %swap3A_101 : vector<1x1000x128xf32> to vector<1000x128xf32>
    %swap3A_103 = vector.shape_cast %dot_general3A_97 : vector<1000x128xf32> to vector<1x1000x128xf32>
    tpu.vector_store %arg6[%swap3A_98, %swap3A_99, %swap3A_100], %swap3A_103 {strides = array<i32>} : memref<8x1000x128xf32, #tpu.memory_space<vmem>>, vector<1x1000x128xf32>,
    %get3A_104 = arith.constant 7 : index
    %get3A_105 = arith.constant 0 : index
    %get3A_106 = arith.constant 0 : index
    %get3A_107 = vector.load %arg3[%get3A_104, %get3A_105, %get3A_106] : memref<8x128x128xf32, #tpu.memory_space<vmem>>, vector<1x128x128xf32>
    %get3A_108 = vector.shape_cast %get3A_107 : vector<1x128x128xf32> to vector<128x128xf32>
    %dot_general3A_109 = arith.constant dense<0.000000e+00> : vector<1000x128xf32>
    %dot_general3A_110 = tpu.matmul %max3A_14, %get3A_108, %dot_general3A_109 {dimension_numbers = #tpu.dot_dimension_numbers<[1], [0], [0], [1], [0, 0, 1, 1], [], []>, transpose_lhs_hint = false} : vector<1000x128xf32>, vector<128x128xf32>, vector<1000x128xf32> -> vector<1000x128xf32>
    %swap3A_111 = arith.constant 7 : index
    %swap3A_112 = arith.constant 0 : index
    %swap3A_113 = arith.constant 0 : index
    %swap3A_114 = vector.load %arg6[%swap3A_111, %swap3A_112, %swap3A_113] : memref<8x1000x128xf32, #tpu.memory_space<vmem>>, vector<1x1000x128xf32>
    %swap3A_115 = vector.shape_cast %swap3A_114 : vector<1x1000x128xf32> to vector<1000x128xf32>
    %swap3A_116 = vector.shape_cast %dot_general3A_110 : vector<1000x128xf32> to vector<1x1000x128xf32>
    tpu.vector_store %arg6[%swap3A_111, %swap3A_112, %swap3A_113], %swap3A_116 {strides = array<i32>} : memref<8x1000x128xf32, #tpu.memory_space<vmem>>, vector<1x1000x128xf32>,
    %get3A_117 = arith.constant 0 : index
    %get3A_118 = arith.constant 0 : index
    %get3A_119 = vector.load %arg4[%get3A_117, %get3A_118] : memref<128x128xf32, #tpu.memory_space<vmem>>, vector<128x128xf32>
    %dot_general3A_120 = arith.constant dense<0.000000e+00> : vector<1000x128xf32>
    %dot_general3A_121 = tpu.matmul %max3A_14, %get3A_119, %dot_general3A_120 {dimension_numbers = #tpu.dot_dimension_numbers<[1], [0], [0], [1], [0, 0, 1, 1], [], []>, transpose_lhs_hint = false} : vector<1000x128xf32>, vector<128x128xf32>, vector<1000x128xf32> -> vector<1000x128xf32>
    %get3A_122 = arith.constant 0 : index
    %get3A_123 = arith.constant 0 : index
    %get3A_124 = vector.load %arg5[%get3A_122, %get3A_123] : memref<1x128xf32, #tpu.memory_space<vmem>>, vector<1x128xf32>
    %add3A_125 = vector.broadcast %get3A_124 : vector<1x128xf32> to vector<1000x128xf32>
    %add3A_126 = arith.addf %dot_general3A_121, %add3A_125 : vector<1000x128xf32>
    %swap3A_127 = arith.constant 0 : index
    %swap3A_128 = arith.constant 0 : index
    %swap3A_129 = vector.load %arg7[%swap3A_127, %swap3A_128] : memref<1000x128xf32, #tpu.memory_space<vmem>>, vector<1000x128xf32>
    tpu.vector_store %arg7[%swap3A_127, %swap3A_128], %add3A_126 {strides = array<i32>} : memref<1000x128xf32, #tpu.memory_space<vmem>>, vector<1000x128xf32>,
    return
  }
  func.func @transform_0(%arg0: i32) -> (i32, i32, i32) {
    %c0_i32 = arith.constant 0 : i32
    %c0_i32_0 = arith.constant 0 : i32
    %c0_i32_1 = arith.constant 0 : i32
    return %c0_i32, %arg0, %c0_i32_0 : i32, i32, i32
  }
  func.func @transform_1(%arg0: i32) -> (i32, i32) {
    %c0_i32 = arith.constant 0 : i32
    %c0_i32_0 = arith.constant 0 : i32
    return %arg0, %c0_i32 : i32, i32
  }
  func.func @transform_2(%arg0: i32) -> (i32, i32, i32) {
    %c0_i32 = arith.constant 0 : i32
    %c0_i32_0 = arith.constant 0 : i32
    %c0_i32_1 = arith.constant 0 : i32
    %c0_i32_2 = arith.constant 0 : i32
    return %c0_i32, %c0_i32_0, %c0_i32_1 : i32, i32, i32
  }
  func.func @transform_3(%arg0: i32) -> (i32, i32) {
    %c0_i32 = arith.constant 0 : i32
    %c0_i32_0 = arith.constant 0 : i32
    %c0_i32_1 = arith.constant 0 : i32
    return %c0_i32, %c0_i32_0 : i32, i32
  }
  func.func @transform_4(%arg0: i32) -> (i32, i32) {
    %c0_i32 = arith.constant 0 : i32
    %c0_i32_0 = arith.constant 0 : i32
    %c0_i32_1 = arith.constant 0 : i32
    return %c0_i32, %c0_i32_0 : i32, i32
  }
  func.func @transform_5(%arg0: i32) -> (i32, i32, i32) {
    %c0_i32 = arith.constant 0 : i32
    %c0_i32_0 = arith.constant 0 : i32
    %c0_i32_1 = arith.constant 0 : i32
    return %c0_i32, %arg0, %c0_i32_0 : i32, i32, i32
  }
  func.func @transform_6(%arg0: i32) -> (i32, i32) {
    %c0_i32 = arith.constant 0 : i32
    %c0_i32_0 = arith.constant 0 : i32
    return %arg0, %c0_i32 : i32, i32
  }
}

module attributes {stable_mosaic.version = 14 : i64} {
  func.func @_head_body(%arg0: i32, %arg1: memref<2x1000x128xf32, #tpu.memory_space<vmem>>, %arg2: memref<1000x128xf32, #tpu.memory_space<vmem>>, %arg3: memref<128x40xf32, #tpu.memory_space<vmem>>, %arg4: memref<1x40xf32, #tpu.memory_space<vmem>>, %arg5: memref<1000x40xf32, #tpu.memory_space<vmem>>) attributes {dimension_semantics = [#tpu.dimension_semantics<arbitrary>], iteration_bounds = array<i64: 10>, scalar_prefetch = 0 : i64, scratch_operands = 0 : i64, tpu.core_type = #tpu.core_type<tc>, window_params = [{transform_indices = @transform_0, window_bounds = array<i64: 2, 1000, 128>}, {transform_indices = @transform_1, window_bounds = array<i64: 1000, 128>}, {pipeline_mode = #tpu.pipeline_mode<synchronous>, transform_indices = @transform_2, window_bounds = array<i64: 128, 40>}, {pipeline_mode = #tpu.pipeline_mode<synchronous>, transform_indices = @transform_3, window_bounds = array<i64: 1, 40>}, {transform_indices = @transform_4, window_bounds = array<i64: 1000, 40>}]} {
    %get3A = arith.constant 0 : index
    %get3A_0 = arith.constant 0 : index
    %get3A_1 = arith.constant 0 : index
    %get3A_2 = vector.load %arg1[%get3A, %get3A_0, %get3A_1] : memref<2x1000x128xf32, #tpu.memory_space<vmem>>, vector<1x1000x128xf32>
    %get3A_3 = vector.shape_cast %get3A_2 : vector<1x1000x128xf32> to vector<1000x128xf32>
    %get3A_4 = arith.constant 1 : index
    %get3A_5 = arith.constant 0 : index
    %get3A_6 = arith.constant 0 : index
    %get3A_7 = vector.load %arg1[%get3A_4, %get3A_5, %get3A_6] : memref<2x1000x128xf32, #tpu.memory_space<vmem>>, vector<1x1000x128xf32>
    %get3A_8 = vector.shape_cast %get3A_7 : vector<1x1000x128xf32> to vector<1000x128xf32>
    %add3A = arith.addf %get3A_3, %get3A_8 : vector<1000x128xf32>
    %get3A_9 = arith.constant 0 : index
    %get3A_10 = arith.constant 0 : index
    %get3A_11 = vector.load %arg2[%get3A_9, %get3A_10] : memref<1000x128xf32, #tpu.memory_space<vmem>>, vector<1000x128xf32>
    %add3A_12 = arith.addf %add3A, %get3A_11 : vector<1000x128xf32>
    %max3A = arith.constant 0.000000e+00 : f32
    %max3A_13 = vector.broadcast %max3A : f32 to vector<1000x128xf32>
    %max3A_14 = arith.maximumf %add3A_12, %max3A_13 : vector<1000x128xf32>
    %get3A_15 = arith.constant 0 : index
    %get3A_16 = arith.constant 0 : index
    %get3A_17 = vector.load %arg3[%get3A_15, %get3A_16] : memref<128x40xf32, #tpu.memory_space<vmem>>, vector<128x40xf32>
    %dot_general3A = arith.constant dense<0.000000e+00> : vector<1000x40xf32>
    %dot_general3A_18 = tpu.matmul %max3A_14, %get3A_17, %dot_general3A {dimension_numbers = #tpu.dot_dimension_numbers<[1], [0], [0], [1], [0, 0, 1, 1], [], []>, transpose_lhs_hint = false} : vector<1000x128xf32>, vector<128x40xf32>, vector<1000x40xf32> -> vector<1000x40xf32>
    %get3A_19 = arith.constant 0 : index
    %get3A_20 = arith.constant 0 : index
    %get3A_21 = vector.load %arg4[%get3A_19, %get3A_20] : memref<1x40xf32, #tpu.memory_space<vmem>>, vector<1x40xf32>
    %add3A_22 = vector.broadcast %get3A_21 : vector<1x40xf32> to vector<1000x40xf32>
    %add3A_23 = arith.addf %dot_general3A_18, %add3A_22 : vector<1000x40xf32>
    %reduce_max3A = arith.constant dense<0xFF800000> : vector<1000xf32>
    %reduce_max3A_24 = vector.multi_reduction <maximumf>, %add3A_23, %reduce_max3A [1] : vector<1000x40xf32> to vector<1000xf32>
    %broadcast_in_dim3A = vector.shape_cast %reduce_max3A_24 : vector<1000xf32> to vector<1000x1xf32>
    %sub3A = vector.broadcast %broadcast_in_dim3A : vector<1000x1xf32> to vector<1000x40xf32>
    %sub3A_25 = arith.subf %add3A_23, %sub3A : vector<1000x40xf32>
    %exp3A = math.exp %sub3A_25 : vector<1000x40xf32>
    %reduce_sum3A = arith.constant dense<0.000000e+00> : vector<1000xf32>
    %reduce_sum3A_26 = vector.multi_reduction <add>, %exp3A, %reduce_sum3A [1] : vector<1000x40xf32> to vector<1000xf32>
    %broadcast_in_dim3A_27 = vector.shape_cast %reduce_sum3A_26 : vector<1000xf32> to vector<1000x1xf32>
    %log3A = math.log %broadcast_in_dim3A_27 : vector<1000x1xf32>
    %add3A_28 = arith.addf %log3A, %broadcast_in_dim3A : vector<1000x1xf32>
    %sub3A_29 = vector.broadcast %add3A_28 : vector<1000x1xf32> to vector<1000x40xf32>
    %sub3A_30 = arith.subf %add3A_23, %sub3A_29 : vector<1000x40xf32>
    %swap3A = arith.constant 0 : index
    %swap3A_31 = arith.constant 0 : index
    %swap3A_32 = vector.load %arg5[%swap3A, %swap3A_31] : memref<1000x40xf32, #tpu.memory_space<vmem>>, vector<1000x40xf32>
    tpu.vector_store %arg5[%swap3A, %swap3A_31], %sub3A_30 {strides = array<i32>} : memref<1000x40xf32, #tpu.memory_space<vmem>>, vector<1000x40xf32>,
    return
  }
  func.func @transform_0(%arg0: i32) -> (i32, i32, i32) {
    %c0_i32 = arith.constant 0 : i32
    %c0_i32_0 = arith.constant 0 : i32
    %c0_i32_1 = arith.constant 0 : i32
    return %c0_i32, %arg0, %c0_i32_0 : i32, i32, i32
  }
  func.func @transform_1(%arg0: i32) -> (i32, i32) {
    %c0_i32 = arith.constant 0 : i32
    %c0_i32_0 = arith.constant 0 : i32
    return %arg0, %c0_i32 : i32, i32
  }
  func.func @transform_2(%arg0: i32) -> (i32, i32) {
    %c0_i32 = arith.constant 0 : i32
    %c0_i32_0 = arith.constant 0 : i32
    %c0_i32_1 = arith.constant 0 : i32
    return %c0_i32, %c0_i32_0 : i32, i32
  }
  func.func @transform_3(%arg0: i32) -> (i32, i32) {
    %c0_i32 = arith.constant 0 : i32
    %c0_i32_0 = arith.constant 0 : i32
    %c0_i32_1 = arith.constant 0 : i32
    return %c0_i32, %c0_i32_0 : i32, i32
  }
  func.func @transform_4(%arg0: i32) -> (i32, i32) {
    %c0_i32 = arith.constant 0 : i32
    %c0_i32_0 = arith.constant 0 : i32
    return %arg0, %c0_i32 : i32, i32
  }
}

</mosaic_0001>

<sc_bundles>
// kernel: kernel.10.cloned.1.call-start
scs
__scs_entry_jumppad:
0x0: {  	(pc) =	sbr.rel $0x88, $3  }
0x1: {  	(tag) =	ssettag $0x0;
	lr =	simm.s32 $0x1  }
0x2: {  	[smem:$0x3F96] =	sst lr;
	_ =	strace $0xD0000000  }
0x3: {  	_ = 	snop  }
0x4: {  	_ = 	snop  }
0x5: {  	_ = 	snop  }
0x6: {  	_ = 	snop  }
0x7: {  	_ = 	snop  }
__scs_overlays_trampoline_lowered:
0x8: {  	[smem:$0x3FA5] =	sst s0  }
0x9: {  	[smem:$0x3FA6] =	sst s1  }
0xa: {  	[smem:$0x3FA7] =	sst s2  }
0xb: {  	[smem:$0x3FA8] =	sst s3  }
0xc: {  	[smem:$0x3FA9] =	sst s4  }
0xd: {  	[smem:$0x3FAA] =	sst s5  }
0xe: {  	[smem:$0x3FAB] =	sst s6  }
0xf: {  	[smem:$0x3FAC] =	sst s7  }
0x10: {  	[smem:$0x3FAD] =	sst s8  }
0x11: {  	[smem:$0x3FAE] =	sst s9;
	s0 =	simm.s32 @!p0 $0x0  }
0x12: {  	s1 =	sld [smem:$0x3F94];
	s0 =	simm.s32 @p0 $0x1  }
0x13: {  	[smem:$0x3FAF] =	sst s0;
	s0 =	simm.s32 @!p1 $0x0  }
0x14: {  	s2 =	sld [smem:$0x3F93];
	s0 =	simm.s32 @p1 $0x1  }
0x15: {  	[smem:$0x3FB0] =	sst s0;
	s0 =	simm.s32 @!p2 $0x0  }
0x16: {  	s3 =	sld [smem:$0x3FDB];
	s0 =	simm.s32 @p2 $0x1  }
0x17: {  	s4 =	simm.s32 $0x1BF5;
	[smem:$0x3FB2] =	sst s0  }
0x18: {  	s0 =	sld [smem:$0x3F95];
	_ =	swait.ge [sflag:s4], $0x0  }
0x19: {  	s7 =	sld [smem:$0x3F96]  }
0x1a: {  	s8 =	sadd.s32 $0xFFFFE003, lr  }
0x1b: {  	s9 =	sadd.s32 $0xFFFFFEF7, lr;
	s5 =	simm.s32 $0xFFFFFFFF;
	p2 =	slt.u32 s8, $0xFFFFF086  }
0x1c: {  	p1 =	slt.u32 s9, $0xF7A;
	s5 =	simm.s32 @!p2 $0x0  }
0x1d: {  	s5 =	simm.s32 @p1 $0x1;
	p0 =	seq.s32 s7, s2  }
0x1e: {  	s7 =	smul.u32 @!p0 $0xF7A, s2;
	p2 =	seq.s32 @!p0 s5, $0x0  }
0x1f: {  	s9 =	smul.u32 $0xF7A, s1;
	s8 =	simm.s32 @!p0 $0x1BF5;
	p2 =	por !p2, p0  }
0x20: {  	[sflag:s8] =	ssyncset.s32 @!p0 $0xFFFFF086;
	s6 =	sadd.s32 @!p0 s3, s7;
	s7 =	simm.s32 @!p0 $0x108  }
0x21: {  	s3 =	sadd.s32 s3, s9;
	s6 =	sadd.s32 @!p0 $0x88, s6;
	s7 =	simm.s32 @p2 $0x1082  }
0x22: {  	[simem:s7], [sflag:s8] =	dma.local @!p0 [hbm:s6], $0xF7A  }
0x23: {  	s9 =	sor.u32 $0xD0000000, s2;
	s6 =	simm.s32 $0x108;
	_ =	swait.ge @!p0 [sflag:s8], $0x0  }
0x24: {  	s3 =	sadd.s32 $0x88, s3;
	s6 =	simm.s32 @!p1 $0x1082;
	[sflag:s4] =	ssyncset.s32 $0xFFFFF086  }
0x25: {  	[simem:s6], [sflag:s4] =	dma.local [hbm:s3], $0xF7A  }
0x26: {  	[smem:$0x3F96] =	sst s1;
	(tag) =	ssettag s2;
	_ =	strace s9  }
0x27: {  	s1 =	sld [smem:$0x3FA6]  }
0x28: {  	s2 =	sld [smem:$0x3FA7]  }
0x29: {  	s4 =	sld [smem:$0x3FA9]  }
0x2a: {  	p0 =	seq.s32 s5, $0x0;
	s5 =	sld [smem:$0x3FAA]  }
0x2b: {  	s6 =	sld [smem:$0x3FAB]  }
0x2c: {  	s7 =	sld [smem:$0x3FAC]  }
0x2d: {  	s3 =	simm.s32 $0x108;
	s8 =	sld [smem:$0x3FAD]  }
0x2e: {  	s3 =	simm.s32 @!p0 $0x1082;
	s9 =	sld [smem:$0x3FAE]  }
0x2f: {  	lr =	sadd.s32 s0, s3;
	s0 =	sld [smem:$0x3FA5]  }
0x30: {  	s3 =	sld [smem:$0x3FA8]  }
0x31: {  	[smem:$0x3FB1] =	sst s10  }
0x32: {  	s10 =	sld [smem:$0x3FAF];
	_ =	sdelay $0x3  }
0x33: {  	p0 =	seq.s32 s10, $0x1;
	s10 =	sld [smem:$0x3FB1];
	_ =	sdelay $0x3  }
0x34: {  	[smem:$0x3FB1] =	sst s10  }
0x35: {  	s10 =	sld [smem:$0x3FB0];
	_ =	sdelay $0x3  }
0x36: {  	p1 =	seq.s32 s10, $0x1;
	s10 =	sld [smem:$0x3FB1];
	_ =	sdelay $0x3  }
0x37: {  	[smem:$0x3FB1] =	sst s10  }
0x38: {  	s10 =	sld [smem:$0x3FB2]  }
0x39: {  	_ = 	snop;
	(pc) =	sbr.ind lr, $3  }
0x3a: {  	_ = 	snop  }
0x3b: {  	_ = 	snop  }
0x3c: {  	p2 =	seq.s32 s10, $0x1;
	s10 =	sld [smem:$0x3FB1]  }
0x3d: {  	_ =	shalt  }
0x3e: {  	_ =	shalt  }
0x3f: {  	_ =	shalt  }
0x40: {  	_ =	shalt  }
0x41: {  	_ =	shalt  }
0x42: {  	_ =	shalt  }
0x43: {  	_ =	shalt  }
0x44: {  	_ =	shalt  }
0x45: {  	_ =	shalt  }
0x46: {  	_ =	shalt  }
0x47: {  	_ =	shalt  }
0x48: {  	_ =	shalt  }
0x49: {  	_ =	shalt  }
0x4a: {  	_ =	shalt  }
0x4b: {  	_ =	shalt  }
0x4c: {  	_ =	shalt  }
0x4d: {  	_ =	shalt  }
0x4e: {  	_ =	shalt  }
0x4f: {  	_ =	shalt  }
0x50: {  	_ =	shalt  }
0x51: {  	_ =	shalt  }
0x52: {  	_ =	shalt  }
0x53: {  	_ =	shalt  }
0x54: {  	_ =	shalt  }
0x55: {  	_ =	shalt  }
0x56: {  	_ =	shalt  }
0x57: {  	_ =	shalt  }
0x58: {  	_ =	shalt  }
0x59: {  	_ =	shalt  }
0x5a: {  	_ =	shalt  }
0x5b: {  	_ =	shalt  }
0x5c: {  	_ =	shalt  }
0x5d: {  	_ =	shalt  }
0x5e: {  	_ =	shalt  }
0x5f: {  	_ =	shalt  }
0x60: {  	_ =	shalt  }
0x61: {  	_ =	shalt  }
0x62: {  	_ =	shalt  }
0x63: {  	_ =	shalt  }
0x64: {  	_ =	shalt  }
0x65: {  	_ =	shalt  }
0x66: {  	_ =	shalt  }
0x67: {  	_ =	shalt  }
0x68: {  	_ =	shalt  }
0x69: {  	_ =	shalt  }
0x6a: {  	_ =	shalt  }
0x6b: {  	_ =	shalt  }
0x6c: {  	_ =	shalt  }
0x6d: {  	_ =	shalt  }
0x6e: {  	_ =	shalt  }
0x6f: {  	_ =	shalt  }
0x70: {  	_ =	shalt  }
0x71: {  	_ =	shalt  }
0x72: {  	_ =	shalt  }
0x73: {  	_ =	shalt  }
0x74: {  	_ =	shalt  }
0x75: {  	_ =	shalt  }
0x76: {  	_ =	shalt  }
0x77: {  	_ =	shalt  }
0x78: {  	_ =	shalt  }
0x79: {  	_ =	shalt  }
0x7a: {  	_ =	shalt  }
0x7b: {  	_ =	shalt  }
0x7c: {  	_ =	shalt  }
0x7d: {  	_ =	shalt  }
0x7e: {  	_ =	shalt  }
0x7f: {  	_ =	shalt  }
0x80: {  	_ =	shalt  }
0x81: {  	_ =	shalt  }
0x82: {  	_ =	shalt  }
0x83: {  	_ =	shalt  }
0x84: {  	_ =	shalt  }
0x85: {  	_ =	shalt  }
0x86: {  	_ =	shalt  }
0x87: {  	_ =	shalt  }
.Lfunc_end0:
.L_simem_size_0:
called_computation_lowered:
.L_overlay_start_0:
0x88: {  	s2 =	sld [smem:$0x3FD9]  }
0x89: {  	s3 =	sld [smem:$0x3FFE];
	_ =	sdelay $0x1  }
0x8a: {  	s1 =	srdreg.scid  }
0x8b: {  	s0 =	sand.u32 $0x1, s1  }
0x8c: {  	s16 =	sshll.u32 s0, $0xA;
	s2 =	sadd.s32 s3, s2  }
0x8d: {  	s2 =	sadd.s32 s2, s16  }
0x8e: {  	[smem:$0x3FBD] =	sst s2  }
0x8f: {  	_ = 	snop  }
0x90: {  	(tm) =	ssettm $0x1  }
0x91: {  	s17 =	sld [smem:$0x3FFB];
	_ =	sdelay $0x3  }
0x92: {  	_ =	strace s17  }
0x93: {  	s2 =	sld [smem:$0x3FFC];
	_ =	sdelay $0x3  }
0x94: {  	_ =	strace s2  }
0x95: {  	s2 =	sld [smem:$0x3FFD];
	_ =	sdelay $0x3  }
0x96: {  	_ =	strace s2  }
0x97: {  	_ =	strace $0x8FFFFFFF  }
0x98: {  	s18 =	sld [smem:$0x3FDB];
	_ =	sdelay $0x1  }
0x99: {  	s19 =	simm.s32 $_scs_section_size  }
0x9a: {  	s4 =	simm.s32 $_size__tile_overlayer_lowered;
	s5 =	simm.s32 $_tile_overlayer_lowered  }
0x9b: {  	s22 =	simm.s32 $0x1BFF;
	s21 =	sshll.u32 s5, $0x1;
	s2 =	sadd.s32 s19, s18  }
0x9c: {  	s6 =	simm.s32 $0x0;
	s20 =	sshll.u32 s4, $0x1;
	s4 =	sadd.s32 s21, s2  }
0x9d: {  	[timem:s6], [sflag:s22] =	dma.local [hbm:s4], s20  }
0x9e: {  	_ =	swait.ge [sflag:s22], s20  }
0x9f: {  	s3 =	ssub.s32 $0x0, s20;
	[sflag:s22] =	ssyncset.done $0x0  }
0xa0: {  	[sflag:s22] =	ssyncadd.s32 s3;
	_ =	sdelay $0x1  }
0xa1: {  	s23 =	simm.s32 $0x1B8B  }
0xa2: {  	_ =	swait.ge [sflag:s23], $0x1  }
0xa3: {  	[sflag:s23] =	ssyncset.done $0x0  }
0xa4: {  	s25 =	simm.s32 $0x1B8E;
	s24 =	sld [smem:$0x3FFE];
	[sflag:s23] =	ssyncadd.s32 $0xFFFFFFFF  }
0xa5: {  	s26 =	simm.s32 $execute0_lowered;
	[smem:$0x3FD2] =	sst s25  }
0xa6: {  	s4 =	sshll.u32 s26, $0x1;
	_ =	strace $0x80000046;
	[dreg:$0x1] =	wrdreg $0xFFFFFFFF  }
0xa7: {  	s28 =	simm.s32 $_size_execute0_lowered;
	s2 =	sadd.s32 s2, s4;
	[dreg:$0x0] =	wrdreg $0x0  }
0xa8: {  	s4 =	sshll.u32 s28, $0x1;
	[dreg:$0x2] =	wrdreg s2  }
0xa9: {  	[dreg:$0x3] =	wrdreg s4  }
0xaa: {  	[dreg:$0x4] =	wrdreg $0xC0  }
0xab: {  	_ =	task [dreg:s6], $0x5FFFF  }
0xac: {  	[dreg:$0x1] =	wrdreg $0xFFFFFFFF  }
0xad: {  	[dreg:$0x0] =	wrdreg $0x60  }
0xae: {  	[dreg:$0x2] =	wrdreg s24  }
0xaf: {  	[dreg:$0x3] =	wrdreg $0x7800  }
0xb0: {  	[dreg:$0x4] =	wrdreg $0x9  }
0xb1: {  	_ =	task.clear_ibuf [dreg:s6], $0x5FFFF;
	_ =	strace $0x90000046  }
0xb2: {  	s29 =	simm.s32 $0x9;
	_ =	strace $0x80000048  }
0xb3: {  	_ =	swait.ge [sflag:s29], $0x1  }
0xb4: {  	[sflag:s29] =	ssyncadd.s32 $0xFFFFFFFF  }
0xb5: {  	_ =	strace $0x90000048  }
0xb6: {  	_ =	sfence  }
0xb7: {  	s30 =	sld [smem:$0x0];
	_ =	sdelay $0x2  }
0xb8: {  	s31 =	sshll.u32 s1, $0xD;
	s1 =	sshrl.u32 s1, $0x2  }
0xb9: {  	s3 =	sand.u32 $0x4000, s31;
	s1 =	sadd.s32 s1, s30  }
0xba: {  	s0 =	sor.u32 s3, s0;
	s1 =	sshll.u32 s1, $0x11  }
0xbb: {  	s0 =	sor.u32 s1, s0  }
0xbc: {  	s0 =	sadd.s32 $0x8F2B, s0  }
0xbd: {  	[sflag:s0] =	ssyncadd.remote.s32 $0x1  }
0xbe: {  	_ =	sfence.sel $0xFFFF  }
0xbf: {  	[dreg:$0x0] =	wrdreg $0xFFFFFFFF;
	(pc) =	sbr.abs _section_cstart, $3  }
0xc0: {  	[dreg:$0x1] =	wrdreg $0xFFFFFFFF  }
0xc1: {  	_ =	task.clear_ibuf [dreg:s6], $0x2FFFF;
	_ =	strace $0x9FFFFFFF  }
0xc2: {  	(tm) =	ssettm $0x7FFFFFFF  }
0xc3: {  	_ =	shalt  }
tec
execute0_lowered:
.L_overlay_start_1:
0x0: {  	(tag) =	ssettag $0x1  }
0x1: {  	s0 =	stileid.u32  }
0x2: {  	s5 =	smul.u32 $0x4E20, s0  }
0x3: {  	s1 =	srdreg.scid;
	s25 =	smul.u32 $0x1900, s0  }
0x4: {  	s4 =	sand.u32 $0x1, s1;
	s11 =	smul.u32 $0x640, s0  }
0x5: {  	s7 =	smul.u32 $0x2710, s4  }
0x6: {  	s8 =	sor.u32 $0x10, s0;
	s14 =	smul.u32 $0x13880, s4  }
0x7: {  	s6 =	rddreg [dreg:$0x0];
	s10 =	sor.u32 $0x20, s0;
	s26 =	smul.u32 $0x1900, s8  }
0x8: {  	s2 =	rddreg [dreg:$0x1];
	s18 =	sor.u32 $0x30, s0;
	s28 =	smul.u32 $0x1900, s10  }
0x9: {  	s3 =	simm.s32 $0x0;
	s1 =	rddreg [dreg:$0x2];
	s9 =	smul.u32 $0x1900, s18  }
0xa: {  	s21 =	simm.s32 $0x50;
	[smem:$0x7FF] =	sst s3;
	s12 =	smul.u32 $0x640, s8  }
0xb: {  	s16 =	sadd.s32 $0x16E00, s6;
	_ =	strace $0x80000047;
	s15 =	smul.u32 $0x640, s10  }
0xc: {  	s22 =	ssub.s32 $0x2, s4;
	s19 =	smul.u32 $0x640, s18;
	p0 =	sgt.u32 s18, $0x31  }
0xd: {  	s18 =	simm.s32 $0x100;
	s23 =	sshrl.u32 s22, $0x1;
	s5 =	sadd.s32 s7, s5  }
0xe: {  	s24 =	ssub.s32 s22, s23;
	s7 =	sshrl.u32 s28, $0x2;
	s9 =	sshrl.u32 s9, $0x2  }
0xf: {  	s13 =	sadd.s32 s14, s12;
	s20 =	sadd.s32 s14, s15;
	s30 =	sadd.s32 s14, s19  }
0x10: {  	s22 =	simm.s32 $0x2;
	s23 =	simm.s32 $0x0;
	s5 =	sshrl.u32 s5, $0x3  }
0x11: {  	s4 =	smax.u32 s24, $0x1;
	s7 =	sadd.s32 s7, s2;
	s8 =	sadd.s32 s9, s2  }
0x12: {  	s9 =	sadd.s32 s11, s2;
	s11 =	sadd.s32 s14, s11;
	s13 =	sshrl.u32 s13, $0x3  }
0x13: {  	s29 =	sshrl.u32 s20, $0x3;
	s31 =	sshrl.u32 s30, $0x3;
	s20 =	simm.s32 $0x80  }
0x14: {  	s17 =	sadd.s32 s5, s6;
	s5 =	sshrl.u32 s25, $0x2;
	s6 =	sshrl.u32 s26, $0x2  }
0x15: {  	s11 =	sshrl.u32 s11, $0x3;
	s14 =	sadd.s32 s16, s29;
	s5 =	sadd.s32 s5, s2  }
0x16: {  	s6 =	sadd.s32 s6, s2;
	s10 =	sadd.s32 s16, s11;
	s11 =	sadd.s32 s12, s2  }
0x17: {  	s12 =	sadd.s32 s16, s13;
	s13 =	sadd.s32 s15, s2;
	s15 =	sadd.s32 s19, s2  }
0x18: {  	v0 =	vimm.f32 $0.0e+00;
	v1 =	vimm.f32 $1.000000000e+00;
	s16 =	sadd.s32 s16, s31;
	s17 =	sadd.s32 $0x3200, s17;
	s19 =	simm.s32 $0x1  }
.LBB2_1:
0x19: {  	s24 =	simm.s32 $0x40;
	s25 =	simm.s32 $0x0  }
.LBB2_2:
0x1a: {  	p1 =	sne.s32 s24, $0x18C0;
	[tilespmem:s25+$0x100] =	vst v0;
	s25 =	smov.u32 s24;
	s24 =	sadd.s32 $0x40, s24  }
.Ltmp0:
0x1b: {  	(pc) =	sbr.rel @p1 .LBB2_2-.Ltmp0, $2  }
0x1c: {  	_ =	sdelay $0x2  }
0x1d: {  	s25 =	sshra.s32 s25, $0x2  }
0x1e: {  	[tilespmem:s25+$0x100] =	vst v0  }
0x1f: {  	[spmem:s5] =	stream.linear.scatter [tilespmem:s18], [sflag:$0x1], $0x640, $0x38;
	[tilespmem:$0x1B08] =	vst v63  }
0x20: {  	_ =	swait.ge [sflag:s19], $0x640  }
0x21: {  	[sflag:s19] =	ssyncset.done $0x0  }
0x22: {  	[sflag:s19] =	ssyncadd.s32 $0xFFFFF9C0  }
0x23: {  	[spmem:s6] =	stream.linear.scatter [tilespmem:s18], [sflag:$0x1], $0x640, $0x38;
	[tilespmem:$0x1B08] =	vst v63  }
0x24: {  	_ =	swait.ge [sflag:s19], $0x640  }
0x25: {  	[sflag:s19] =	ssyncset.done $0x0  }
0x26: {  	[sflag:s19] =	ssyncadd.s32 $0xFFFFF9C0  }
0x27: {  	[spmem:s7] =	stream.linear.scatter [tilespmem:s18], [sflag:$0x1], $0x640, $0x38;
	[tilespmem:$0x1B08] =	vst v63  }
0x28: {  	_ =	swait.ge [sflag:s19], $0x640  }
0x29: {  	[sflag:s19] =	ssyncset.done $0x0  }
0x2a: {  	s24 =	simm.s32 @!p0 $0x100;
	[sflag:s19] =	ssyncadd.s32 $0xFFFFF9C0  }
0x2b: {  	[spmem:s8] =	stream.linear.scatter @!p0 [tilespmem:s24], [sflag:$0x1], $0x640, $0x38;
	[tilespmem:$0x1B08] =	vst v63  }
0x2c: {  	s24 =	simm.s32 @!p0 $0x1  }
0x2d: {  	_ =	swait.ge @!p0 [sflag:s24], $0x640  }
0x2e: {  	[sflag:s24] =	ssyncset.done @!p0 $0x0  }
0x2f: {  	[sflag:s24] =	ssyncadd.s32 @!p0 $0xFFFFF9C0  }
0x30: {  	[tilespmem:$0x0] =	vst v1  }
0x31: {  	[tilespmem:$0x10] =	vst v1  }
0x32: {  	[tilespmem:$0x20] =	vst v1  }
0x33: {  	[tilespmem:$0x30] =	vst v1  }
0x34: {  	[tilespmem:$0x40] =	vst v1  }
0x35: {  	s31 =	sadd.s32 $0x0, s17;
	[bflag:$0x0] =	sbarrier.arrive $0xFFFF  }
0x36: {  	[tilespmem:s20], [sflag:$0x1] =	stream.linear.gather [hbm4b:s31+s3], $0x50, $0x38;
	[tilespmem:$0x1B08] =	vst v63  }
0x37: {  	_ =	swait.ge [sflag:s19], $0x50  }
0x38: {  	[sflag:s19] =	ssyncset.done $0x0  }
0x39: {  	[sflag:s19] =	ssyncadd.s32 $0xFFFFFFB0  }
0x3a: {  	[spmem:s2] =	stream.indirect.scatter.add.f32 [tilespmem:s3], [sflag:$0x1], $0x1, s20, s21, $0xb8;
	[tilespmem:$0x1B08] =	vst v63  }
0x3b: {  	_ =	swait.ge [sflag:s19], $0x50  }
0x3c: {  	s25 =	simm.s32 $0x14;
	s24 =	simm.s32 $0xA;
	[sflag:s19] =	ssyncset.done $0x0  }
.LBB2_4:
0x3d: {  	s26 =	sadd.s32 s24, s17  }
0x3e: {  	[sflag:s19] =	ssyncadd.s32 $0xFFFFFFB0;
	s24 =	smov.u32 s25;
	s28 =	sadd.s32 $0xA, s25  }
0x3f: {  	[tilespmem:s20], [sflag:$0x1] =	stream.linear.gather [hbm4b:s26+s3], $0x50, $0x38;
	[tilespmem:$0x1B08] =	vst v63  }
0x40: {  	p1 =	sne.s32 s25, $0x4D8;
	_ =	swait.ge [sflag:s19], $0x50  }
.Ltmp1:
0x41: {  	[sflag:s19] =	ssyncset.done $0x0;
	(pc) =	sbr.rel @p1 .LBB2_4-.Ltmp1, $4  }
0x42: {  	[sflag:s19] =	ssyncadd.s32 $0xFFFFFFB0  }
0x43: {  	[spmem:s2] =	stream.indirect.scatter.add.f32 [tilespmem:s3], [sflag:$0x1], $0x1, s20, s21, $0xb8;
	[tilespmem:$0x1B08] =	vst v63  }
0x44: {  	_ =	swait.ge [sflag:s19], $0x50  }
0x45: {  	s25 =	smov.u32 s28;
	[sflag:s19] =	ssyncset.done $0x0  }
0x46: {  	s24 =	sadd.s32 s24, s17;
	[sflag:s19] =	ssyncadd.s32 $0xFFFFFFB0  }
0x47: {  	[tilespmem:s20], [sflag:$0x1] =	stream.linear.gather [hbm4b:s24+s3], $0x50, $0x38;
	[tilespmem:$0x1B08] =	vst v63  }
0x48: {  	_ =	swait.ge [sflag:s19], $0x50  }
0x49: {  	[sflag:s19] =	ssyncset.done $0x0  }
0x4a: {  	[sflag:s19] =	ssyncadd.s32 $0xFFFFFFB0  }
0x4b: {  	[spmem:s2] =	stream.indirect.scatter.add.f32 [tilespmem:s3], [sflag:$0x1], $0x1, s20, s21, $0xb8;
	[tilespmem:$0x1B08] =	vst v63  }
0x4c: {  	_ =	swait.ge [sflag:s19], $0x50  }
0x4d: {  	[sflag:s19] =	ssyncset.done $0x0  }
0x4e: {  	[sflag:s19] =	ssyncadd.s32 $0xFFFFFFB0  }
0x4f: {  	[bflag:$0x0] =	sbarrier.arrive $0xFFFF  }
0x50: {  	[tilespmem:s18], [sflag:$0x2] =	stream.linear.gather [spmem:s9], $0x640, $0x38;
	[tilespmem:$0x1B08] =	vst v63  }
0x51: {  	_ =	swait.ge [sflag:s22], $0x640  }
0x52: {  	[sflag:s22] =	ssyncset.done $0x0  }
0x53: {  	[sflag:s22] =	ssyncadd.s32 $0xFFFFF9C0  }
0x54: {  	[hbm4b:s10+s3] =	stream.linear.scatter [tilespmem:s18], [sflag:$0x1], $0x640, $0x38;
	[tilespmem:$0x1B08] =	vst v63  }
0x55: {  	_ =	swait.ge [sflag:s19], $0x640  }
0x56: {  	[sflag:s19] =	ssyncset.done $0x0  }
0x57: {  	[sflag:s19] =	ssyncadd.s32 $0xFFFFF9C0  }
0x58: {  	[tilespmem:s18], [sflag:$0x2] =	stream.linear.gather [spmem:s11], $0x640, $0x38;
	[tilespmem:$0x1B08] =	vst v63  }
0x59: {  	_ =	swait.ge [sflag:s22], $0x640  }
0x5a: {  	[sflag:s22] =	ssyncset.done $0x0  }
0x5b: {  	[sflag:s22] =	ssyncadd.s32 $0xFFFFF9C0  }
0x5c: {  	[hbm4b:s12+s3] =	stream.linear.scatter [tilespmem:s18], [sflag:$0x1], $0x640, $0x38;
	[tilespmem:$0x1B08] =	vst v63  }
0x5d: {  	_ =	swait.ge [sflag:s19], $0x640  }
0x5e: {  	[sflag:s19] =	ssyncset.done $0x0  }
0x5f: {  	[sflag:s19] =	ssyncadd.s32 $0xFFFFF9C0  }
0x60: {  	[tilespmem:s18], [sflag:$0x2] =	stream.linear.gather [spmem:s13], $0x640, $0x38;
	[tilespmem:$0x1B08] =	vst v63  }
0x61: {  	_ =	swait.ge [sflag:s22], $0x640  }
0x62: {  	[sflag:s22] =	ssyncset.done $0x0  }
0x63: {  	[sflag:s22] =	ssyncadd.s32 $0xFFFFF9C0  }
0x64: {  	[hbm4b:s14+s3] =	stream.linear.scatter [tilespmem:s18], [sflag:$0x1], $0x640, $0x38;
	[tilespmem:$0x1B08] =	vst v63  }
0x65: {  	_ =	swait.ge [sflag:s19], $0x640  }
0x66: {  	[sflag:s19] =	ssyncset.done $0x0  }
0x67: {  	s25 =	simm.s32 @!p0 $0x2;
	s24 =	simm.s32 @!p0 $0x100;
	[sflag:s19] =	ssyncadd.s32 $0xFFFFF9C0  }
0x68: {  	[tilespmem:s24], [sflag:$0x2] =	stream.linear.gather @!p0 [spmem:s15], $0x640, $0x38;
	[tilespmem:$0x1B08] =	vst v63  }
0x69: {  	_ =	swait.ge @!p0 [sflag:s25], $0x640  }
0x6a: {  	s23 =	sadd.s32 $0x1, s23;
	[sflag:s25] =	ssyncset.done @!p0 $0x0  }
0x6b: {  	p1 =	sne.s32 s23, s4;
	[sflag:s25] =	ssyncadd.s32 @!p0 $0xFFFFF9C0;
	s25 =	simm.s32 @!p0 $0x0  }
0x6c: {  	[hbm4b:s16+s25] =	stream.linear.scatter @!p0 [tilespmem:s24], [sflag:$0x1], $0x640, $0x38;
	[tilespmem:$0x1B08] =	vst v63  }
.Ltmp2:
0x6d: {  	_ = 	snop;
	(pc) =	sbr.rel @p1 .LBB2_1-.Ltmp2, $4  }
0x6e: {  	s24 =	simm.s32 @!p0 $0x1  }
0x6f: {  	_ =	swait.ge @!p0 [sflag:s24], $0x640  }
0x70: {  	[sflag:s24] =	ssyncset.done @!p0 $0x0  }
0x71: {  	[sflag:s24] =	ssyncadd.s32 @!p0 $0xFFFFF9C0  }
0x72: {  	_ =	sfence.sel $0x180000  }
0x73: {  	[bflag:$0x0] =	sbarrier.arrive $0xFFFF  }
0x74: {  	p0 =	sne.s32 s0, $0x0;
	_ =	strace $0x90000047  }
0x75: {  	s0 =	sadd.s32 @!p0 $0x100000, s1;
	[bflag:$0x2] =	sbarrier.arrive $0xFFFF  }
0x76: {  	[sflag:s0] =	ssyncadd.tile.s32 @!p0 $0x1;
	_ =	shalt  }
.Lfunc_end2:
_tile_overlayer_lowered:
.L_overlay_start_2:
0x77: {  	(tag) =	ssettag $0x2  }
0x78: {  	s0 =	rddreg [dreg:$0x0];
	s2 =	stileid.u32  }
0x79: {  	s1 =	rddreg [dreg:$0x1];
	p0 =	sne.s32 s2, $0x0  }
0x7a: {  	s3 =	rddreg [dreg:$0x2];
	[bflag:$0x3] =	sbarrier.arrive $0xFFFF;
	s2 =	simm.s32 @!p0 $0x1C01  }
0x7b: {  	[timem:s3], [sflag:s2] =	dma.local @!p0 [hbm:s0], s1  }
0x7c: {  	s0 =	simm.s32 @!p0 $0x1  }
0x7d: {  	_ =	swait.ge @!p0 [sflag:s0], s1  }
0x7e: {  	s1 =	ssub.s32 @!p0 $0x0, s1;
	[sflag:s0] =	ssyncset.done @!p0 $0x0  }
0x7f: {  	[sflag:s0] =	ssyncadd.s32 @!p0 s1  }
0x80: {  	[bflag:$0x3] =	sbarrier.arrive $0xFFFF  }
0x81: {  	_ =	shalt  }

// kernel: kernel.13.cloned.1.call-start
scs
__scs_entry_jumppad:
0x0: {  	(pc) =	sbr.rel $0x88, $3  }
0x1: {  	(tag) =	ssettag $0x0;
	lr =	simm.s32 $0x1  }
0x2: {  	[smem:$0x3F96] =	sst lr;
	_ =	strace $0xD0000000  }
0x3: {  	_ = 	snop  }
0x4: {  	_ = 	snop  }
0x5: {  	_ = 	snop  }
0x6: {  	_ = 	snop  }
0x7: {  	_ = 	snop  }
__scs_overlays_trampoline_lowered:
0x8: {  	[smem:$0x3FA5] =	sst s0  }
0x9: {  	[smem:$0x3FA6] =	sst s1  }
0xa: {  	[smem:$0x3FA7] =	sst s2  }
0xb: {  	[smem:$0x3FA8] =	sst s3  }
0xc: {  	[smem:$0x3FA9] =	sst s4  }
0xd: {  	[smem:$0x3FAA] =	sst s5  }
0xe: {  	[smem:$0x3FAB] =	sst s6  }
0xf: {  	[smem:$0x3FAC] =	sst s7  }
0x10: {  	[smem:$0x3FAD] =	sst s8  }
0x11: {  	[smem:$0x3FAE] =	sst s9;
	s0 =	simm.s32 @!p0 $0x0  }
0x12: {  	s1 =	sld [smem:$0x3F94];
	s0 =	simm.s32 @p0 $0x1  }
0x13: {  	[smem:$0x3FAF] =	sst s0;
	s0 =	simm.s32 @!p1 $0x0  }
0x14: {  	s2 =	sld [smem:$0x3F93];
	s0 =	simm.s32 @p1 $0x1  }
0x15: {  	[smem:$0x3FB0] =	sst s0;
	s0 =	simm.s32 @!p2 $0x0  }
0x16: {  	s3 =	sld [smem:$0x3FDB];
	s0 =	simm.s32 @p2 $0x1  }
0x17: {  	s4 =	simm.s32 $0x1BF5;
	[smem:$0x3FB2] =	sst s0  }
0x18: {  	s0 =	sld [smem:$0x3F95];
	_ =	swait.ge [sflag:s4], $0x0  }
0x19: {  	s7 =	sld [smem:$0x3F96]  }
0x1a: {  	s8 =	sadd.s32 $0xFFFFE003, lr  }
0x1b: {  	s9 =	sadd.s32 $0xFFFFFEF7, lr;
	s5 =	simm.s32 $0xFFFFFFFF;
	p2 =	slt.u32 s8, $0xFFFFF086  }
0x1c: {  	p1 =	slt.u32 s9, $0xF7A;
	s5 =	simm.s32 @!p2 $0x0  }
0x1d: {  	s5 =	simm.s32 @p1 $0x1;
	p0 =	seq.s32 s7, s2  }
0x1e: {  	s7 =	smul.u32 @!p0 $0xF7A, s2;
	p2 =	seq.s32 @!p0 s5, $0x0  }
0x1f: {  	s9 =	smul.u32 $0xF7A, s1;
	s8 =	simm.s32 @!p0 $0x1BF5;
	p2 =	por !p2, p0  }
0x20: {  	[sflag:s8] =	ssyncset.s32 @!p0 $0xFFFFF086;
	s6 =	sadd.s32 @!p0 s3, s7;
	s7 =	simm.s32 @!p0 $0x108  }
0x21: {  	s3 =	sadd.s32 s3, s9;
	s6 =	sadd.s32 @!p0 $0x88, s6;
	s7 =	simm.s32 @p2 $0x1082  }
0x22: {  	[simem:s7], [sflag:s8] =	dma.local @!p0 [hbm:s6], $0xF7A  }
0x23: {  	s9 =	sor.u32 $0xD0000000, s2;
	s6 =	simm.s32 $0x108;
	_ =	swait.ge @!p0 [sflag:s8], $0x0  }
0x24: {  	s3 =	sadd.s32 $0x88, s3;
	s6 =	simm.s32 @!p1 $0x1082;
	[sflag:s4] =	ssyncset.s32 $0xFFFFF086  }
0x25: {  	[simem:s6], [sflag:s4] =	dma.local [hbm:s3], $0xF7A  }
0x26: {  	[smem:$0x3F96] =	sst s1;
	(tag) =	ssettag s2;
	_ =	strace s9  }
0x27: {  	s1 =	sld [smem:$0x3FA6]  }
0x28: {  	s2 =	sld [smem:$0x3FA7]  }
0x29: {  	s4 =	sld [smem:$0x3FA9]  }
0x2a: {  	p0 =	seq.s32 s5, $0x0;
	s5 =	sld [smem:$0x3FAA]  }
0x2b: {  	s6 =	sld [smem:$0x3FAB]  }
0x2c: {  	s7 =	sld [smem:$0x3FAC]  }
0x2d: {  	s3 =	simm.s32 $0x108;
	s8 =	sld [smem:$0x3FAD]  }
0x2e: {  	s3 =	simm.s32 @!p0 $0x1082;
	s9 =	sld [smem:$0x3FAE]  }
0x2f: {  	lr =	sadd.s32 s0, s3;
	s0 =	sld [smem:$0x3FA5]  }
0x30: {  	s3 =	sld [smem:$0x3FA8]  }
0x31: {  	[smem:$0x3FB1] =	sst s10  }
0x32: {  	s10 =	sld [smem:$0x3FAF];
	_ =	sdelay $0x3  }
0x33: {  	p0 =	seq.s32 s10, $0x1;
	s10 =	sld [smem:$0x3FB1];
	_ =	sdelay $0x3  }
0x34: {  	[smem:$0x3FB1] =	sst s10  }
0x35: {  	s10 =	sld [smem:$0x3FB0];
	_ =	sdelay $0x3  }
0x36: {  	p1 =	seq.s32 s10, $0x1;
	s10 =	sld [smem:$0x3FB1];
	_ =	sdelay $0x3  }
0x37: {  	[smem:$0x3FB1] =	sst s10  }
0x38: {  	s10 =	sld [smem:$0x3FB2]  }
0x39: {  	_ = 	snop;
	(pc) =	sbr.ind lr, $3  }
0x3a: {  	_ = 	snop  }
0x3b: {  	_ = 	snop  }
0x3c: {  	p2 =	seq.s32 s10, $0x1;
	s10 =	sld [smem:$0x3FB1]  }
0x3d: {  	_ =	shalt  }
0x3e: {  	_ =	shalt  }
0x3f: {  	_ =	shalt  }
0x40: {  	_ =	shalt  }
0x41: {  	_ =	shalt  }
0x42: {  	_ =	shalt  }
0x43: {  	_ =	shalt  }
0x44: {  	_ =	shalt  }
0x45: {  	_ =	shalt  }
0x46: {  	_ =	shalt  }
0x47: {  	_ =	shalt  }
0x48: {  	_ =	shalt  }
0x49: {  	_ =	shalt  }
0x4a: {  	_ =	shalt  }
0x4b: {  	_ =	shalt  }
0x4c: {  	_ =	shalt  }
0x4d: {  	_ =	shalt  }
0x4e: {  	_ =	shalt  }
0x4f: {  	_ =	shalt  }
0x50: {  	_ =	shalt  }
0x51: {  	_ =	shalt  }
0x52: {  	_ =	shalt  }
0x53: {  	_ =	shalt  }
0x54: {  	_ =	shalt  }
0x55: {  	_ =	shalt  }
0x56: {  	_ =	shalt  }
0x57: {  	_ =	shalt  }
0x58: {  	_ =	shalt  }
0x59: {  	_ =	shalt  }
0x5a: {  	_ =	shalt  }
0x5b: {  	_ =	shalt  }
0x5c: {  	_ =	shalt  }
0x5d: {  	_ =	shalt  }
0x5e: {  	_ =	shalt  }
0x5f: {  	_ =	shalt  }
0x60: {  	_ =	shalt  }
0x61: {  	_ =	shalt  }
0x62: {  	_ =	shalt  }
0x63: {  	_ =	shalt  }
0x64: {  	_ =	shalt  }
0x65: {  	_ =	shalt  }
0x66: {  	_ =	shalt  }
0x67: {  	_ =	shalt  }
0x68: {  	_ =	shalt  }
0x69: {  	_ =	shalt  }
0x6a: {  	_ =	shalt  }
0x6b: {  	_ =	shalt  }
0x6c: {  	_ =	shalt  }
0x6d: {  	_ =	shalt  }
0x6e: {  	_ =	shalt  }
0x6f: {  	_ =	shalt  }
0x70: {  	_ =	shalt  }
0x71: {  	_ =	shalt  }
0x72: {  	_ =	shalt  }
0x73: {  	_ =	shalt  }
0x74: {  	_ =	shalt  }
0x75: {  	_ =	shalt  }
0x76: {  	_ =	shalt  }
0x77: {  	_ =	shalt  }
0x78: {  	_ =	shalt  }
0x79: {  	_ =	shalt  }
0x7a: {  	_ =	shalt  }
0x7b: {  	_ =	shalt  }
0x7c: {  	_ =	shalt  }
0x7d: {  	_ =	shalt  }
0x7e: {  	_ =	shalt  }
0x7f: {  	_ =	shalt  }
0x80: {  	_ =	shalt  }
0x81: {  	_ =	shalt  }
0x82: {  	_ =	shalt  }
0x83: {  	_ =	shalt  }
0x84: {  	_ =	shalt  }
0x85: {  	_ =	shalt  }
0x86: {  	_ =	shalt  }
0x87: {  	_ =	shalt  }
.Lfunc_end0:
.L_simem_size_0:
called_computation.1_lowered:
.L_overlay_start_0:
0x88: {  	s2 =	sld [smem:$0x3FD9]  }
0x89: {  	s3 =	sld [smem:$0x3FFE];
	_ =	sdelay $0x1  }
0x8a: {  	s1 =	srdreg.scid  }
0x8b: {  	s0 =	sand.u32 $0x1, s1  }
0x8c: {  	s16 =	sshll.u32 s0, $0xA;
	s2 =	sadd.s32 s3, s2  }
0x8d: {  	s2 =	sadd.s32 s2, s16  }
0x8e: {  	[smem:$0x3FBD] =	sst s2  }
0x8f: {  	_ = 	snop  }
0x90: {  	(tm) =	ssettm $0x1  }
0x91: {  	s17 =	sld [smem:$0x3FFB];
	_ =	sdelay $0x3  }
0x92: {  	_ =	strace s17  }
0x93: {  	s2 =	sld [smem:$0x3FFC];
	_ =	sdelay $0x3  }
0x94: {  	_ =	strace s2  }
0x95: {  	s2 =	sld [smem:$0x3FFD];
	_ =	sdelay $0x3  }
0x96: {  	_ =	strace s2  }
0x97: {  	_ =	strace $0x8FFFFFFF  }
0x98: {  	s18 =	sld [smem:$0x3FDB];
	_ =	sdelay $0x1  }
0x99: {  	s19 =	simm.s32 $_scs_section_size  }
0x9a: {  	s4 =	simm.s32 $_size__tile_overlayer_lowered;
	s5 =	simm.s32 $_tile_overlayer_lowered  }
0x9b: {  	s22 =	simm.s32 $0x1BFF;
	s21 =	sshll.u32 s5, $0x1;
	s2 =	sadd.s32 s19, s18  }
0x9c: {  	s6 =	simm.s32 $0x0;
	s20 =	sshll.u32 s4, $0x1;
	s4 =	sadd.s32 s21, s2  }
0x9d: {  	[timem:s6], [sflag:s22] =	dma.local [hbm:s4], s20  }
0x9e: {  	_ =	swait.ge [sflag:s22], s20  }
0x9f: {  	s3 =	ssub.s32 $0x0, s20;
	[sflag:s22] =	ssyncset.done $0x0  }
0xa0: {  	[sflag:s22] =	ssyncadd.s32 s3;
	_ =	sdelay $0x1  }
0xa1: {  	s23 =	simm.s32 $0x1B8B  }
0xa2: {  	_ =	swait.ge [sflag:s23], $0x1  }
0xa3: {  	[sflag:s23] =	ssyncset.done $0x0  }
0xa4: {  	s25 =	simm.s32 $0x1B8E;
	s24 =	sld [smem:$0x3FFE];
	[sflag:s23] =	ssyncadd.s32 $0xFFFFFFFF  }
0xa5: {  	s26 =	simm.s32 $execute0_lowered;
	[smem:$0x3FD2] =	sst s25  }
0xa6: {  	s4 =	sshll.u32 s26, $0x1;
	_ =	strace $0x80000049;
	[dreg:$0x1] =	wrdreg $0xFFFFFFFF  }
0xa7: {  	s28 =	simm.s32 $_size_execute0_lowered;
	s2 =	sadd.s32 s2, s4;
	[dreg:$0x0] =	wrdreg $0x0  }
0xa8: {  	s4 =	sshll.u32 s28, $0x1;
	[dreg:$0x2] =	wrdreg s2  }
0xa9: {  	[dreg:$0x3] =	wrdreg s4  }
0xaa: {  	[dreg:$0x4] =	wrdreg $0xC0  }
0xab: {  	_ =	task [dreg:s6], $0x5FFFF  }
0xac: {  	[dreg:$0x1] =	wrdreg $0xFFFFFFFF  }
0xad: {  	[dreg:$0x0] =	wrdreg $0x60  }
0xae: {  	[dreg:$0x2] =	wrdreg s24  }
0xaf: {  	[dreg:$0x3] =	wrdreg $0x9  }
0xb0: {  	_ =	task.clear_ibuf [dreg:s6], $0x4FFFF;
	_ =	strace $0x90000049  }
0xb1: {  	s29 =	simm.s32 $0x9;
	_ =	strace $0x8000004B  }
0xb2: {  	_ =	swait.ge [sflag:s29], $0x1  }
0xb3: {  	[sflag:s29] =	ssyncadd.s32 $0xFFFFFFFF  }
0xb4: {  	_ =	strace $0x9000004B  }
0xb5: {  	_ =	sfence  }
0xb6: {  	s30 =	sld [smem:$0x0];
	_ =	sdelay $0x2  }
0xb7: {  	s31 =	sshll.u32 s1, $0xD;
	s1 =	sshrl.u32 s1, $0x2  }
0xb8: {  	s3 =	sand.u32 $0x4000, s31;
	s1 =	sadd.s32 s1, s30  }
0xb9: {  	s0 =	sor.u32 s3, s0;
	s1 =	sshll.u32 s1, $0x11  }
0xba: {  	s0 =	sor.u32 s1, s0  }
0xbb: {  	s0 =	sadd.s32 $0x8F2B, s0  }
0xbc: {  	[sflag:s0] =	ssyncadd.remote.s32 $0x1  }
0xbd: {  	_ =	sfence.sel $0xFFFF  }
0xbe: {  	[dreg:$0x0] =	wrdreg $0xFFFFFFFF;
	(pc) =	sbr.abs _section_cstart, $3  }
0xbf: {  	[dreg:$0x1] =	wrdreg $0xFFFFFFFF  }
0xc0: {  	_ =	task.clear_ibuf [dreg:s6], $0x2FFFF;
	_ =	strace $0x9FFFFFFF  }
0xc1: {  	(tm) =	ssettm $0x7FFFFFFF  }
tec
execute0_lowered:
.L_overlay_start_1:
0x0: {  	(tag) =	ssettag $0x1  }
0x1: {  	s1 =	srdreg.scid  }
0x2: {  	s0 =	stileid.u32;
	s5 =	rddreg [dreg:$0x0]  }
0x3: {  	s2 =	simm.s32 $0x0;
	s3 =	sand.u32 $0x1, s1;
	s4 =	smul.u32 $0x4E20, s0  }
0x4: {  	s8 =	simm.s32 $0x13880;
	s9 =	simm.s32 $0x138D0;
	s6 =	smul.u32 $0x2710, s3  }
0x5: {  	s10 =	simm.s32 $0x0;
	s1 =	rddreg [dreg:$0x1];
	s3 =	ssub.s32 $0x2, s3  }
0x6: {  	[smem:$0x7FF] =	sst s2;
	s31 =	sshrl.u32 s3, $0x1;
	s4 =	sadd.s32 s6, s4  }
0x7: {  	_ =	strace $0x8000004A;
	s6 =	ssub.s32 s3, s31;
	s4 =	sshrl.u32 s4, $0x3  }
0x8: {  	s3 =	sadd.s32 $0x16E00, s5;
	s7 =	sadd.s32 s4, s5;
	s4 =	smax.u32 s6, $0x1  }
0x9: {  	s5 =	sadd.s32 $0x19600, s7;
	s6 =	sadd.s32 $0x3200, s7;
	s7 =	simm.s32 $0x1  }
.LBB2_1:
0xa: {  	[tilespmem:s2], [sflag:$0x1] =	stream.linear.gather [hbm4b:s3+s2], $0x13880, $0x38;
	[tilespmem:$0x13920] =	vst v63  }
0xb: {  	_ =	swait.ge [sflag:s7], $0x13880  }
0xc: {  	[sflag:s7] =	ssyncset.done $0x0  }
0xd: {  	s11 =	sadd.s32 $0x0, s6;
	[sflag:s7] =	ssyncadd.s32 $0xFFFEC780  }
0xe: {  	[tilespmem:s8], [sflag:$0x1] =	stream.linear.gather [hbm4b:s11+s2], $0x50, $0x38;
	[tilespmem:$0x13920] =	vst v63  }
0xf: {  	_ =	swait.ge [sflag:s7], $0x50  }
0x10: {  	[sflag:s7] =	ssyncset.done $0x0  }
0x11: {  	[sflag:s7] =	ssyncadd.s32 $0xFFFFFFB0  }
0x12: {  	v0 =	vld [tilespmem:$0x13880];
	_ =	sdelay $0x5  }
0x13: {  	v1 =	vld [tilespmem:$0x13890];
	_ =	sdelay $0x1  }
0x14: {  	v0 =	vld.idx.msk [tilespmem:v0+s2+$0x0], $0xffff;
	_ =	sdelay $0x3  }
0x15: {  	v2 =	vld [tilespmem:$0x138A0]  }
0x16: {  	[tilespmem:$0x138D0] =	vst v0  }
0x17: {  	v0 =	vld.idx.msk [tilespmem:v1+s2+$0x0], $0xffff;
	_ =	sdelay $0x3  }
0x18: {  	v62 =	vld [tilespmem:$0x138B0]  }
0x19: {  	[tilespmem:$0x138E0] =	vst v0  }
0x1a: {  	v0 =	vld.idx.msk [tilespmem:v2+s2+$0x0], $0xffff;
	_ =	sdelay $0x3  }
0x1b: {  	v63 =	vld [tilespmem:$0x138C0]  }
0x1c: {  	[tilespmem:$0x138F0] =	vst v0  }
0x1d: {  	v0 =	vld.idx.msk [tilespmem:v62+s2+$0x0], $0xffff;
	_ =	sdelay $0x4  }
0x1e: {  	[tilespmem:$0x13900] =	vst v0  }
0x1f: {  	v0 =	vld.idx.msk [tilespmem:v63+s2+$0x0], $0xffff;
	_ =	sdelay $0x4  }
0x20: {  	s31 =	sadd.s32 $0x0, s5;
	[tilespmem:$0x13910] =	vst v0  }
0x21: {  	[hbm4b:s31+s2] =	stream.linear.scatter [tilespmem:s9], [sflag:$0x1], $0x50, $0x38;
	[tilespmem:$0x13920] =	vst v63  }
0x22: {  	_ =	swait.ge [sflag:s7], $0x50  }
0x23: {  	s14 =	simm.s32 $0x14;
	s11 =	simm.s32 $0xA;
	[sflag:s7] =	ssyncset.done $0x0  }
.LBB2_2:
0x24: {  	s15 =	sadd.s32 s11, s6  }
0x25: {  	[sflag:s7] =	ssyncadd.s32 $0xFFFFFFB0;
	s13 =	smov.u32 s14;
	s12 =	sadd.s32 $0xA, s14  }
0x26: {  	[tilespmem:s8], [sflag:$0x1] =	stream.linear.gather [hbm4b:s15+s2], $0x50, $0x38;
	[tilespmem:$0x13920] =	vst v63  }
0x27: {  	p0 =	sne.s32 s14, $0x4D8;
	_ =	swait.ge [sflag:s7], $0x50  }
0x28: {  	[sflag:s7] =	ssyncset.done $0x0  }
0x29: {  	[sflag:s7] =	ssyncadd.s32 $0xFFFFFFB0  }
0x2a: {  	v0 =	vld [tilespmem:$0x13880];
	_ =	sdelay $0x6  }
0x2b: {  	v1 =	vld [tilespmem:$0x13890]  }
0x2c: {  	v0 =	vld.idx.msk [tilespmem:v0+s2+$0x0], $0xffff;
	_ =	sdelay $0x5  }
0x2d: {  	[tilespmem:$0x138D0] =	vst v0;
	v0 =	vld [tilespmem:$0x138A0]  }
0x2e: {  	v1 =	vld.idx.msk [tilespmem:v1+s2+$0x0], $0xffff;
	_ =	sdelay $0x5  }
0x2f: {  	[tilespmem:$0x138E0] =	vst v1;
	v1 =	vld [tilespmem:$0x138B0]  }
0x30: {  	v0 =	vld.idx.msk [tilespmem:v0+s2+$0x0], $0xffff;
	_ =	sdelay $0x5  }
0x31: {  	[tilespmem:$0x138F0] =	vst v0;
	v0 =	vld [tilespmem:$0x138C0]  }
0x32: {  	v1 =	vld.idx.msk [tilespmem:v1+s2+$0x0], $0xffff;
	_ =	sdelay $0x5  }
0x33: {  	[tilespmem:$0x13900] =	vst v1  }
0x34: {  	v0 =	vld.idx.msk [tilespmem:v0+s2+$0x0], $0xffff;
	_ =	sdelay $0x4  }
.Ltmp0:
0x35: {  	(pc) =	sbr.rel @p0 .LBB2_2-.Ltmp0, $4  }
0x36: {  	s14 =	sadd.s32 s11, s5;
	s11 =	smov.u32 s13;
	[tilespmem:$0x13910] =	vst v0  }
0x37: {  	[hbm4b:s14+s2] =	stream.linear.scatter [tilespmem:s9], [sflag:$0x1], $0x50, $0x38;
	[tilespmem:$0x13920] =	vst v63  }
0x38: {  	_ =	swait.ge [sflag:s7], $0x50  }
0x39: {  	s14 =	smov.u32 s12;
	[sflag:s7] =	ssyncset.done $0x0  }
0x3a: {  	s12 =	sadd.s32 s11, s6;
	[sflag:s7] =	ssyncadd.s32 $0xFFFFFFB0  }
0x3b: {  	[tilespmem:s8], [sflag:$0x1] =	stream.linear.gather [hbm4b:s12+s2], $0x50, $0x38;
	[tilespmem:$0x13920] =	vst v63  }
0x3c: {  	_ =	swait.ge [sflag:s7], $0x50  }
0x3d: {  	[sflag:s7] =	ssyncset.done $0x0  }
0x3e: {  	[sflag:s7] =	ssyncadd.s32 $0xFFFFFFB0  }
0x3f: {  	v0 =	vld [tilespmem:$0x13880];
	_ =	sdelay $0x5  }
0x40: {  	v1 =	vld [tilespmem:$0x13890];
	_ =	sdelay $0x1  }
0x41: {  	v0 =	vld.idx.msk [tilespmem:v0+s2+$0x0], $0xffff;
	_ =	sdelay $0x3  }
0x42: {  	v2 =	vld [tilespmem:$0x138A0]  }
0x43: {  	[tilespmem:$0x138D0] =	vst v0  }
0x44: {  	v0 =	vld.idx.msk [tilespmem:v1+s2+$0x0], $0xffff;
	_ =	sdelay $0x3  }
0x45: {  	v62 =	vld [tilespmem:$0x138B0]  }
0x46: {  	[tilespmem:$0x138E0] =	vst v0  }
0x47: {  	v0 =	vld.idx.msk [tilespmem:v2+s2+$0x0], $0xffff;
	_ =	sdelay $0x3  }
0x48: {  	v63 =	vld [tilespmem:$0x138C0]  }
0x49: {  	[tilespmem:$0x138F0] =	vst v0  }
0x4a: {  	v0 =	vld.idx.msk [tilespmem:v62+s2+$0x0], $0xffff;
	_ =	sdelay $0x4  }
0x4b: {  	[tilespmem:$0x13900] =	vst v0  }
0x4c: {  	v0 =	vld.idx.msk [tilespmem:v63+s2+$0x0], $0xffff;
	_ =	sdelay $0x2  }
0x4d: {  	s10 =	sadd.s32 $0x1, s10  }
0x4e: {  	p0 =	sne.s32 s10, s4  }
.Ltmp1:
0x4f: {  	s31 =	sadd.s32 s11, s5;
	[tilespmem:$0x13910] =	vst v0;
	(pc) =	sbr.rel @p0 .LBB2_1-.Ltmp1, $4  }
0x50: {  	[hbm4b:s31+s2] =	stream.linear.scatter [tilespmem:s9], [sflag:$0x1], $0x50, $0x38;
	[tilespmem:$0x13920] =	vst v63  }
0x51: {  	_ =	swait.ge [sflag:s7], $0x50  }
0x52: {  	[sflag:s7] =	ssyncset.done $0x0  }
0x53: {  	[sflag:s7] =	ssyncadd.s32 $0xFFFFFFB0  }
0x54: {  	_ =	sfence.sel $0x180000  }
0x55: {  	[bflag:$0x0] =	sbarrier.arrive $0xFFFF  }
0x56: {  	p0 =	sne.s32 s0, $0x0;
	_ =	strace $0x9000004A  }
0x57: {  	s0 =	sadd.s32 @!p0 $0x100000, s1;
	[bflag:$0x2] =	sbarrier.arrive $0xFFFF  }
0x58: {  	[sflag:s0] =	ssyncadd.tile.s32 @!p0 $0x1;
	_ =	shalt  }
.Lfunc_end2:
_tile_overlayer_lowered:
.L_overlay_start_2:
0x59: {  	(tag) =	ssettag $0x2  }
0x5a: {  	s0 =	rddreg [dreg:$0x0];
	s2 =	stileid.u32  }
0x5b: {  	s1 =	rddreg [dreg:$0x1];
	p0 =	sne.s32 s2, $0x0  }
0x5c: {  	s3 =	rddreg [dreg:$0x2];
	[bflag:$0x3] =	sbarrier.arrive $0xFFFF;
	s2 =	simm.s32 @!p0 $0x1C01  }
0x5d: {  	[timem:s3], [sflag:s2] =	dma.local @!p0 [hbm:s0], s1  }
0x5e: {  	s0 =	simm.s32 @!p0 $0x1  }
0x5f: {  	_ =	swait.ge @!p0 [sflag:s0], s1  }
0x60: {  	s1 =	ssub.s32 @!p0 $0x0, s1;
	[sflag:s0] =	ssyncset.done @!p0 $0x0  }
0x61: {  	[sflag:s0] =	ssyncadd.s32 @!p0 s1  }
0x62: {  	[bflag:$0x3] =	sbarrier.arrive $0xFFFF  }
0x63: {  	_ =	shalt  }

// kernel: kernel.16.cloned.1.call-start
scs
__scs_entry_jumppad:
0x0: {  	(pc) =	sbr.rel $0x88, $3  }
0x1: {  	(tag) =	ssettag $0x0;
	lr =	simm.s32 $0x1  }
0x2: {  	[smem:$0x3F96] =	sst lr;
	_ =	strace $0xD0000000  }
0x3: {  	_ = 	snop  }
0x4: {  	_ = 	snop  }
0x5: {  	_ = 	snop  }
0x6: {  	_ = 	snop  }
0x7: {  	_ = 	snop  }
__scs_overlays_trampoline_lowered:
0x8: {  	[smem:$0x3FA5] =	sst s0  }
0x9: {  	[smem:$0x3FA6] =	sst s1  }
0xa: {  	[smem:$0x3FA7] =	sst s2  }
0xb: {  	[smem:$0x3FA8] =	sst s3  }
0xc: {  	[smem:$0x3FA9] =	sst s4  }
0xd: {  	[smem:$0x3FAA] =	sst s5  }
0xe: {  	[smem:$0x3FAB] =	sst s6  }
0xf: {  	[smem:$0x3FAC] =	sst s7  }
0x10: {  	[smem:$0x3FAD] =	sst s8  }
0x11: {  	[smem:$0x3FAE] =	sst s9;
	s0 =	simm.s32 @!p0 $0x0  }
0x12: {  	s1 =	sld [smem:$0x3F94];
	s0 =	simm.s32 @p0 $0x1  }
0x13: {  	[smem:$0x3FAF] =	sst s0;
	s0 =	simm.s32 @!p1 $0x0  }
0x14: {  	s2 =	sld [smem:$0x3F93];
	s0 =	simm.s32 @p1 $0x1  }
0x15: {  	[smem:$0x3FB0] =	sst s0;
	s0 =	simm.s32 @!p2 $0x0  }
0x16: {  	s3 =	sld [smem:$0x3FDB];
	s0 =	simm.s32 @p2 $0x1  }
0x17: {  	s4 =	simm.s32 $0x1BF5;
	[smem:$0x3FB2] =	sst s0  }
0x18: {  	s0 =	sld [smem:$0x3F95];
	_ =	swait.ge [sflag:s4], $0x0  }
0x19: {  	s7 =	sld [smem:$0x3F96]  }
0x1a: {  	s8 =	sadd.s32 $0xFFFFE003, lr  }
0x1b: {  	s9 =	sadd.s32 $0xFFFFFEF7, lr;
	s5 =	simm.s32 $0xFFFFFFFF;
	p2 =	slt.u32 s8, $0xFFFFF086  }
0x1c: {  	p1 =	slt.u32 s9, $0xF7A;
	s5 =	simm.s32 @!p2 $0x0  }
0x1d: {  	s5 =	simm.s32 @p1 $0x1;
	p0 =	seq.s32 s7, s2  }
0x1e: {  	s7 =	smul.u32 @!p0 $0xF7A, s2;
	p2 =	seq.s32 @!p0 s5, $0x0  }
0x1f: {  	s9 =	smul.u32 $0xF7A, s1;
	s8 =	simm.s32 @!p0 $0x1BF5;
	p2 =	por !p2, p0  }
0x20: {  	[sflag:s8] =	ssyncset.s32 @!p0 $0xFFFFF086;
	s6 =	sadd.s32 @!p0 s3, s7;
	s7 =	simm.s32 @!p0 $0x108  }
0x21: {  	s3 =	sadd.s32 s3, s9;
	s6 =	sadd.s32 @!p0 $0x88, s6;
	s7 =	simm.s32 @p2 $0x1082  }
0x22: {  	[simem:s7], [sflag:s8] =	dma.local @!p0 [hbm:s6], $0xF7A  }
0x23: {  	s9 =	sor.u32 $0xD0000000, s2;
	s6 =	simm.s32 $0x108;
	_ =	swait.ge @!p0 [sflag:s8], $0x0  }
0x24: {  	s3 =	sadd.s32 $0x88, s3;
	s6 =	simm.s32 @!p1 $0x1082;
	[sflag:s4] =	ssyncset.s32 $0xFFFFF086  }
0x25: {  	[simem:s6], [sflag:s4] =	dma.local [hbm:s3], $0xF7A  }
0x26: {  	[smem:$0x3F96] =	sst s1;
	(tag) =	ssettag s2;
	_ =	strace s9  }
0x27: {  	s1 =	sld [smem:$0x3FA6]  }
0x28: {  	s2 =	sld [smem:$0x3FA7]  }
0x29: {  	s4 =	sld [smem:$0x3FA9]  }
0x2a: {  	p0 =	seq.s32 s5, $0x0;
	s5 =	sld [smem:$0x3FAA]  }
0x2b: {  	s6 =	sld [smem:$0x3FAB]  }
0x2c: {  	s7 =	sld [smem:$0x3FAC]  }
0x2d: {  	s3 =	simm.s32 $0x108;
	s8 =	sld [smem:$0x3FAD]  }
0x2e: {  	s3 =	simm.s32 @!p0 $0x1082;
	s9 =	sld [smem:$0x3FAE]  }
0x2f: {  	lr =	sadd.s32 s0, s3;
	s0 =	sld [smem:$0x3FA5]  }
0x30: {  	s3 =	sld [smem:$0x3FA8]  }
0x31: {  	[smem:$0x3FB1] =	sst s10  }
0x32: {  	s10 =	sld [smem:$0x3FAF];
	_ =	sdelay $0x3  }
0x33: {  	p0 =	seq.s32 s10, $0x1;
	s10 =	sld [smem:$0x3FB1];
	_ =	sdelay $0x3  }
0x34: {  	[smem:$0x3FB1] =	sst s10  }
0x35: {  	s10 =	sld [smem:$0x3FB0];
	_ =	sdelay $0x3  }
0x36: {  	p1 =	seq.s32 s10, $0x1;
	s10 =	sld [smem:$0x3FB1];
	_ =	sdelay $0x3  }
0x37: {  	[smem:$0x3FB1] =	sst s10  }
0x38: {  	s10 =	sld [smem:$0x3FB2]  }
0x39: {  	_ = 	snop;
	(pc) =	sbr.ind lr, $3  }
0x3a: {  	_ = 	snop  }
0x3b: {  	_ = 	snop  }
0x3c: {  	p2 =	seq.s32 s10, $0x1;
	s10 =	sld [smem:$0x3FB1]  }
0x3d: {  	_ =	shalt  }
0x3e: {  	_ =	shalt  }
0x3f: {  	_ =	shalt  }
0x40: {  	_ =	shalt  }
0x41: {  	_ =	shalt  }
0x42: {  	_ =	shalt  }
0x43: {  	_ =	shalt  }
0x44: {  	_ =	shalt  }
0x45: {  	_ =	shalt  }
0x46: {  	_ =	shalt  }
0x47: {  	_ =	shalt  }
0x48: {  	_ =	shalt  }
0x49: {  	_ =	shalt  }
0x4a: {  	_ =	shalt  }
0x4b: {  	_ =	shalt  }
0x4c: {  	_ =	shalt  }
0x4d: {  	_ =	shalt  }
0x4e: {  	_ =	shalt  }
0x4f: {  	_ =	shalt  }
0x50: {  	_ =	shalt  }
0x51: {  	_ =	shalt  }
0x52: {  	_ =	shalt  }
0x53: {  	_ =	shalt  }
0x54: {  	_ =	shalt  }
0x55: {  	_ =	shalt  }
0x56: {  	_ =	shalt  }
0x57: {  	_ =	shalt  }
0x58: {  	_ =	shalt  }
0x59: {  	_ =	shalt  }
0x5a: {  	_ =	shalt  }
0x5b: {  	_ =	shalt  }
0x5c: {  	_ =	shalt  }
0x5d: {  	_ =	shalt  }
0x5e: {  	_ =	shalt  }
0x5f: {  	_ =	shalt  }
0x60: {  	_ =	shalt  }
0x61: {  	_ =	shalt  }
0x62: {  	_ =	shalt  }
0x63: {  	_ =	shalt  }
0x64: {  	_ =	shalt  }
0x65: {  	_ =	shalt  }
0x66: {  	_ =	shalt  }
0x67: {  	_ =	shalt  }
0x68: {  	_ =	shalt  }
0x69: {  	_ =	shalt  }
0x6a: {  	_ =	shalt  }
0x6b: {  	_ =	shalt  }
0x6c: {  	_ =	shalt  }
0x6d: {  	_ =	shalt  }
0x6e: {  	_ =	shalt  }
0x6f: {  	_ =	shalt  }
0x70: {  	_ =	shalt  }
0x71: {  	_ =	shalt  }
0x72: {  	_ =	shalt  }
0x73: {  	_ =	shalt  }
0x74: {  	_ =	shalt  }
0x75: {  	_ =	shalt  }
0x76: {  	_ =	shalt  }
0x77: {  	_ =	shalt  }
0x78: {  	_ =	shalt  }
0x79: {  	_ =	shalt  }
0x7a: {  	_ =	shalt  }
0x7b: {  	_ =	shalt  }
0x7c: {  	_ =	shalt  }
0x7d: {  	_ =	shalt  }
0x7e: {  	_ =	shalt  }
0x7f: {  	_ =	shalt  }
0x80: {  	_ =	shalt  }
0x81: {  	_ =	shalt  }
0x82: {  	_ =	shalt  }
0x83: {  	_ =	shalt  }
0x84: {  	_ =	shalt  }
0x85: {  	_ =	shalt  }
0x86: {  	_ =	shalt  }
0x87: {  	_ =	shalt  }
.Lfunc_end0:
.L_simem_size_0:
called_computation.2_lowered:
.L_overlay_start_0:
0x88: {  	s2 =	sld [smem:$0x3FD9]  }
0x89: {  	s3 =	sld [smem:$0x3FFE];
	_ =	sdelay $0x1  }
0x8a: {  	s1 =	srdreg.scid  }
0x8b: {  	s0 =	sand.u32 $0x1, s1  }
0x8c: {  	s17 =	sshll.u32 s0, $0xA;
	s2 =	sadd.s32 s3, s2  }
0x8d: {  	s2 =	sadd.s32 s2, s17  }
0x8e: {  	[smem:$0x3FBD] =	sst s2  }
0x8f: {  	_ = 	snop  }
0x90: {  	s2 =	sld [smem:$0x3FD0];
	(tm) =	ssettm $0x1  }
0x91: {  	s18 =	sld [smem:$0x3FFB];
	_ =	sdelay $0x3  }
0x92: {  	_ =	strace s18  }
0x93: {  	s3 =	sld [smem:$0x3FFC];
	_ =	sdelay $0x3  }
0x94: {  	_ =	strace s3  }
0x95: {  	s3 =	sld [smem:$0x3FFD];
	_ =	sdelay $0x3  }
0x96: {  	_ =	strace s3  }
0x97: {  	_ =	strace $0x8FFFFFFF  }
0x98: {  	s19 =	sld [smem:$0x3FDB];
	_ =	sdelay $0x1  }
0x99: {  	s4 =	simm.s32 $_scs_section_size  }
0x9a: {  	s5 =	simm.s32 $_size__tile_overlayer_lowered;
	s6 =	simm.s32 $_tile_overlayer_lowered  }
0x9b: {  	s22 =	simm.s32 $0x1BFF;
	s21 =	sshll.u32 s6, $0x1;
	s3 =	sadd.s32 s4, s19  }
0x9c: {  	s7 =	simm.s32 $0x0;
	s20 =	sshll.u32 s5, $0x1;
	s5 =	sadd.s32 s21, s3  }
0x9d: {  	[timem:s7], [sflag:s22] =	dma.local [hbm:s5], s20  }
0x9e: {  	_ =	swait.ge [sflag:s22], s20  }
0x9f: {  	s4 =	ssub.s32 $0x0, s20;
	[sflag:s22] =	ssyncset.done $0x0  }
0xa0: {  	[sflag:s22] =	ssyncadd.s32 s4;
	_ =	sdelay $0x1  }
0xa1: {  	s23 =	simm.s32 $0x1B8B  }
0xa2: {  	_ =	swait.ge [sflag:s23], $0x1  }
0xa3: {  	[sflag:s23] =	ssyncset.done $0x0  }
0xa4: {  	s25 =	simm.s32 $0x1B8E;
	s24 =	sld [smem:$0x3FFE];
	[sflag:s23] =	ssyncadd.s32 $0xFFFFFFFF  }
0xa5: {  	s26 =	simm.s32 $execute0_lowered;
	[smem:$0x3FD2] =	sst s25  }
0xa6: {  	s5 =	sshll.u32 s26, $0x1;
	_ =	strace $0x8000004C;
	[dreg:$0x1] =	wrdreg $0xFFFFFFFF  }
0xa7: {  	s28 =	simm.s32 $_size_execute0_lowered;
	s3 =	sadd.s32 s3, s5;
	[dreg:$0x0] =	wrdreg $0x0  }
0xa8: {  	s5 =	sshll.u32 s28, $0x1;
	[dreg:$0x2] =	wrdreg s3  }
0xa9: {  	[dreg:$0x3] =	wrdreg s5  }
0xaa: {  	[dreg:$0x4] =	wrdreg $0xC0  }
0xab: {  	_ =	task [dreg:s7], $0x5FFFF  }
0xac: {  	[dreg:$0x1] =	wrdreg $0xFFFFFFFF  }
0xad: {  	[dreg:$0x0] =	wrdreg $0x60  }
0xae: {  	[dreg:$0x2] =	wrdreg s24  }
0xaf: {  	[dreg:$0x3] =	wrdreg s2  }
0xb0: {  	[dreg:$0x4] =	wrdreg $0x83E00  }
0xb1: {  	[dreg:$0x5] =	wrdreg $0x9  }
0xb2: {  	_ =	task.clear_ibuf [dreg:s7], $0x6FFFF;
	_ =	strace $0x9000004C  }
0xb3: {  	s29 =	simm.s32 $0x9;
	_ =	strace $0x8000004E  }
0xb4: {  	_ =	swait.ge [sflag:s29], $0x1  }
0xb5: {  	[sflag:s29] =	ssyncadd.s32 $0xFFFFFFFF  }
0xb6: {  	_ =	strace $0x9000004E  }
0xb7: {  	_ =	sfence  }
0xb8: {  	s30 =	sld [smem:$0x0];
	_ =	sdelay $0x2  }
0xb9: {  	s31 =	sshll.u32 s1, $0xD;
	s1 =	sshrl.u32 s1, $0x2  }
0xba: {  	s3 =	sand.u32 $0x4000, s31;
	s1 =	sadd.s32 s1, s30  }
0xbb: {  	s0 =	sor.u32 s3, s0;
	s1 =	sshll.u32 s1, $0x11  }
0xbc: {  	s0 =	sor.u32 s1, s0  }
0xbd: {  	s0 =	sadd.s32 $0x8F2B, s0  }
0xbe: {  	[sflag:s0] =	ssyncadd.remote.s32 $0x1  }
0xbf: {  	_ =	sfence.sel $0xFFFF  }
0xc0: {  	[dreg:$0x0] =	wrdreg $0xFFFFFFFF;
	(pc) =	sbr.abs _section_cstart, $3  }
0xc1: {  	[dreg:$0x1] =	wrdreg $0xFFFFFFFF  }
0xc2: {  	_ =	task.clear_ibuf [dreg:s7], $0x2FFFF;
	_ =	strace $0x9FFFFFFF  }
0xc3: {  	(tm) =	ssettm $0x7FFFFFFF  }
tec
execute0_lowered:
.L_overlay_start_1:
0x0: {  	(tag) =	ssettag $0x1  }
0x1: {  	s6 =	rddreg [dreg:$0x0]  }
0x2: {  	s0 =	srdreg.scid;
	s21 =	stileid.u32;
	s1 =	simm.s32 $0x0  }
0x3: {  	s28 =	simm.s32 $0x0;
	s29 =	simm.s32 $0x0;
	s0 =	sand.u32 $0x1, s0  }
0x4: {  	s2 =	sshll.u32 s21, $0x1;
	[smem:$0x7FF] =	sst s1;
	s7 =	sadd.s32 $0x15BC00, s6  }
0x5: {  	s15 =	sor.u32 $0x10, s21;
	s16 =	sor.u32 $0x20, s21;
	s8 =	smul.u32 $0x138800, s0  }
0x6: {  	s3 =	ssub.s32 $0x2, s0;
	s2 =	sor.u32 s0, s2;
	s0 =	smul.u32 $0x3200, s21  }
0x7: {  	s17 =	sor.u32 $0x30, s21;
	s18 =	sor.u32 $0x40, s21;
	s10 =	smul.u32 $0x2710, s2  }
0x8: {  	s19 =	sor.u32 $0x50, s21;
	s4 =	sshrl.u32 s3, $0x1;
	s2 =	smul.u32 $0x3200, s15  }
0x9: {  	s20 =	sor.u32 $0x60, s21;
	s11 =	ssub.s32 s3, s4;
	s3 =	smul.u32 $0x3200, s16  }
0xa: {  	p0 =	sgt.u32 s20, $0x63;
	s23 =	sadd.s32 s8, s0;
	s4 =	smul.u32 $0x3200, s17  }
0xb: {  	s9 =	sshrl.u32 s23, $0x3;
	s5 =	sadd.s32 s8, s2;
	s23 =	smul.u32 $0x3200, s19  }
0xc: {  	s11 =	smax.u32 s11, $0x1;
	s12 =	sshrl.u32 s5, $0x3;
	s13 =	sadd.s32 s8, s3  }
0xd: {  	s5 =	smul.u32 $0x3200, s18;
	s9 =	sadd.s32 s7, s9;
	s26 =	sadd.s32 s8, s4  }
0xe: {  	[dreg:$0x4] =	wrdreg s9;
	s24 =	sadd.s32 s7, s12;
	s25 =	sshrl.u32 s13, $0x3  }
0xf: {  	s12 =	sshrl.u32 s26, $0x3;
	[dreg:$0x5] =	wrdreg s24;
	s9 =	sadd.s32 s7, s25  }
0x10: {  	s30 =	sadd.s32 s8, s5;
	s31 =	sadd.s32 s7, s12;
	[dreg:$0x6] =	wrdreg s9  }
0x11: {  	s24 =	smul.u32 $0x3200, s20;
	s13 =	sshrl.u32 s30, $0x3;
	[dreg:$0x7] =	wrdreg s31  }
0x12: {  	s25 =	sshrl.u32 s10, $0x3;
	s9 =	rddreg [dreg:$0x2];
	s12 =	sadd.s32 s7, s13  }
0x13: {  	s13 =	sadd.s32 s8, s23;
	s14 =	sadd.s32 s8, s24;
	s8 =	rddreg [dreg:$0x1]  }
0x14: {  	s0 =	sadd.s32 s0, s9;
	[dreg:$0x8] =	wrdreg s12;
	s22 =	sshrl.u32 s13, $0x3  }
0x15: {  	s12 =	sshrl.u32 s14, $0x3;
	s14 =	sadd.s32 $0x19600, s6;
	s13 =	sadd.s32 s7, s22  }
0x16: {  	s26 =	sadd.s32 s8, s25;
	s7 =	sadd.s32 s7, s12;
	[dreg:$0x9] =	wrdreg s13  }
0x17: {  	s12 =	sadd.s32 $0x23400, s6;
	s31 =	sadd.s32 s14, s25;
	[dreg:$0xa] =	wrdreg s7  }
0x18: {  	s22 =	sadd.s32 $0xA, s25;
	_ =	strace $0x8000004D;
	[dreg:$0xb] =	wrdreg s26  }
0x19: {  	s13 =	sadd.s32 $0xD000, s6;
	s7 =	sadd.s32 s8, s22;
	[dreg:$0xd] =	wrdreg s31  }
0x1a: {  	s6 =	sadd.s32 s14, s22;
	[dreg:$0xe] =	wrdreg s7;
	s26 =	smul.u32 $0xC800, s21  }
0x1b: {  	s30 =	sadd.s32 s13, s25;
	[dreg:$0x10] =	wrdreg s6;
	s31 =	smul.u32 $0xC800, s16  }
0x1c: {  	s25 =	sadd.s32 s13, s22;
	[dreg:$0x11] =	wrdreg s11;
	s16 =	smul.u32 $0xC800, s18  }
0x1d: {  	s21 =	sadd.s32 $0xA0, s10;
	s18 =	smul.u32 $0xC800, s19;
	[dreg:$0x19] =	wrdreg s0  }
0x1e: {  	s22 =	sadd.s32 $0xF0, s10;
	s19 =	smul.u32 $0xC800, s20;
	[dreg:$0xc] =	wrdreg s30  }
0x1f: {  	s11 =	simm.s32 $0x3;
	[dreg:$0xf] =	wrdreg s25;
	s30 =	smul.u32 $0xC800, s15  }
0x20: {  	s15 =	smul.u32 $0xC800, s17;
	s7 =	sshrl.u32 s26, $0x2;
	s10 =	sshrl.u32 s31, $0x2  }
0x21: {  	s20 =	sshrl.u32 s16, $0x2;
	s25 =	sshrl.u32 s19, $0x2;
	s26 =	sadd.s32 s2, s9  }
0x22: {  	s31 =	sadd.s32 s4, s9;
	s4 =	sadd.s32 s5, s9;
	s5 =	sadd.s32 s23, s9  }
0x23: {  	s16 =	simm.s32 $0x140;
	s19 =	simm.s32 $0xF0;
	s23 =	simm.s32 $0x29E0  }
0x24: {  	s7 =	sadd.s32 s7, s9;
	s6 =	sshrl.u32 s30, $0x2;
	[dreg:$0x1a] =	wrdreg s26  }
0x25: {  	s17 =	sadd.s32 s10, s9;
	s30 =	sadd.s32 s3, s9;
	[dreg:$0x1c] =	wrdreg s31  }
0x26: {  	s10 =	simm.s32 $0x51E0;
	s26 =	simm.s32 $0x4;
	[dreg:$0x12] =	wrdreg s7  }
0x27: {  	s6 =	sadd.s32 s6, s9;
	[dreg:$0x14] =	wrdreg s17;
	s7 =	sshrl.u32 s15, $0x2  }
0x28: {  	[dreg:$0x1b] =	wrdreg s30;
	s15 =	simm.s32 $0xA0;
	s17 =	simm.s32 $0x50  }
0x29: {  	[dreg:$0x13] =	wrdreg s6;
	s7 =	sadd.s32 s7, s9;
	s6 =	sshrl.u32 s18, $0x2  }
0x2a: {  	s18 =	simm.s32 $0x1E0;
	[dreg:$0x15] =	wrdreg s7;
	s7 =	sadd.s32 s20, s9  }
0x2b: {  	s6 =	sadd.s32 s6, s9;
	s20 =	simm.s32 $0x190;
	[dreg:$0x16] =	wrdreg s7  }
0x2c: {  	[dreg:$0x17] =	wrdreg s6;
	s6 =	sadd.s32 s25, s9;
	s25 =	simm.s32 $0x2  }
0x2d: {  	v0 =	vimm.f32 $0.0e+00;
	[dreg:$0x18] =	wrdreg s6;
	s6 =	sadd.s32 s24, s9;
	s24 =	simm.s32 $0x1  }
.LBB2_1:
0x2e: {  	s0 =	simm.s32 $0x0;
	s2 =	simm.s32 $0x200  }
.LBB2_2:
0x2f: {  	p1 =	sne.s32 s2, $0xC600;
	[tilespmem:s0+$0x5250] =	vst v0  }
0x30: {  	[tilespmem:s0+$0x51E0] =	vst v0  }
0x31: {  	[tilespmem:s0+$0x51F0] =	vst v0  }
.Ltmp0:
0x32: {  	[tilespmem:s0+$0x5200] =	vst v0;
	(pc) =	sbr.rel @p1 .LBB2_2-.Ltmp0, $4  }
0x33: {  	[tilespmem:s0+$0x5210] =	vst v0  }
0x34: {  	[tilespmem:s0+$0x5220] =	vst v0  }
0x35: {  	[tilespmem:s0+$0x5230] =	vst v0  }
0x36: {  	[tilespmem:s0+$0x5240] =	vst v0;
	s0 =	sshra.s32 s2, $0x2;
	s2 =	sadd.s32 $0x200, s2  }
0x37: {  	[tilespmem:s0+$0x5250] =	vst v0  }
0x38: {  	[tilespmem:s0+$0x51E0] =	vst v0  }
0x39: {  	[tilespmem:s0+$0x51F0] =	vst v0  }
0x3a: {  	[tilespmem:s0+$0x5200] =	vst v0  }
0x3b: {  	[tilespmem:s0+$0x5210] =	vst v0  }
0x3c: {  	[tilespmem:s0+$0x5220] =	vst v0  }
0x3d: {  	[tilespmem:s0+$0x5230] =	vst v0  }
0x3e: {  	[tilespmem:s0+$0x5240] =	vst v0;
	s2 =	rddreg [dreg:$0x12]  }
0x3f: {  	[spmem:s2] =	stream.linear.scatter [tilespmem:s10], [sflag:$0x3], $0x3200, $0x38;
	[tilespmem:$0x1BC60] =	vst v63  }
0x40: {  	_ =	swait.ge [sflag:s11], $0x3200  }
0x41: {  	[sflag:s11] =	ssyncset.done $0x0  }
0x42: {  	s3 =	rddreg [dreg:$0x13];
	[sflag:s11] =	ssyncadd.s32 $0xFFFFCE00  }
0x43: {  	[spmem:s3] =	stream.linear.scatter [tilespmem:s10], [sflag:$0x3], $0x3200, $0x38;
	[tilespmem:$0x1BC60] =	vst v63  }
0x44: {  	_ =	swait.ge [sflag:s11], $0x3200  }
0x45: {  	[sflag:s11] =	ssyncset.done $0x0  }
0x46: {  	s7 =	rddreg [dreg:$0x14];
	[sflag:s11] =	ssyncadd.s32 $0xFFFFCE00  }
0x47: {  	[spmem:s7] =	stream.linear.scatter [tilespmem:s10], [sflag:$0x3], $0x3200, $0x38;
	[tilespmem:$0x1BC60] =	vst v63  }
0x48: {  	_ =	swait.ge [sflag:s11], $0x3200  }
0x49: {  	[sflag:s11] =	ssyncset.done $0x0  }
0x4a: {  	s31 =	rddreg [dreg:$0x15];
	[sflag:s11] =	ssyncadd.s32 $0xFFFFCE00  }
0x4b: {  	[spmem:s31] =	stream.linear.scatter [tilespmem:s10], [sflag:$0x3], $0x3200, $0x38;
	[tilespmem:$0x1BC60] =	vst v63  }
0x4c: {  	_ =	swait.ge [sflag:s11], $0x3200  }
0x4d: {  	[sflag:s11] =	ssyncset.done $0x0  }
0x4e: {  	s2 =	rddreg [dreg:$0x16];
	[sflag:s11] =	ssyncadd.s32 $0xFFFFCE00  }
0x4f: {  	[spmem:s2] =	stream.linear.scatter [tilespmem:s10], [sflag:$0x3], $0x3200, $0x38;
	[tilespmem:$0x1BC60] =	vst v63  }
0x50: {  	_ =	swait.ge [sflag:s11], $0x3200  }
0x51: {  	[sflag:s11] =	ssyncset.done $0x0  }
0x52: {  	s3 =	rddreg [dreg:$0x17];
	[sflag:s11] =	ssyncadd.s32 $0xFFFFCE00  }
0x53: {  	[spmem:s3] =	stream.linear.scatter [tilespmem:s10], [sflag:$0x3], $0x3200, $0x38;
	[tilespmem:$0x1BC60] =	vst v63  }
0x54: {  	_ =	swait.ge [sflag:s11], $0x3200  }
0x55: {  	[sflag:s11] =	ssyncset.done $0x0  }
0x56: {  	s0 =	simm.s32 @!p0 $0x51E0;
	s2 =	rddreg [dreg:$0x18];
	[sflag:s11] =	ssyncadd.s32 $0xFFFFCE00  }
0x57: {  	[spmem:s2] =	stream.linear.scatter @!p0 [tilespmem:s0], [sflag:$0x3], $0x3200, $0x38;
	[tilespmem:$0x1BC60] =	vst v63  }
0x58: {  	s0 =	simm.s32 @!p0 $0x3  }
0x59: {  	_ =	swait.ge @!p0 [sflag:s0], $0x3200  }
0x5a: {  	[sflag:s0] =	ssyncset.done @!p0 $0x0  }
0x5b: {  	[sflag:s0] =	ssyncadd.s32 @!p0 $0xFFFFCE00  }
0x5c: {  	[bflag:$0x0] =	sbarrier.arrive $0xFFFF  }
0x5d: {  	s7 =	rddreg [dreg:$0xb]  }
0x5e: {  	[tilespmem:s29], [sflag:$0x3] =	stream.linear.gather [hbm4b:s7+s29], $0x50, $0x38;
	[tilespmem:$0x1BC60] =	vst v63  }
0x5f: {  	_ =	swait.ge [sflag:s11], $0x50  }
0x60: {  	[sflag:s11] =	ssyncset.done $0x0  }
0x61: {  	s31 =	rddreg [dreg:$0xc];
	[sflag:s11] =	ssyncadd.s32 $0xFFFFFFB0  }
0x62: {  	[tilespmem:s15], [sflag:$0x3] =	stream.linear.gather [hbm4b:s31+s29], $0x50, $0x38;
	[tilespmem:$0x1BC60] =	vst v63  }
0x63: {  	_ =	swait.ge [sflag:s11], $0x50  }
0x64: {  	[sflag:s11] =	ssyncset.done $0x0  }
0x65: {  	s2 =	rddreg [dreg:$0xd];
	[sflag:s11] =	ssyncadd.s32 $0xFFFFFFB0  }
0x66: {  	[tilespmem:s16], [sflag:$0x3] =	stream.linear.gather [hbm4b:s2+s29], $0x50, $0x38;
	[tilespmem:$0x1BC60] =	vst v63  }
0x67: {  	_ =	swait.ge [sflag:s11], $0x50  }
0x68: {  	[sflag:s11] =	ssyncset.done $0x0  }
0x69: {  	[sflag:s11] =	ssyncadd.s32 $0xFFFFFFB0  }
0x6a: {  	[tilespmem:s18], [sflag:$0x1] =	stream.indirect.gather [hbm4b:s12+s17], $0x80, s15, s17, $0xb8;
	[tilespmem:$0x1BC60] =	vst v63  }
0x6b: {  	s3 =	rddreg [dreg:$0xe]  }
0x6c: {  	[tilespmem:s17], [sflag:$0x3] =	stream.linear.gather [hbm4b:s3+s29], $0x50, $0x38;
	[tilespmem:$0x1BC60] =	vst v63  }
0x6d: {  	_ =	swait.ge [sflag:s11], $0x50  }
0x6e: {  	[sflag:s11] =	ssyncset.done $0x0  }
0x6f: {  	s7 =	rddreg [dreg:$0xf];
	[sflag:s11] =	ssyncadd.s32 $0xFFFFFFB0  }
0x70: {  	[tilespmem:s19], [sflag:$0x3] =	stream.linear.gather [hbm4b:s7+s29], $0x50, $0x38;
	[tilespmem:$0x1BC60] =	vst v63  }
0x71: {  	_ =	swait.ge [sflag:s11], $0x50  }
0x72: {  	[sflag:s11] =	ssyncset.done $0x0  }
0x73: {  	s31 =	rddreg [dreg:$0x10];
	[sflag:s11] =	ssyncadd.s32 $0xFFFFFFB0  }
0x74: {  	[tilespmem:s20], [sflag:$0x3] =	stream.linear.gather [hbm4b:s31+s29], $0x50, $0x38;
	[tilespmem:$0x1BC60] =	vst v63  }
0x75: {  	_ =	swait.ge [sflag:s11], $0x50  }
0x76: {  	[sflag:s11] =	ssyncset.done $0x0  }
0x77: {  	s30 =	simm.s32 $0x0;
	[sflag:s11] =	ssyncadd.s32 $0xFFFFFFB0  }
0x78: {  	[tilespmem:s23], [sflag:$0x2] =	stream.indirect.gather [hbm4b:s12+s17], $0x80, s19, s17, $0xb8;
	[tilespmem:$0x1BC60] =	vst v63  }
.LBB2_4:
0x79: {  	_ =	swait.ge [sflag:s24], $0x2800  }
0x7a: {  	v1 =	vmov s29;
	[sflag:s24] =	ssyncset.done $0x0  }
0x7b: {  	s31 =	simm.s32 $0x220;
	[sflag:s24] =	ssyncadd.s32 $0xFFFFD800  }
0x7c: {  	v5 =	vld [tilespmem:s31+$0x30]  }
0x7d: {  	v8 =	vld [tilespmem:s31+$0x10]  }
0x7e: {  	v6 =	vld [tilespmem:s31+$0xFFFFFFC0]  }
0x7f: {  	v2 =	vld.idx.msk [tilespmem:v1+s16+$0x0], $0xffff  }
0x80: {  	v10 =	vld [tilespmem:s31+$0xFFFFFFE0]  }
0x81: {  	v3 =	vld [tilespmem:s31+$0x20]  }
0x82: {  	v4 =	vld [tilespmem:s31+$0xFFFFFFD0]  }
0x83: {  	v1 =	vld [tilespmem:s31+$0xFFFFFFF0]  }
0x84: {  	v9 =	vmul.f32 v5, v2;
	v5 =	vld [tilespmem:s31+$0x0]  }
0x85: {  	v7 =	vmul.f32 v6, v2  }
0x86: {  	s7 =	simm.s32 $0x1;
	s0 =	simm.s32 $0x220;
	v6 =	vmul.f32 v10, v2;
	v8 =	vmul.f32 v8, v2  }
.LBB2_5:
0x87: {  	p1 =	sne.s32 s7, $0x4F  }
0x88: {  	v4 =	vmul.f32 v4, v2;
	v3 =	vmul.f32 v3, v2;
	[tilespmem:s31+$0x30] =	vst v9;
	s0 =	sadd.s32 $0x80, s0;
	s2 =	smov.u32 s7;
	s7 =	sadd.s32 $0x1, s7  }
0x89: {  	[tilespmem:s31+$0xFFFFFFC0] =	vst v7;
	v7 =	vmul.f32 v1, v2;
	v2 =	vmul.f32 v5, v2  }
0x8a: {  	[tilespmem:s31+$0x10] =	vst v8  }
0x8b: {  	v5 =	vmov s2;
	[tilespmem:s31+$0xFFFFFFE0] =	vst v6  }
0x8c: {  	v1 =	vld [tilespmem:s0+$0xFFFFFFF0];
	[tilespmem:s31+$0xFFFFFFF0] =	vst v7  }
0x8d: {  	v6 =	vld [tilespmem:s0+$0x30];
	[tilespmem:s31+$0x0] =	vst v2  }
0x8e: {  	v8 =	vld [tilespmem:s0+$0x10];
	[tilespmem:s31+$0x20] =	vst v3  }
0x8f: {  	v7 =	vld [tilespmem:s0+$0xFFFFFFC0];
	[tilespmem:s31+$0xFFFFFFD0] =	vst v4;
	s31 =	smov.u32 s0  }
0x90: {  	v2 =	vld.idx.msk [tilespmem:v5+s16+$0x0], $0xffff  }
0x91: {  	v10 =	vld [tilespmem:s0+$0xFFFFFFE0]  }
0x92: {  	v3 =	vld [tilespmem:s0+$0x20]  }
.Ltmp1:
0x93: {  	v4 =	vld [tilespmem:s0+$0xFFFFFFD0];
	(pc) =	sbr.rel @p1 .LBB2_5-.Ltmp1, $3  }
0x94: {  	v5 =	vld [tilespmem:s0+$0x0];
	_ =	sdelay $0x1  }
0x95: {  	v7 =	vmul.f32 v7, v2;
	v9 =	vmul.f32 v6, v2  }
0x96: {  	v8 =	vmul.f32 v8, v2;
	v6 =	vmul.f32 v10, v2  }
0x97: {  	[tilespmem:s31+$0x30] =	vst v9  }
0x98: {  	[tilespmem:s31+$0xFFFFFFC0] =	vst v7  }
0x99: {  	v1 =	vmul.f32 v1, v2;
	[tilespmem:s31+$0x10] =	vst v8  }
0x9a: {  	v3 =	vmul.f32 v3, v2;
	[tilespmem:s31+$0xFFFFFFE0] =	vst v6  }
0x9b: {  	v5 =	vmul.f32 v5, v2;
	[tilespmem:s31+$0xFFFFFFF0] =	vst v1  }
0x9c: {  	v1 =	vmul.f32 v4, v2;
	[tilespmem:s31+$0x20] =	vst v3  }
0x9d: {  	[tilespmem:s31+$0x0] =	vst v5  }
0x9e: {  	s0 =	simm.s32 $0x0;
	[tilespmem:s31+$0xFFFFFFD0] =	vst v1;
	s31 =	smul.u32 $0xA0, s30  }
0x9f: {  	[spmem:s9] =	stream.indirect.scatter.add.f32 [tilespmem:s18], [sflag:$0x3], $0x80, s0, s17, $0xb8;
	[tilespmem:$0x1BC60] =	vst v63  }
0xa0: {  	_ =	swait.ge [sflag:s11], $0x2800;
	s2 =	sadd.s32 s31, s21  }
0xa1: {  	[sflag:s11] =	ssyncset.done $0x0;
	s2 =	sshrl.u32 s2, $0x3  }
0xa2: {  	[sflag:s11] =	ssyncadd.s32 $0xFFFFD800;
	s7 =	sadd.s32 s8, s2  }
0xa3: {  	[tilespmem:s0], [sflag:$0x3] =	stream.linear.gather [hbm4b:s7+s0], $0x50, $0x38;
	[tilespmem:$0x1BC60] =	vst v63  }
0xa4: {  	_ =	swait.ge [sflag:s11], $0x50  }
0xa5: {  	[sflag:s11] =	ssyncset.done $0x0  }
0xa6: {  	s3 =	sadd.s32 s13, s2;
	[sflag:s11] =	ssyncadd.s32 $0xFFFFFFB0  }
0xa7: {  	[tilespmem:s15], [sflag:$0x3] =	stream.linear.gather [hbm4b:s3+s0], $0x50, $0x38;
	[tilespmem:$0x1BC60] =	vst v63  }
0xa8: {  	_ =	swait.ge [sflag:s11], $0x50  }
0xa9: {  	[sflag:s11] =	ssyncset.done $0x0  }
0xaa: {  	s2 =	sadd.s32 s14, s2;
	[sflag:s11] =	ssyncadd.s32 $0xFFFFFFB0  }
0xab: {  	[tilespmem:s16], [sflag:$0x3] =	stream.linear.gather [hbm4b:s2+s0], $0x50, $0x38;
	[tilespmem:$0x1BC60] =	vst v63  }
0xac: {  	_ =	swait.ge [sflag:s11], $0x50  }
0xad: {  	[sflag:s11] =	ssyncset.done $0x0  }
0xae: {  	[sflag:s11] =	ssyncadd.s32 $0xFFFFFFB0  }
0xaf: {  	[tilespmem:s18], [sflag:$0x1] =	stream.indirect.gather [hbm4b:s12+s17], $0x80, s15, s17, $0xb8;
	[tilespmem:$0x1BC60] =	vst v63  }
0xb0: {  	_ =	swait.ge [sflag:s25], $0x2800  }
0xb1: {  	v1 =	vmov s0;
	[sflag:s25] =	ssyncset.done $0x0  }
0xb2: {  	s7 =	simm.s32 $0x2A20;
	[sflag:s25] =	ssyncadd.s32 $0xFFFFD800  }
0xb3: {  	v5 =	vld [tilespmem:s7+$0x30]  }
0xb4: {  	v8 =	vld [tilespmem:s7+$0x10]  }
0xb5: {  	v6 =	vld [tilespmem:s7+$0xFFFFFFC0]  }
0xb6: {  	v2 =	vld.idx.msk [tilespmem:v1+s20+$0x0], $0xffff  }
0xb7: {  	v10 =	vld [tilespmem:s7+$0xFFFFFFE0]  }
0xb8: {  	v1 =	vld [tilespmem:s7+$0xFFFFFFF0]  }
0xb9: {  	v3 =	vld [tilespmem:s7+$0x20]  }
0xba: {  	v4 =	vld [tilespmem:s7+$0xFFFFFFD0]  }
0xbb: {  	v9 =	vmul.f32 v5, v2;
	v5 =	vld [tilespmem:s7+$0x0]  }
0xbc: {  	v7 =	vmul.f32 v6, v2  }
0xbd: {  	s0 =	simm.s32 $0x1;
	s2 =	simm.s32 $0x2A20;
	v6 =	vmul.f32 v10, v2;
	v8 =	vmul.f32 v8, v2  }
.LBB2_7:
0xbe: {  	p1 =	sne.s32 s0, $0x4F  }
0xbf: {  	v4 =	vmul.f32 v4, v2;
	v3 =	vmul.f32 v3, v2;
	[tilespmem:s7+$0x30] =	vst v9;
	s2 =	sadd.s32 $0x80, s2;
	s3 =	smov.u32 s0;
	s0 =	sadd.s32 $0x1, s0  }
0xc0: {  	[tilespmem:s7+$0xFFFFFFC0] =	vst v7;
	v7 =	vmul.f32 v1, v2;
	v2 =	vmul.f32 v5, v2  }
0xc1: {  	[tilespmem:s7+$0x10] =	vst v8  }
0xc2: {  	v5 =	vmov s3;
	[tilespmem:s7+$0xFFFFFFE0] =	vst v6  }
0xc3: {  	v1 =	vld [tilespmem:s2+$0xFFFFFFF0];
	[tilespmem:s7+$0xFFFFFFF0] =	vst v7  }
0xc4: {  	v6 =	vld [tilespmem:s2+$0x30];
	[tilespmem:s7+$0x0] =	vst v2  }
0xc5: {  	v8 =	vld [tilespmem:s2+$0x10];
	[tilespmem:s7+$0x20] =	vst v3  }
0xc6: {  	v7 =	vld [tilespmem:s2+$0xFFFFFFC0];
	[tilespmem:s7+$0xFFFFFFD0] =	vst v4;
	s7 =	smov.u32 s2  }
0xc7: {  	v2 =	vld.idx.msk [tilespmem:v5+s20+$0x0], $0xffff  }
0xc8: {  	v10 =	vld [tilespmem:s2+$0xFFFFFFE0]  }
0xc9: {  	v3 =	vld [tilespmem:s2+$0x20]  }
.Ltmp2:
0xca: {  	v4 =	vld [tilespmem:s2+$0xFFFFFFD0];
	(pc) =	sbr.rel @p1 .LBB2_7-.Ltmp2, $3  }
0xcb: {  	v5 =	vld [tilespmem:s2+$0x0];
	_ =	sdelay $0x1  }
0xcc: {  	v7 =	vmul.f32 v7, v2;
	v9 =	vmul.f32 v6, v2  }
0xcd: {  	v8 =	vmul.f32 v8, v2;
	v6 =	vmul.f32 v10, v2  }
0xce: {  	[tilespmem:s7+$0x30] =	vst v9  }
0xcf: {  	[tilespmem:s7+$0xFFFFFFC0] =	vst v7  }
0xd0: {  	v1 =	vmul.f32 v1, v2;
	[tilespmem:s7+$0x10] =	vst v8  }
0xd1: {  	v3 =	vmul.f32 v3, v2;
	[tilespmem:s7+$0xFFFFFFE0] =	vst v6  }
0xd2: {  	v5 =	vmul.f32 v5, v2;
	[tilespmem:s7+$0xFFFFFFF0] =	vst v1  }
0xd3: {  	v1 =	vmul.f32 v4, v2;
	[tilespmem:s7+$0x20] =	vst v3  }
0xd4: {  	p1 =	seq.s32 s30, $0x3D;
	[tilespmem:s7+$0x0] =	vst v5  }
.Ltmp3:
0xd5: {  	[tilespmem:s7+$0xFFFFFFD0] =	vst v1;
	(pc) =	sbr.rel @p1 .LBB2_10-.Ltmp3, $4  }
0xd6: {  	[spmem:s9] =	stream.indirect.scatter.add.f32 [tilespmem:s23], [sflag:$0x3], $0x80, s17, s17, $0xb8;
	[tilespmem:$0x1BC60] =	vst v63  }
0xd7: {  	_ =	swait.ge [sflag:s11], $0x2800  }
0xd8: {  	[sflag:s11] =	ssyncset.done $0x0  }
0xd9: {  	[sflag:s11] =	ssyncadd.s32 $0xFFFFD800  }
0xda: {  	s0 =	sadd.s32 s31, s22  }
0xdb: {  	s0 =	sshrl.u32 s0, $0x3  }
0xdc: {  	s2 =	sadd.s32 s8, s0  }
0xdd: {  	[tilespmem:s17], [sflag:$0x3] =	stream.linear.gather [hbm4b:s2+s1], $0x50, $0x38;
	[tilespmem:$0x1BC60] =	vst v63  }
0xde: {  	_ =	swait.ge [sflag:s11], $0x50  }
0xdf: {  	[sflag:s11] =	ssyncset.done $0x0  }
0xe0: {  	s31 =	sadd.s32 s13, s0;
	[sflag:s11] =	ssyncadd.s32 $0xFFFFFFB0  }
0xe1: {  	[tilespmem:s19], [sflag:$0x3] =	stream.linear.gather [hbm4b:s31+s1], $0x50, $0x38;
	[tilespmem:$0x1BC60] =	vst v63  }
0xe2: {  	_ =	swait.ge [sflag:s11], $0x50  }
0xe3: {  	[sflag:s11] =	ssyncset.done $0x0  }
0xe4: {  	s0 =	sadd.s32 s14, s0;
	[sflag:s11] =	ssyncadd.s32 $0xFFFFFFB0  }
0xe5: {  	[tilespmem:s20], [sflag:$0x3] =	stream.linear.gather [hbm4b:s0+s1], $0x50, $0x38;
	[tilespmem:$0x1BC60] =	vst v63  }
.Ltmp4:
0xe6: {  	_ = 	snop;
	(pc) =	sbr.rel .LBB2_4-.Ltmp4, $4  }
0xe7: {  	_ =	swait.ge [sflag:s11], $0x50  }
0xe8: {  	[sflag:s11] =	ssyncset.done $0x0  }
0xe9: {  	s30 =	sadd.s32 $0x1, s30;
	[sflag:s11] =	ssyncadd.s32 $0xFFFFFFB0  }
0xea: {  	[tilespmem:s23], [sflag:$0x2] =	stream.indirect.gather [hbm4b:s12+s17], $0x80, s19, s17, $0xb8;
	[tilespmem:$0x1BC60] =	vst v63  }
.LBB2_10:
0xeb: {  	_ =	swait.ge [sflag:s24], $0x2800;
	s0 =	simm.s32 $0x0  }
0xec: {  	[sflag:s24] =	ssyncset.done $0x0;
	v1 =	vmov s0  }
0xed: {  	s7 =	simm.s32 $0x220;
	[sflag:s24] =	ssyncadd.s32 $0xFFFFD800  }
0xee: {  	v5 =	vld [tilespmem:s7+$0x30]  }
0xef: {  	v8 =	vld [tilespmem:s7+$0x10]  }
0xf0: {  	v6 =	vld [tilespmem:s7+$0xFFFFFFC0]  }
0xf1: {  	v2 =	vld.idx.msk [tilespmem:v1+s16+$0x0], $0xffff  }
0xf2: {  	v10 =	vld [tilespmem:s7+$0xFFFFFFE0]  }
0xf3: {  	v3 =	vld [tilespmem:s7+$0x20]  }
0xf4: {  	v4 =	vld [tilespmem:s7+$0xFFFFFFD0]  }
0xf5: {  	v1 =	vld [tilespmem:s7+$0xFFFFFFF0]  }
0xf6: {  	v9 =	vmul.f32 v5, v2;
	v5 =	vld [tilespmem:s7+$0x0]  }
0xf7: {  	v7 =	vmul.f32 v6, v2  }
0xf8: {  	s2 =	simm.s32 $0x220;
	s0 =	simm.s32 $0x1;
	v6 =	vmul.f32 v10, v2;
	v8 =	vmul.f32 v8, v2  }
.LBB2_11:
0xf9: {  	p1 =	sne.s32 s0, $0x4F  }
0xfa: {  	v4 =	vmul.f32 v4, v2;
	v3 =	vmul.f32 v3, v2;
	[tilespmem:s7+$0x30] =	vst v9;
	s2 =	sadd.s32 $0x80, s2;
	s3 =	smov.u32 s0;
	s0 =	sadd.s32 $0x1, s0  }
0xfb: {  	[tilespmem:s7+$0xFFFFFFC0] =	vst v7;
	v7 =	vmul.f32 v1, v2;
	v2 =	vmul.f32 v5, v2  }
0xfc: {  	[tilespmem:s7+$0x10] =	vst v8  }
0xfd: {  	v5 =	vmov s3;
	[tilespmem:s7+$0xFFFFFFE0] =	vst v6  }
0xfe: {  	v1 =	vld [tilespmem:s2+$0xFFFFFFF0];
	[tilespmem:s7+$0xFFFFFFF0] =	vst v7  }
0xff: {  	v6 =	vld [tilespmem:s2+$0x30];
	[tilespmem:s7+$0x0] =	vst v2  }
0x100: {  	v8 =	vld [tilespmem:s2+$0x10];
	[tilespmem:s7+$0x20] =	vst v3  }
0x101: {  	v7 =	vld [tilespmem:s2+$0xFFFFFFC0];
	[tilespmem:s7+$0xFFFFFFD0] =	vst v4;
	s7 =	smov.u32 s2  }
0x102: {  	v2 =	vld.idx.msk [tilespmem:v5+s16+$0x0], $0xffff  }
0x103: {  	v10 =	vld [tilespmem:s2+$0xFFFFFFE0]  }
0x104: {  	v3 =	vld [tilespmem:s2+$0x20]  }
.Ltmp5:
0x105: {  	v4 =	vld [tilespmem:s2+$0xFFFFFFD0];
	(pc) =	sbr.rel @p1 .LBB2_11-.Ltmp5, $3  }
0x106: {  	v5 =	vld [tilespmem:s2+$0x0];
	_ =	sdelay $0x1  }
0x107: {  	v7 =	vmul.f32 v7, v2;
	v9 =	vmul.f32 v6, v2  }
0x108: {  	v8 =	vmul.f32 v8, v2;
	v6 =	vmul.f32 v10, v2  }
0x109: {  	[tilespmem:s7+$0x30] =	vst v9  }
0x10a: {  	[tilespmem:s7+$0xFFFFFFC0] =	vst v7  }
0x10b: {  	v1 =	vmul.f32 v1, v2;
	[tilespmem:s7+$0x10] =	vst v8  }
0x10c: {  	v3 =	vmul.f32 v3, v2;
	[tilespmem:s7+$0xFFFFFFE0] =	vst v6  }
0x10d: {  	v5 =	vmul.f32 v5, v2;
	[tilespmem:s7+$0xFFFFFFF0] =	vst v1  }
0x10e: {  	v1 =	vmul.f32 v4, v2;
	[tilespmem:s7+$0x20] =	vst v3  }
0x10f: {  	[tilespmem:s7+$0x0] =	vst v5  }
0x110: {  	[tilespmem:s7+$0xFFFFFFD0] =	vst v1  }
0x111: {  	[spmem:s9] =	stream.indirect.scatter.add.f32 [tilespmem:s18], [sflag:$0x3], $0x80, s1, s17, $0xb8;
	[tilespmem:$0x1BC60] =	vst v63  }
0x112: {  	_ =	swait.ge [sflag:s11], $0x2800  }
0x113: {  	[sflag:s11] =	ssyncset.done $0x0  }
0x114: {  	[sflag:s11] =	ssyncadd.s32 $0xFFFFD800  }
0x115: {  	[bflag:$0x0] =	sbarrier.arrive $0xFFFF  }
0x116: {  	s0 =	rddreg [dreg:$0x19]  }
0x117: {  	[tilespmem:s10], [sflag:$0x4] =	stream.linear.gather [spmem:s0], $0x3200, $0x38;
	[tilespmem:$0x1BC60] =	vst v63  }
0x118: {  	_ =	swait.ge [sflag:s26], $0x3200  }
0x119: {  	[sflag:s26] =	ssyncset.done $0x0  }
0x11a: {  	s2 =	rddreg [dreg:$0x4];
	[sflag:s26] =	ssyncadd.s32 $0xFFFFCE00  }
0x11b: {  	[hbm4b:s2+s1] =	stream.linear.scatter [tilespmem:s10], [sflag:$0x3], $0x3200, $0x38;
	[tilespmem:$0x1BC60] =	vst v63  }
0x11c: {  	_ =	swait.ge [sflag:s11], $0x3200  }
0x11d: {  	[sflag:s11] =	ssyncset.done $0x0  }
0x11e: {  	s3 =	rddreg [dreg:$0x1a];
	[sflag:s11] =	ssyncadd.s32 $0xFFFFCE00  }
0x11f: {  	[tilespmem:s10], [sflag:$0x4] =	stream.linear.gather [spmem:s3], $0x3200, $0x38;
	[tilespmem:$0x1BC60] =	vst v63  }
0x120: {  	_ =	swait.ge [sflag:s26], $0x3200  }
0x121: {  	[sflag:s26] =	ssyncset.done $0x0  }
0x122: {  	s7 =	rddreg [dreg:$0x5];
	[sflag:s26] =	ssyncadd.s32 $0xFFFFCE00  }
0x123: {  	[hbm4b:s7+s1] =	stream.linear.scatter [tilespmem:s10], [sflag:$0x3], $0x3200, $0x38;
	[tilespmem:$0x1BC60] =	vst v63  }
0x124: {  	_ =	swait.ge [sflag:s11], $0x3200  }
0x125: {  	[sflag:s11] =	ssyncset.done $0x0  }
0x126: {  	s30 =	rddreg [dreg:$0x1b];
	[sflag:s11] =	ssyncadd.s32 $0xFFFFCE00  }
0x127: {  	[tilespmem:s10], [sflag:$0x4] =	stream.linear.gather [spmem:s30], $0x3200, $0x38;
	[tilespmem:$0x1BC60] =	vst v63  }
0x128: {  	_ =	swait.ge [sflag:s26], $0x3200  }
0x129: {  	[sflag:s26] =	ssyncset.done $0x0  }
0x12a: {  	s31 =	rddreg [dreg:$0x6];
	[sflag:s26] =	ssyncadd.s32 $0xFFFFCE00  }
0x12b: {  	[hbm4b:s31+s1] =	stream.linear.scatter [tilespmem:s10], [sflag:$0x3], $0x3200, $0x38;
	[tilespmem:$0x1BC60] =	vst v63  }
0x12c: {  	_ =	swait.ge [sflag:s11], $0x3200  }
0x12d: {  	[sflag:s11] =	ssyncset.done $0x0  }
0x12e: {  	s2 =	rddreg [dreg:$0x1c];
	[sflag:s11] =	ssyncadd.s32 $0xFFFFCE00  }
0x12f: {  	[tilespmem:s10], [sflag:$0x4] =	stream.linear.gather [spmem:s2], $0x3200, $0x38;
	[tilespmem:$0x1BC60] =	vst v63  }
0x130: {  	_ =	swait.ge [sflag:s26], $0x3200  }
0x131: {  	[sflag:s26] =	ssyncset.done $0x0  }
0x132: {  	s3 =	rddreg [dreg:$0x7];
	[sflag:s26] =	ssyncadd.s32 $0xFFFFCE00  }
0x133: {  	[hbm4b:s3+s1] =	stream.linear.scatter [tilespmem:s10], [sflag:$0x3], $0x3200, $0x38;
	[tilespmem:$0x1BC60] =	vst v63  }
0x134: {  	_ =	swait.ge [sflag:s11], $0x3200  }
0x135: {  	[sflag:s11] =	ssyncset.done $0x0  }
0x136: {  	[sflag:s11] =	ssyncadd.s32 $0xFFFFCE00  }
0x137: {  	[tilespmem:s10], [sflag:$0x4] =	stream.linear.gather [spmem:s4], $0x3200, $0x38;
	[tilespmem:$0x1BC60] =	vst v63  }
0x138: {  	_ =	swait.ge [sflag:s26], $0x3200  }
0x139: {  	[sflag:s26] =	ssyncset.done $0x0  }
0x13a: {  	s7 =	rddreg [dreg:$0x8];
	[sflag:s26] =	ssyncadd.s32 $0xFFFFCE00  }
0x13b: {  	[hbm4b:s7+s1] =	stream.linear.scatter [tilespmem:s10], [sflag:$0x3], $0x3200, $0x38;
	[tilespmem:$0x1BC60] =	vst v63  }
0x13c: {  	_ =	swait.ge [sflag:s11], $0x3200  }
0x13d: {  	[sflag:s11] =	ssyncset.done $0x0  }
0x13e: {  	[sflag:s11] =	ssyncadd.s32 $0xFFFFCE00  }
0x13f: {  	[tilespmem:s10], [sflag:$0x4] =	stream.linear.gather [spmem:s5], $0x3200, $0x38;
	[tilespmem:$0x1BC60] =	vst v63  }
0x140: {  	_ =	swait.ge [sflag:s26], $0x3200  }
0x141: {  	[sflag:s26] =	ssyncset.done $0x0  }
0x142: {  	s30 =	rddreg [dreg:$0x9];
	[sflag:s26] =	ssyncadd.s32 $0xFFFFCE00  }
0x143: {  	[hbm4b:s30+s1] =	stream.linear.scatter [tilespmem:s10], [sflag:$0x3], $0x3200, $0x38;
	[tilespmem:$0x1BC60] =	vst v63  }
0x144: {  	_ =	swait.ge [sflag:s11], $0x3200  }
0x145: {  	[sflag:s11] =	ssyncset.done $0x0  }
0x146: {  	s0 =	simm.s32 @!p0 $0x51E0;
	s2 =	simm.s32 @!p0 $0x4;
	[sflag:s11] =	ssyncadd.s32 $0xFFFFCE00  }
0x147: {  	[tilespmem:s0], [sflag:$0x4] =	stream.linear.gather @!p0 [spmem:s6], $0x3200, $0x38;
	[tilespmem:$0x1BC60] =	vst v63  }
0x148: {  	_ =	swait.ge @!p0 [sflag:s2], $0x3200  }
0x149: {  	[sflag:s2] =	ssyncset.done @!p0 $0x0  }
0x14a: {  	s3 =	rddreg [dreg:$0xa];
	[sflag:s2] =	ssyncadd.s32 @!p0 $0xFFFFCE00;
	s2 =	simm.s32 @!p0 $0x0  }
0x14b: {  	[hbm4b:s3+s2] =	stream.linear.scatter @!p0 [tilespmem:s0], [sflag:$0x3], $0x3200, $0x38;
	[tilespmem:$0x1BC60] =	vst v63  }
0x14c: {  	s0 =	simm.s32 @!p0 $0x3  }
0x14d: {  	_ =	swait.ge @!p0 [sflag:s0], $0x3200  }
0x14e: {  	s28 =	sadd.s32 $0x1, s28;
	s31 =	rddreg [dreg:$0x11]  }
0x14f: {  	p1 =	sne.s32 s28, s31  }
.Ltmp6:
0x150: {  	_ = 	snop;
	(pc) =	sbr.rel @p1 .LBB2_1-.Ltmp6, $3  }
0x151: {  	_ =	sdelay $0x1  }
0x152: {  	[sflag:s0] =	ssyncset.done @!p0 $0x0  }
0x153: {  	[sflag:s0] =	ssyncadd.s32 @!p0 $0xFFFFCE00  }
0x154: {  	_ =	sfence.sel $0x180000  }
0x155: {  	[bflag:$0x0] =	sbarrier.arrive $0xFFFF  }
0x156: {  	_ =	strace $0x9000004D  }
0x157: {  	s0 =	stileid.u32;
	[bflag:$0x2] =	sbarrier.arrive $0xFFFF  }
0x158: {  	p0 =	sne.s32 s0, $0x0;
	s0 =	rddreg [dreg:$0x3]  }
0x159: {  	s0 =	sadd.s32 @!p0 $0x100000, s0  }
0x15a: {  	[sflag:s0] =	ssyncadd.tile.s32 @!p0 $0x1;
	_ =	shalt  }
.Lfunc_end2:
_tile_overlayer_lowered:
.L_overlay_start_2:
0x15b: {  	(tag) =	ssettag $0x2  }
0x15c: {  	s0 =	rddreg [dreg:$0x0];
	s2 =	stileid.u32  }
0x15d: {  	s1 =	rddreg [dreg:$0x1];
	p0 =	sne.s32 s2, $0x0  }
0x15e: {  	s3 =	rddreg [dreg:$0x2];
	[bflag:$0x3] =	sbarrier.arrive $0xFFFF;
	s2 =	simm.s32 @!p0 $0x1C03  }
0x15f: {  	[timem:s3], [sflag:s2] =	dma.local @!p0 [hbm:s0], s1  }
0x160: {  	s0 =	simm.s32 @!p0 $0x3  }
0x161: {  	_ =	swait.ge @!p0 [sflag:s0], s1  }
0x162: {  	s1 =	ssub.s32 @!p0 $0x0, s1;
	[sflag:s0] =	ssyncset.done @!p0 $0x0  }
0x163: {  	[sflag:s0] =	ssyncadd.s32 @!p0 s1  }
0x164: {  	[bflag:$0x3] =	sbarrier.arrive $0xFFFF  }
0x165: {  	_ =	shalt  }

// kernel: kernel.19.cloned.1.call-start
scs
__scs_entry_jumppad:
0x0: {  	(pc) =	sbr.rel $0x88, $3  }
0x1: {  	(tag) =	ssettag $0x0;
	lr =	simm.s32 $0x1  }
0x2: {  	[smem:$0x3F96] =	sst lr;
	_ =	strace $0xD0000000  }
0x3: {  	_ = 	snop  }
0x4: {  	_ = 	snop  }
0x5: {  	_ = 	snop  }
0x6: {  	_ = 	snop  }
0x7: {  	_ = 	snop  }
__scs_overlays_trampoline_lowered:
0x8: {  	[smem:$0x3FA5] =	sst s0  }
0x9: {  	[smem:$0x3FA6] =	sst s1  }
0xa: {  	[smem:$0x3FA7] =	sst s2  }
0xb: {  	[smem:$0x3FA8] =	sst s3  }
0xc: {  	[smem:$0x3FA9] =	sst s4  }
0xd: {  	[smem:$0x3FAA] =	sst s5  }
0xe: {  	[smem:$0x3FAB] =	sst s6  }
0xf: {  	[smem:$0x3FAC] =	sst s7  }
0x10: {  	[smem:$0x3FAD] =	sst s8  }
0x11: {  	[smem:$0x3FAE] =	sst s9;
	s0 =	simm.s32 @!p0 $0x0  }
0x12: {  	s1 =	sld [smem:$0x3F94];
	s0 =	simm.s32 @p0 $0x1  }
0x13: {  	[smem:$0x3FAF] =	sst s0;
	s0 =	simm.s32 @!p1 $0x0  }
0x14: {  	s2 =	sld [smem:$0x3F93];
	s0 =	simm.s32 @p1 $0x1  }
0x15: {  	[smem:$0x3FB0] =	sst s0;
	s0 =	simm.s32 @!p2 $0x0  }
0x16: {  	s3 =	sld [smem:$0x3FDB];
	s0 =	simm.s32 @p2 $0x1  }
0x17: {  	s4 =	simm.s32 $0x1BF5;
	[smem:$0x3FB2] =	sst s0  }
0x18: {  	s0 =	sld [smem:$0x3F95];
	_ =	swait.ge [sflag:s4], $0x0  }
0x19: {  	s7 =	sld [smem:$0x3F96]  }
0x1a: {  	s8 =	sadd.s32 $0xFFFFE003, lr  }
0x1b: {  	s9 =	sadd.s32 $0xFFFFFEF7, lr;
	s5 =	simm.s32 $0xFFFFFFFF;
	p2 =	slt.u32 s8, $0xFFFFF086  }
0x1c: {  	p1 =	slt.u32 s9, $0xF7A;
	s5 =	simm.s32 @!p2 $0x0  }
0x1d: {  	s5 =	simm.s32 @p1 $0x1;
	p0 =	seq.s32 s7, s2  }
0x1e: {  	s7 =	smul.u32 @!p0 $0xF7A, s2;
	p2 =	seq.s32 @!p0 s5, $0x0  }
0x1f: {  	s9 =	smul.u32 $0xF7A, s1;
	s8 =	simm.s32 @!p0 $0x1BF5;
	p2 =	por !p2, p0  }
0x20: {  	[sflag:s8] =	ssyncset.s32 @!p0 $0xFFFFF086;
	s6 =	sadd.s32 @!p0 s3, s7;
	s7 =	simm.s32 @!p0 $0x108  }
0x21: {  	s3 =	sadd.s32 s3, s9;
	s6 =	sadd.s32 @!p0 $0x88, s6;
	s7 =	simm.s32 @p2 $0x1082  }
0x22: {  	[simem:s7], [sflag:s8] =	dma.local @!p0 [hbm:s6], $0xF7A  }
0x23: {  	s9 =	sor.u32 $0xD0000000, s2;
	s6 =	simm.s32 $0x108;
	_ =	swait.ge @!p0 [sflag:s8], $0x0  }
0x24: {  	s3 =	sadd.s32 $0x88, s3;
	s6 =	simm.s32 @!p1 $0x1082;
	[sflag:s4] =	ssyncset.s32 $0xFFFFF086  }
0x25: {  	[simem:s6], [sflag:s4] =	dma.local [hbm:s3], $0xF7A  }
0x26: {  	[smem:$0x3F96] =	sst s1;
	(tag) =	ssettag s2;
	_ =	strace s9  }
0x27: {  	s1 =	sld [smem:$0x3FA6]  }
0x28: {  	s2 =	sld [smem:$0x3FA7]  }
0x29: {  	s4 =	sld [smem:$0x3FA9]  }
0x2a: {  	p0 =	seq.s32 s5, $0x0;
	s5 =	sld [smem:$0x3FAA]  }
0x2b: {  	s6 =	sld [smem:$0x3FAB]  }
0x2c: {  	s7 =	sld [smem:$0x3FAC]  }
0x2d: {  	s3 =	simm.s32 $0x108;
	s8 =	sld [smem:$0x3FAD]  }
0x2e: {  	s3 =	simm.s32 @!p0 $0x1082;
	s9 =	sld [smem:$0x3FAE]  }
0x2f: {  	lr =	sadd.s32 s0, s3;
	s0 =	sld [smem:$0x3FA5]  }
0x30: {  	s3 =	sld [smem:$0x3FA8]  }
0x31: {  	[smem:$0x3FB1] =	sst s10  }
0x32: {  	s10 =	sld [smem:$0x3FAF];
	_ =	sdelay $0x3  }
0x33: {  	p0 =	seq.s32 s10, $0x1;
	s10 =	sld [smem:$0x3FB1];
	_ =	sdelay $0x3  }
0x34: {  	[smem:$0x3FB1] =	sst s10  }
0x35: {  	s10 =	sld [smem:$0x3FB0];
	_ =	sdelay $0x3  }
0x36: {  	p1 =	seq.s32 s10, $0x1;
	s10 =	sld [smem:$0x3FB1];
	_ =	sdelay $0x3  }
0x37: {  	[smem:$0x3FB1] =	sst s10  }
0x38: {  	s10 =	sld [smem:$0x3FB2]  }
0x39: {  	_ = 	snop;
	(pc) =	sbr.ind lr, $3  }
0x3a: {  	_ = 	snop  }
0x3b: {  	_ = 	snop  }
0x3c: {  	p2 =	seq.s32 s10, $0x1;
	s10 =	sld [smem:$0x3FB1]  }
0x3d: {  	_ =	shalt  }
0x3e: {  	_ =	shalt  }
0x3f: {  	_ =	shalt  }
0x40: {  	_ =	shalt  }
0x41: {  	_ =	shalt  }
0x42: {  	_ =	shalt  }
0x43: {  	_ =	shalt  }
0x44: {  	_ =	shalt  }
0x45: {  	_ =	shalt  }
0x46: {  	_ =	shalt  }
0x47: {  	_ =	shalt  }
0x48: {  	_ =	shalt  }
0x49: {  	_ =	shalt  }
0x4a: {  	_ =	shalt  }
0x4b: {  	_ =	shalt  }
0x4c: {  	_ =	shalt  }
0x4d: {  	_ =	shalt  }
0x4e: {  	_ =	shalt  }
0x4f: {  	_ =	shalt  }
0x50: {  	_ =	shalt  }
0x51: {  	_ =	shalt  }
0x52: {  	_ =	shalt  }
0x53: {  	_ =	shalt  }
0x54: {  	_ =	shalt  }
0x55: {  	_ =	shalt  }
0x56: {  	_ =	shalt  }
0x57: {  	_ =	shalt  }
0x58: {  	_ =	shalt  }
0x59: {  	_ =	shalt  }
0x5a: {  	_ =	shalt  }
0x5b: {  	_ =	shalt  }
0x5c: {  	_ =	shalt  }
0x5d: {  	_ =	shalt  }
0x5e: {  	_ =	shalt  }
0x5f: {  	_ =	shalt  }
0x60: {  	_ =	shalt  }
0x61: {  	_ =	shalt  }
0x62: {  	_ =	shalt  }
0x63: {  	_ =	shalt  }
0x64: {  	_ =	shalt  }
0x65: {  	_ =	shalt  }
0x66: {  	_ =	shalt  }
0x67: {  	_ =	shalt  }
0x68: {  	_ =	shalt  }
0x69: {  	_ =	shalt  }
0x6a: {  	_ =	shalt  }
0x6b: {  	_ =	shalt  }
0x6c: {  	_ =	shalt  }
0x6d: {  	_ =	shalt  }
0x6e: {  	_ =	shalt  }
0x6f: {  	_ =	shalt  }
0x70: {  	_ =	shalt  }
0x71: {  	_ =	shalt  }
0x72: {  	_ =	shalt  }
0x73: {  	_ =	shalt  }
0x74: {  	_ =	shalt  }
0x75: {  	_ =	shalt  }
0x76: {  	_ =	shalt  }
0x77: {  	_ =	shalt  }
0x78: {  	_ =	shalt  }
0x79: {  	_ =	shalt  }
0x7a: {  	_ =	shalt  }
0x7b: {  	_ =	shalt  }
0x7c: {  	_ =	shalt  }
0x7d: {  	_ =	shalt  }
0x7e: {  	_ =	shalt  }
0x7f: {  	_ =	shalt  }
0x80: {  	_ =	shalt  }
0x81: {  	_ =	shalt  }
0x82: {  	_ =	shalt  }
0x83: {  	_ =	shalt  }
0x84: {  	_ =	shalt  }
0x85: {  	_ =	shalt  }
0x86: {  	_ =	shalt  }
0x87: {  	_ =	shalt  }
.Lfunc_end0:
.L_simem_size_0:
called_computation.3_lowered:
.L_overlay_start_0:
0x88: {  	s2 =	sld [smem:$0x3FD9]  }
0x89: {  	s3 =	sld [smem:$0x3FFE];
	_ =	sdelay $0x1  }
0x8a: {  	s1 =	srdreg.scid  }
0x8b: {  	s0 =	sand.u32 $0x1, s1  }
0x8c: {  	s17 =	sshll.u32 s0, $0xA;
	s2 =	sadd.s32 s3, s2  }
0x8d: {  	s2 =	sadd.s32 s2, s17  }
0x8e: {  	[smem:$0x3FBD] =	sst s2  }
0x8f: {  	_ = 	snop  }
0x90: {  	s2 =	sld [smem:$0x3FD0];
	(tm) =	ssettm $0x1  }
0x91: {  	s18 =	sld [smem:$0x3FFB];
	_ =	sdelay $0x3  }
0x92: {  	_ =	strace s18  }
0x93: {  	s3 =	sld [smem:$0x3FFC];
	_ =	sdelay $0x3  }
0x94: {  	_ =	strace s3  }
0x95: {  	s3 =	sld [smem:$0x3FFD];
	_ =	sdelay $0x3  }
0x96: {  	_ =	strace s3  }
0x97: {  	_ =	strace $0x8FFFFFFF  }
0x98: {  	s19 =	sld [smem:$0x3FDB];
	_ =	sdelay $0x1  }
0x99: {  	s4 =	simm.s32 $_scs_section_size  }
0x9a: {  	s5 =	simm.s32 $_size__tile_overlayer_lowered;
	s6 =	simm.s32 $_tile_overlayer_lowered  }
0x9b: {  	s22 =	simm.s32 $0x1BFF;
	s21 =	sshll.u32 s6, $0x1;
	s3 =	sadd.s32 s4, s19  }
0x9c: {  	s7 =	simm.s32 $0x0;
	s20 =	sshll.u32 s5, $0x1;
	s5 =	sadd.s32 s21, s3  }
0x9d: {  	[timem:s7], [sflag:s22] =	dma.local [hbm:s5], s20  }
0x9e: {  	_ =	swait.ge [sflag:s22], s20  }
0x9f: {  	s4 =	ssub.s32 $0x0, s20;
	[sflag:s22] =	ssyncset.done $0x0  }
0xa0: {  	[sflag:s22] =	ssyncadd.s32 s4;
	_ =	sdelay $0x1  }
0xa1: {  	s23 =	simm.s32 $0x1B8B  }
0xa2: {  	_ =	swait.ge [sflag:s23], $0x1  }
0xa3: {  	[sflag:s23] =	ssyncset.done $0x0  }
0xa4: {  	s25 =	simm.s32 $0x1B8E;
	s24 =	sld [smem:$0x3FFE];
	[sflag:s23] =	ssyncadd.s32 $0xFFFFFFFF  }
0xa5: {  	s26 =	simm.s32 $execute0_lowered;
	[smem:$0x3FD2] =	sst s25  }
0xa6: {  	s5 =	sshll.u32 s26, $0x1;
	_ =	strace $0x8000004F;
	[dreg:$0x1] =	wrdreg $0xFFFFFFFF  }
0xa7: {  	s28 =	simm.s32 $_size_execute0_lowered;
	s3 =	sadd.s32 s3, s5;
	[dreg:$0x0] =	wrdreg $0x0  }
0xa8: {  	s5 =	sshll.u32 s28, $0x1;
	[dreg:$0x2] =	wrdreg s3  }
0xa9: {  	[dreg:$0x3] =	wrdreg s5  }
0xaa: {  	[dreg:$0x4] =	wrdreg $0xC0  }
0xab: {  	_ =	task [dreg:s7], $0x5FFFF  }
0xac: {  	[dreg:$0x1] =	wrdreg $0xFFFFFFFF  }
0xad: {  	[dreg:$0x0] =	wrdreg $0x60  }
0xae: {  	[dreg:$0x2] =	wrdreg s24  }
0xaf: {  	[dreg:$0x3] =	wrdreg s2  }
0xb0: {  	[dreg:$0x4] =	wrdreg $0x83E00  }
0xb1: {  	[dreg:$0x5] =	wrdreg $0x9  }
0xb2: {  	_ =	task.clear_ibuf [dreg:s7], $0x6FFFF;
	_ =	strace $0x9000004F  }
0xb3: {  	s29 =	simm.s32 $0x9;
	_ =	strace $0x80000051  }
0xb4: {  	_ =	swait.ge [sflag:s29], $0x1  }
0xb5: {  	[sflag:s29] =	ssyncadd.s32 $0xFFFFFFFF  }
0xb6: {  	_ =	strace $0x90000051  }
0xb7: {  	_ =	sfence  }
0xb8: {  	s30 =	sld [smem:$0x0];
	_ =	sdelay $0x2  }
0xb9: {  	s31 =	sshll.u32 s1, $0xD;
	s1 =	sshrl.u32 s1, $0x2  }
0xba: {  	s3 =	sand.u32 $0x4000, s31;
	s1 =	sadd.s32 s1, s30  }
0xbb: {  	s0 =	sor.u32 s3, s0;
	s1 =	sshll.u32 s1, $0x11  }
0xbc: {  	s0 =	sor.u32 s1, s0  }
0xbd: {  	s0 =	sadd.s32 $0x8F2B, s0  }
0xbe: {  	[sflag:s0] =	ssyncadd.remote.s32 $0x1  }
0xbf: {  	_ =	sfence.sel $0xFFFF  }
0xc0: {  	[dreg:$0x0] =	wrdreg $0xFFFFFFFF;
	(pc) =	sbr.abs _section_cstart, $3  }
0xc1: {  	[dreg:$0x1] =	wrdreg $0xFFFFFFFF  }
0xc2: {  	_ =	task.clear_ibuf [dreg:s7], $0x2FFFF;
	_ =	strace $0x9FFFFFFF  }
0xc3: {  	(tm) =	ssettm $0x7FFFFFFF  }
tec
execute0_lowered:
.L_overlay_start_1:
0x0: {  	(tag) =	ssettag $0x1  }
0x1: {  	s6 =	rddreg [dreg:$0x0]  }
0x2: {  	s0 =	srdreg.scid;
	s21 =	stileid.u32;
	s1 =	simm.s32 $0x0  }
0x3: {  	s28 =	simm.s32 $0x0;
	s29 =	simm.s32 $0x0;
	s0 =	sand.u32 $0x1, s0  }
0x4: {  	s2 =	sshll.u32 s21, $0x1;
	[smem:$0x7FF] =	sst s1;
	s7 =	sadd.s32 $0x15BC00, s6  }
0x5: {  	s15 =	sor.u32 $0x10, s21;
	s16 =	sor.u32 $0x20, s21;
	s8 =	smul.u32 $0x138800, s0  }
0x6: {  	s3 =	ssub.s32 $0x2, s0;
	s2 =	sor.u32 s0, s2;
	s0 =	smul.u32 $0x3200, s21  }
0x7: {  	s17 =	sor.u32 $0x30, s21;
	s18 =	sor.u32 $0x40, s21;
	s10 =	smul.u32 $0x2710, s2  }
0x8: {  	s19 =	sor.u32 $0x50, s21;
	s4 =	sshrl.u32 s3, $0x1;
	s2 =	smul.u32 $0x3200, s15  }
0x9: {  	s20 =	sor.u32 $0x60, s21;
	s11 =	ssub.s32 s3, s4;
	s3 =	smul.u32 $0x3200, s16  }
0xa: {  	p0 =	sgt.u32 s20, $0x63;
	s23 =	sadd.s32 s8, s0;
	s4 =	smul.u32 $0x3200, s17  }
0xb: {  	s9 =	sshrl.u32 s23, $0x3;
	s5 =	sadd.s32 s8, s2;
	s23 =	smul.u32 $0x3200, s19  }
0xc: {  	s11 =	smax.u32 s11, $0x1;
	s12 =	sshrl.u32 s5, $0x3;
	s13 =	sadd.s32 s8, s3  }
0xd: {  	s5 =	smul.u32 $0x3200, s18;
	s9 =	sadd.s32 s7, s9;
	s26 =	sadd.s32 s8, s4  }
0xe: {  	[dreg:$0x4] =	wrdreg s9;
	s24 =	sadd.s32 s7, s12;
	s25 =	sshrl.u32 s13, $0x3  }
0xf: {  	s12 =	sshrl.u32 s26, $0x3;
	[dreg:$0x5] =	wrdreg s24;
	s9 =	sadd.s32 s7, s25  }
0x10: {  	s30 =	sadd.s32 s8, s5;
	s31 =	sadd.s32 s7, s12;
	[dreg:$0x6] =	wrdreg s9  }
0x11: {  	s24 =	smul.u32 $0x3200, s20;
	s13 =	sshrl.u32 s30, $0x3;
	[dreg:$0x7] =	wrdreg s31  }
0x12: {  	s25 =	sshrl.u32 s10, $0x3;
	s9 =	rddreg [dreg:$0x2];
	s12 =	sadd.s32 s7, s13  }
0x13: {  	s13 =	sadd.s32 s8, s23;
	s14 =	sadd.s32 s8, s24;
	s8 =	rddreg [dreg:$0x1]  }
0x14: {  	s0 =	sadd.s32 s0, s9;
	[dreg:$0x8] =	wrdreg s12;
	s22 =	sshrl.u32 s13, $0x3  }
0x15: {  	s12 =	sshrl.u32 s14, $0x3;
	s14 =	sadd.s32 $0x19600, s6;
	s13 =	sadd.s32 s7, s22  }
0x16: {  	s26 =	sadd.s32 s8, s25;
	s7 =	sadd.s32 s7, s12;
	[dreg:$0x9] =	wrdreg s13  }
0x17: {  	s12 =	sadd.s32 $0x23400, s6;
	s31 =	sadd.s32 s14, s25;
	[dreg:$0xa] =	wrdreg s7  }
0x18: {  	s22 =	sadd.s32 $0xA, s25;
	_ =	strace $0x80000050;
	[dreg:$0xb] =	wrdreg s26  }
0x19: {  	s13 =	sadd.s32 $0xD000, s6;
	s7 =	sadd.s32 s8, s22;
	[dreg:$0xd] =	wrdreg s31  }
0x1a: {  	s6 =	sadd.s32 s14, s22;
	[dreg:$0xe] =	wrdreg s7;
	s26 =	smul.u32 $0xC800, s21  }
0x1b: {  	s30 =	sadd.s32 s13, s25;
	[dreg:$0x10] =	wrdreg s6;
	s31 =	smul.u32 $0xC800, s16  }
0x1c: {  	s25 =	sadd.s32 s13, s22;
	[dreg:$0x11] =	wrdreg s11;
	s16 =	smul.u32 $0xC800, s18  }
0x1d: {  	s21 =	sadd.s32 $0xA0, s10;
	s18 =	smul.u32 $0xC800, s19;
	[dreg:$0x19] =	wrdreg s0  }
0x1e: {  	s22 =	sadd.s32 $0xF0, s10;
	s19 =	smul.u32 $0xC800, s20;
	[dreg:$0xc] =	wrdreg s30  }
0x1f: {  	s11 =	simm.s32 $0x3;
	[dreg:$0xf] =	wrdreg s25;
	s30 =	smul.u32 $0xC800, s15  }
0x20: {  	s15 =	smul.u32 $0xC800, s17;
	s7 =	sshrl.u32 s26, $0x2;
	s10 =	sshrl.u32 s31, $0x2  }
0x21: {  	s20 =	sshrl.u32 s16, $0x2;
	s25 =	sshrl.u32 s19, $0x2;
	s26 =	sadd.s32 s2, s9  }
0x22: {  	s31 =	sadd.s32 s4, s9;
	s4 =	sadd.s32 s5, s9;
	s5 =	sadd.s32 s23, s9  }
0x23: {  	s16 =	simm.s32 $0x140;
	s19 =	simm.s32 $0xF0;
	s23 =	simm.s32 $0x29E0  }
0x24: {  	s7 =	sadd.s32 s7, s9;
	s6 =	sshrl.u32 s30, $0x2;
	[dreg:$0x1a] =	wrdreg s26  }
0x25: {  	s17 =	sadd.s32 s10, s9;
	s30 =	sadd.s32 s3, s9;
	[dreg:$0x1c] =	wrdreg s31  }
0x26: {  	s10 =	simm.s32 $0x51E0;
	s26 =	simm.s32 $0x4;
	[dreg:$0x12] =	wrdreg s7  }
0x27: {  	s6 =	sadd.s32 s6, s9;
	[dreg:$0x14] =	wrdreg s17;
	s7 =	sshrl.u32 s15, $0x2  }
0x28: {  	[dreg:$0x1b] =	wrdreg s30;
	s15 =	simm.s32 $0xA0;
	s17 =	simm.s32 $0x50  }
0x29: {  	[dreg:$0x13] =	wrdreg s6;
	s7 =	sadd.s32 s7, s9;
	s6 =	sshrl.u32 s18, $0x2  }
0x2a: {  	s18 =	simm.s32 $0x1E0;
	[dreg:$0x15] =	wrdreg s7;
	s7 =	sadd.s32 s20, s9  }
0x2b: {  	s6 =	sadd.s32 s6, s9;
	s20 =	simm.s32 $0x190;
	[dreg:$0x16] =	wrdreg s7  }
0x2c: {  	[dreg:$0x17] =	wrdreg s6;
	s6 =	sadd.s32 s25, s9;
	s25 =	simm.s32 $0x2  }
0x2d: {  	v0 =	vimm.f32 $0.0e+00;
	[dreg:$0x18] =	wrdreg s6;
	s6 =	sadd.s32 s24, s9;
	s24 =	simm.s32 $0x1  }
.LBB2_1:
0x2e: {  	s0 =	simm.s32 $0x0;
	s2 =	simm.s32 $0x200  }
.LBB2_2:
0x2f: {  	p1 =	sne.s32 s2, $0xC600;
	[tilespmem:s0+$0x5250] =	vst v0  }
0x30: {  	[tilespmem:s0+$0x51E0] =	vst v0  }
0x31: {  	[tilespmem:s0+$0x51F0] =	vst v0  }
.Ltmp0:
0x32: {  	[tilespmem:s0+$0x5200] =	vst v0;
	(pc) =	sbr.rel @p1 .LBB2_2-.Ltmp0, $4  }
0x33: {  	[tilespmem:s0+$0x5210] =	vst v0  }
0x34: {  	[tilespmem:s0+$0x5220] =	vst v0  }
0x35: {  	[tilespmem:s0+$0x5230] =	vst v0  }
0x36: {  	[tilespmem:s0+$0x5240] =	vst v0;
	s0 =	sshra.s32 s2, $0x2;
	s2 =	sadd.s32 $0x200, s2  }
0x37: {  	[tilespmem:s0+$0x5250] =	vst v0  }
0x38: {  	[tilespmem:s0+$0x51E0] =	vst v0  }
0x39: {  	[tilespmem:s0+$0x51F0] =	vst v0  }
0x3a: {  	[tilespmem:s0+$0x5200] =	vst v0  }
0x3b: {  	[tilespmem:s0+$0x5210] =	vst v0  }
0x3c: {  	[tilespmem:s0+$0x5220] =	vst v0  }
0x3d: {  	[tilespmem:s0+$0x5230] =	vst v0  }
0x3e: {  	[tilespmem:s0+$0x5240] =	vst v0;
	s2 =	rddreg [dreg:$0x12]  }
0x3f: {  	[spmem:s2] =	stream.linear.scatter [tilespmem:s10], [sflag:$0x3], $0x3200, $0x38;
	[tilespmem:$0x1BC60] =	vst v63  }
0x40: {  	_ =	swait.ge [sflag:s11], $0x3200  }
0x41: {  	[sflag:s11] =	ssyncset.done $0x0  }
0x42: {  	s3 =	rddreg [dreg:$0x13];
	[sflag:s11] =	ssyncadd.s32 $0xFFFFCE00  }
0x43: {  	[spmem:s3] =	stream.linear.scatter [tilespmem:s10], [sflag:$0x3], $0x3200, $0x38;
	[tilespmem:$0x1BC60] =	vst v63  }
0x44: {  	_ =	swait.ge [sflag:s11], $0x3200  }
0x45: {  	[sflag:s11] =	ssyncset.done $0x0  }
0x46: {  	s7 =	rddreg [dreg:$0x14];
	[sflag:s11] =	ssyncadd.s32 $0xFFFFCE00  }
0x47: {  	[spmem:s7] =	stream.linear.scatter [tilespmem:s10], [sflag:$0x3], $0x3200, $0x38;
	[tilespmem:$0x1BC60] =	vst v63  }
0x48: {  	_ =	swait.ge [sflag:s11], $0x3200  }
0x49: {  	[sflag:s11] =	ssyncset.done $0x0  }
0x4a: {  	s31 =	rddreg [dreg:$0x15];
	[sflag:s11] =	ssyncadd.s32 $0xFFFFCE00  }
0x4b: {  	[spmem:s31] =	stream.linear.scatter [tilespmem:s10], [sflag:$0x3], $0x3200, $0x38;
	[tilespmem:$0x1BC60] =	vst v63  }
0x4c: {  	_ =	swait.ge [sflag:s11], $0x3200  }
0x4d: {  	[sflag:s11] =	ssyncset.done $0x0  }
0x4e: {  	s2 =	rddreg [dreg:$0x16];
	[sflag:s11] =	ssyncadd.s32 $0xFFFFCE00  }
0x4f: {  	[spmem:s2] =	stream.linear.scatter [tilespmem:s10], [sflag:$0x3], $0x3200, $0x38;
	[tilespmem:$0x1BC60] =	vst v63  }
0x50: {  	_ =	swait.ge [sflag:s11], $0x3200  }
0x51: {  	[sflag:s11] =	ssyncset.done $0x0  }
0x52: {  	s3 =	rddreg [dreg:$0x17];
	[sflag:s11] =	ssyncadd.s32 $0xFFFFCE00  }
0x53: {  	[spmem:s3] =	stream.linear.scatter [tilespmem:s10], [sflag:$0x3], $0x3200, $0x38;
	[tilespmem:$0x1BC60] =	vst v63  }
0x54: {  	_ =	swait.ge [sflag:s11], $0x3200  }
0x55: {  	[sflag:s11] =	ssyncset.done $0x0  }
0x56: {  	s0 =	simm.s32 @!p0 $0x51E0;
	s2 =	rddreg [dreg:$0x18];
	[sflag:s11] =	ssyncadd.s32 $0xFFFFCE00  }
0x57: {  	[spmem:s2] =	stream.linear.scatter @!p0 [tilespmem:s0], [sflag:$0x3], $0x3200, $0x38;
	[tilespmem:$0x1BC60] =	vst v63  }
0x58: {  	s0 =	simm.s32 @!p0 $0x3  }
0x59: {  	_ =	swait.ge @!p0 [sflag:s0], $0x3200  }
0x5a: {  	[sflag:s0] =	ssyncset.done @!p0 $0x0  }
0x5b: {  	[sflag:s0] =	ssyncadd.s32 @!p0 $0xFFFFCE00  }
0x5c: {  	[bflag:$0x0] =	sbarrier.arrive $0xFFFF  }
0x5d: {  	s7 =	rddreg [dreg:$0xb]  }
0x5e: {  	[tilespmem:s29], [sflag:$0x3] =	stream.linear.gather [hbm4b:s7+s29], $0x50, $0x38;
	[tilespmem:$0x1BC60] =	vst v63  }
0x5f: {  	_ =	swait.ge [sflag:s11], $0x50  }
0x60: {  	[sflag:s11] =	ssyncset.done $0x0  }
0x61: {  	s31 =	rddreg [dreg:$0xc];
	[sflag:s11] =	ssyncadd.s32 $0xFFFFFFB0  }
0x62: {  	[tilespmem:s15], [sflag:$0x3] =	stream.linear.gather [hbm4b:s31+s29], $0x50, $0x38;
	[tilespmem:$0x1BC60] =	vst v63  }
0x63: {  	_ =	swait.ge [sflag:s11], $0x50  }
0x64: {  	[sflag:s11] =	ssyncset.done $0x0  }
0x65: {  	s2 =	rddreg [dreg:$0xd];
	[sflag:s11] =	ssyncadd.s32 $0xFFFFFFB0  }
0x66: {  	[tilespmem:s16], [sflag:$0x3] =	stream.linear.gather [hbm4b:s2+s29], $0x50, $0x38;
	[tilespmem:$0x1BC60] =	vst v63  }
0x67: {  	_ =	swait.ge [sflag:s11], $0x50  }
0x68: {  	[sflag:s11] =	ssyncset.done $0x0  }
0x69: {  	[sflag:s11] =	ssyncadd.s32 $0xFFFFFFB0  }
0x6a: {  	[tilespmem:s18], [sflag:$0x1] =	stream.indirect.gather [hbm4b:s12+s17], $0x80, s15, s17, $0xb8;
	[tilespmem:$0x1BC60] =	vst v63  }
0x6b: {  	s3 =	rddreg [dreg:$0xe]  }
0x6c: {  	[tilespmem:s17], [sflag:$0x3] =	stream.linear.gather [hbm4b:s3+s29], $0x50, $0x38;
	[tilespmem:$0x1BC60] =	vst v63  }
0x6d: {  	_ =	swait.ge [sflag:s11], $0x50  }
0x6e: {  	[sflag:s11] =	ssyncset.done $0x0  }
0x6f: {  	s7 =	rddreg [dreg:$0xf];
	[sflag:s11] =	ssyncadd.s32 $0xFFFFFFB0  }
0x70: {  	[tilespmem:s19], [sflag:$0x3] =	stream.linear.gather [hbm4b:s7+s29], $0x50, $0x38;
	[tilespmem:$0x1BC60] =	vst v63  }
0x71: {  	_ =	swait.ge [sflag:s11], $0x50  }
0x72: {  	[sflag:s11] =	ssyncset.done $0x0  }
0x73: {  	s31 =	rddreg [dreg:$0x10];
	[sflag:s11] =	ssyncadd.s32 $0xFFFFFFB0  }
0x74: {  	[tilespmem:s20], [sflag:$0x3] =	stream.linear.gather [hbm4b:s31+s29], $0x50, $0x38;
	[tilespmem:$0x1BC60] =	vst v63  }
0x75: {  	_ =	swait.ge [sflag:s11], $0x50  }
0x76: {  	[sflag:s11] =	ssyncset.done $0x0  }
0x77: {  	s30 =	simm.s32 $0x0;
	[sflag:s11] =	ssyncadd.s32 $0xFFFFFFB0  }
0x78: {  	[tilespmem:s23], [sflag:$0x2] =	stream.indirect.gather [hbm4b:s12+s17], $0x80, s19, s17, $0xb8;
	[tilespmem:$0x1BC60] =	vst v63  }
.LBB2_4:
0x79: {  	_ =	swait.ge [sflag:s24], $0x2800  }
0x7a: {  	v1 =	vmov s29;
	[sflag:s24] =	ssyncset.done $0x0  }
0x7b: {  	s31 =	simm.s32 $0x220;
	[sflag:s24] =	ssyncadd.s32 $0xFFFFD800  }
0x7c: {  	v5 =	vld [tilespmem:s31+$0x30]  }
0x7d: {  	v8 =	vld [tilespmem:s31+$0x10]  }
0x7e: {  	v6 =	vld [tilespmem:s31+$0xFFFFFFC0]  }
0x7f: {  	v2 =	vld.idx.msk [tilespmem:v1+s16+$0x0], $0xffff  }
0x80: {  	v10 =	vld [tilespmem:s31+$0xFFFFFFE0]  }
0x81: {  	v3 =	vld [tilespmem:s31+$0x20]  }
0x82: {  	v4 =	vld [tilespmem:s31+$0xFFFFFFD0]  }
0x83: {  	v1 =	vld [tilespmem:s31+$0xFFFFFFF0]  }
0x84: {  	v9 =	vmul.f32 v5, v2;
	v5 =	vld [tilespmem:s31+$0x0]  }
0x85: {  	v7 =	vmul.f32 v6, v2  }
0x86: {  	s7 =	simm.s32 $0x1;
	s0 =	simm.s32 $0x220;
	v6 =	vmul.f32 v10, v2;
	v8 =	vmul.f32 v8, v2  }
.LBB2_5:
0x87: {  	p1 =	sne.s32 s7, $0x4F  }
0x88: {  	v4 =	vmul.f32 v4, v2;
	v3 =	vmul.f32 v3, v2;
	[tilespmem:s31+$0x30] =	vst v9;
	s0 =	sadd.s32 $0x80, s0;
	s2 =	smov.u32 s7;
	s7 =	sadd.s32 $0x1, s7  }
0x89: {  	[tilespmem:s31+$0xFFFFFFC0] =	vst v7;
	v7 =	vmul.f32 v1, v2;
	v2 =	vmul.f32 v5, v2  }
0x8a: {  	[tilespmem:s31+$0x10] =	vst v8  }
0x8b: {  	v5 =	vmov s2;
	[tilespmem:s31+$0xFFFFFFE0] =	vst v6  }
0x8c: {  	v1 =	vld [tilespmem:s0+$0xFFFFFFF0];
	[tilespmem:s31+$0xFFFFFFF0] =	vst v7  }
0x8d: {  	v6 =	vld [tilespmem:s0+$0x30];
	[tilespmem:s31+$0x0] =	vst v2  }
0x8e: {  	v8 =	vld [tilespmem:s0+$0x10];
	[tilespmem:s31+$0x20] =	vst v3  }
0x8f: {  	v7 =	vld [tilespmem:s0+$0xFFFFFFC0];
	[tilespmem:s31+$0xFFFFFFD0] =	vst v4;
	s31 =	smov.u32 s0  }
0x90: {  	v2 =	vld.idx.msk [tilespmem:v5+s16+$0x0], $0xffff  }
0x91: {  	v10 =	vld [tilespmem:s0+$0xFFFFFFE0]  }
0x92: {  	v3 =	vld [tilespmem:s0+$0x20]  }
.Ltmp1:
0x93: {  	v4 =	vld [tilespmem:s0+$0xFFFFFFD0];
	(pc) =	sbr.rel @p1 .LBB2_5-.Ltmp1, $3  }
0x94: {  	v5 =	vld [tilespmem:s0+$0x0];
	_ =	sdelay $0x1  }
0x95: {  	v7 =	vmul.f32 v7, v2;
	v9 =	vmul.f32 v6, v2  }
0x96: {  	v8 =	vmul.f32 v8, v2;
	v6 =	vmul.f32 v10, v2  }
0x97: {  	[tilespmem:s31+$0x30] =	vst v9  }
0x98: {  	[tilespmem:s31+$0xFFFFFFC0] =	vst v7  }
0x99: {  	v1 =	vmul.f32 v1, v2;
	[tilespmem:s31+$0x10] =	vst v8  }
0x9a: {  	v3 =	vmul.f32 v3, v2;
	[tilespmem:s31+$0xFFFFFFE0] =	vst v6  }
0x9b: {  	v5 =	vmul.f32 v5, v2;
	[tilespmem:s31+$0xFFFFFFF0] =	vst v1  }
0x9c: {  	v1 =	vmul.f32 v4, v2;
	[tilespmem:s31+$0x20] =	vst v3  }
0x9d: {  	[tilespmem:s31+$0x0] =	vst v5  }
0x9e: {  	s0 =	simm.s32 $0x0;
	[tilespmem:s31+$0xFFFFFFD0] =	vst v1;
	s31 =	smul.u32 $0xA0, s30  }
0x9f: {  	[spmem:s9] =	stream.indirect.scatter.add.f32 [tilespmem:s18], [sflag:$0x3], $0x80, s0, s17, $0xb8;
	[tilespmem:$0x1BC60] =	vst v63  }
0xa0: {  	_ =	swait.ge [sflag:s11], $0x2800;
	s2 =	sadd.s32 s31, s21  }
0xa1: {  	[sflag:s11] =	ssyncset.done $0x0;
	s2 =	sshrl.u32 s2, $0x3  }
0xa2: {  	[sflag:s11] =	ssyncadd.s32 $0xFFFFD800;
	s7 =	sadd.s32 s8, s2  }
0xa3: {  	[tilespmem:s0], [sflag:$0x3] =	stream.linear.gather [hbm4b:s7+s0], $0x50, $0x38;
	[tilespmem:$0x1BC60] =	vst v63  }
0xa4: {  	_ =	swait.ge [sflag:s11], $0x50  }
0xa5: {  	[sflag:s11] =	ssyncset.done $0x0  }
0xa6: {  	s3 =	sadd.s32 s13, s2;
	[sflag:s11] =	ssyncadd.s32 $0xFFFFFFB0  }
0xa7: {  	[tilespmem:s15], [sflag:$0x3] =	stream.linear.gather [hbm4b:s3+s0], $0x50, $0x38;
	[tilespmem:$0x1BC60] =	vst v63  }
0xa8: {  	_ =	swait.ge [sflag:s11], $0x50  }
0xa9: {  	[sflag:s11] =	ssyncset.done $0x0  }
0xaa: {  	s2 =	sadd.s32 s14, s2;
	[sflag:s11] =	ssyncadd.s32 $0xFFFFFFB0  }
0xab: {  	[tilespmem:s16], [sflag:$0x3] =	stream.linear.gather [hbm4b:s2+s0], $0x50, $0x38;
	[tilespmem:$0x1BC60] =	vst v63  }
0xac: {  	_ =	swait.ge [sflag:s11], $0x50  }
0xad: {  	[sflag:s11] =	ssyncset.done $0x0  }
0xae: {  	[sflag:s11] =	ssyncadd.s32 $0xFFFFFFB0  }
0xaf: {  	[tilespmem:s18], [sflag:$0x1] =	stream.indirect.gather [hbm4b:s12+s17], $0x80, s15, s17, $0xb8;
	[tilespmem:$0x1BC60] =	vst v63  }
0xb0: {  	_ =	swait.ge [sflag:s25], $0x2800  }
0xb1: {  	v1 =	vmov s0;
	[sflag:s25] =	ssyncset.done $0x0  }
0xb2: {  	s7 =	simm.s32 $0x2A20;
	[sflag:s25] =	ssyncadd.s32 $0xFFFFD800  }
0xb3: {  	v5 =	vld [tilespmem:s7+$0x30]  }
0xb4: {  	v8 =	vld [tilespmem:s7+$0x10]  }
0xb5: {  	v6 =	vld [tilespmem:s7+$0xFFFFFFC0]  }
0xb6: {  	v2 =	vld.idx.msk [tilespmem:v1+s20+$0x0], $0xffff  }
0xb7: {  	v10 =	vld [tilespmem:s7+$0xFFFFFFE0]  }
0xb8: {  	v1 =	vld [tilespmem:s7+$0xFFFFFFF0]  }
0xb9: {  	v3 =	vld [tilespmem:s7+$0x20]  }
0xba: {  	v4 =	vld [tilespmem:s7+$0xFFFFFFD0]  }
0xbb: {  	v9 =	vmul.f32 v5, v2;
	v5 =	vld [tilespmem:s7+$0x0]  }
0xbc: {  	v7 =	vmul.f32 v6, v2  }
0xbd: {  	s0 =	simm.s32 $0x1;
	s2 =	simm.s32 $0x2A20;
	v6 =	vmul.f32 v10, v2;
	v8 =	vmul.f32 v8, v2  }
.LBB2_7:
0xbe: {  	p1 =	sne.s32 s0, $0x4F  }
0xbf: {  	v4 =	vmul.f32 v4, v2;
	v3 =	vmul.f32 v3, v2;
	[tilespmem:s7+$0x30] =	vst v9;
	s2 =	sadd.s32 $0x80, s2;
	s3 =	smov.u32 s0;
	s0 =	sadd.s32 $0x1, s0  }
0xc0: {  	[tilespmem:s7+$0xFFFFFFC0] =	vst v7;
	v7 =	vmul.f32 v1, v2;
	v2 =	vmul.f32 v5, v2  }
0xc1: {  	[tilespmem:s7+$0x10] =	vst v8  }
0xc2: {  	v5 =	vmov s3;
	[tilespmem:s7+$0xFFFFFFE0] =	vst v6  }
0xc3: {  	v1 =	vld [tilespmem:s2+$0xFFFFFFF0];
	[tilespmem:s7+$0xFFFFFFF0] =	vst v7  }
0xc4: {  	v6 =	vld [tilespmem:s2+$0x30];
	[tilespmem:s7+$0x0] =	vst v2  }
0xc5: {  	v8 =	vld [tilespmem:s2+$0x10];
	[tilespmem:s7+$0x20] =	vst v3  }
0xc6: {  	v7 =	vld [tilespmem:s2+$0xFFFFFFC0];
	[tilespmem:s7+$0xFFFFFFD0] =	vst v4;
	s7 =	smov.u32 s2  }
0xc7: {  	v2 =	vld.idx.msk [tilespmem:v5+s20+$0x0], $0xffff  }
0xc8: {  	v10 =	vld [tilespmem:s2+$0xFFFFFFE0]  }
0xc9: {  	v3 =	vld [tilespmem:s2+$0x20]  }
.Ltmp2:
0xca: {  	v4 =	vld [tilespmem:s2+$0xFFFFFFD0];
	(pc) =	sbr.rel @p1 .LBB2_7-.Ltmp2, $3  }
0xcb: {  	v5 =	vld [tilespmem:s2+$0x0];
	_ =	sdelay $0x1  }
0xcc: {  	v7 =	vmul.f32 v7, v2;
	v9 =	vmul.f32 v6, v2  }
0xcd: {  	v8 =	vmul.f32 v8, v2;
	v6 =	vmul.f32 v10, v2  }
0xce: {  	[tilespmem:s7+$0x30] =	vst v9  }
0xcf: {  	[tilespmem:s7+$0xFFFFFFC0] =	vst v7  }
0xd0: {  	v1 =	vmul.f32 v1, v2;
	[tilespmem:s7+$0x10] =	vst v8  }
0xd1: {  	v3 =	vmul.f32 v3, v2;
	[tilespmem:s7+$0xFFFFFFE0] =	vst v6  }
0xd2: {  	v5 =	vmul.f32 v5, v2;
	[tilespmem:s7+$0xFFFFFFF0] =	vst v1  }
0xd3: {  	v1 =	vmul.f32 v4, v2;
	[tilespmem:s7+$0x20] =	vst v3  }
0xd4: {  	p1 =	seq.s32 s30, $0x3D;
	[tilespmem:s7+$0x0] =	vst v5  }
.Ltmp3:
0xd5: {  	[tilespmem:s7+$0xFFFFFFD0] =	vst v1;
	(pc) =	sbr.rel @p1 .LBB2_10-.Ltmp3, $4  }
0xd6: {  	[spmem:s9] =	stream.indirect.scatter.add.f32 [tilespmem:s23], [sflag:$0x3], $0x80, s17, s17, $0xb8;
	[tilespmem:$0x1BC60] =	vst v63  }
0xd7: {  	_ =	swait.ge [sflag:s11], $0x2800  }
0xd8: {  	[sflag:s11] =	ssyncset.done $0x0  }
0xd9: {  	[sflag:s11] =	ssyncadd.s32 $0xFFFFD800  }
0xda: {  	s0 =	sadd.s32 s31, s22  }
0xdb: {  	s0 =	sshrl.u32 s0, $0x3  }
0xdc: {  	s2 =	sadd.s32 s8, s0  }
0xdd: {  	[tilespmem:s17], [sflag:$0x3] =	stream.linear.gather [hbm4b:s2+s1], $0x50, $0x38;
	[tilespmem:$0x1BC60] =	vst v63  }
0xde: {  	_ =	swait.ge [sflag:s11], $0x50  }
0xdf: {  	[sflag:s11] =	ssyncset.done $0x0  }
0xe0: {  	s31 =	sadd.s32 s13, s0;
	[sflag:s11] =	ssyncadd.s32 $0xFFFFFFB0  }
0xe1: {  	[tilespmem:s19], [sflag:$0x3] =	stream.linear.gather [hbm4b:s31+s1], $0x50, $0x38;
	[tilespmem:$0x1BC60] =	vst v63  }
0xe2: {  	_ =	swait.ge [sflag:s11], $0x50  }
0xe3: {  	[sflag:s11] =	ssyncset.done $0x0  }
0xe4: {  	s0 =	sadd.s32 s14, s0;
	[sflag:s11] =	ssyncadd.s32 $0xFFFFFFB0  }
0xe5: {  	[tilespmem:s20], [sflag:$0x3] =	stream.linear.gather [hbm4b:s0+s1], $0x50, $0x38;
	[tilespmem:$0x1BC60] =	vst v63  }
.Ltmp4:
0xe6: {  	_ = 	snop;
	(pc) =	sbr.rel .LBB2_4-.Ltmp4, $4  }
0xe7: {  	_ =	swait.ge [sflag:s11], $0x50  }
0xe8: {  	[sflag:s11] =	ssyncset.done $0x0  }
0xe9: {  	s30 =	sadd.s32 $0x1, s30;
	[sflag:s11] =	ssyncadd.s32 $0xFFFFFFB0  }
0xea: {  	[tilespmem:s23], [sflag:$0x2] =	stream.indirect.gather [hbm4b:s12+s17], $0x80, s19, s17, $0xb8;
	[tilespmem:$0x1BC60] =	vst v63  }
.LBB2_10:
0xeb: {  	_ =	swait.ge [sflag:s24], $0x2800;
	s0 =	simm.s32 $0x0  }
0xec: {  	[sflag:s24] =	ssyncset.done $0x0;
	v1 =	vmov s0  }
0xed: {  	s7 =	simm.s32 $0x220;
	[sflag:s24] =	ssyncadd.s32 $0xFFFFD800  }
0xee: {  	v5 =	vld [tilespmem:s7+$0x30]  }
0xef: {  	v8 =	vld [tilespmem:s7+$0x10]  }
0xf0: {  	v6 =	vld [tilespmem:s7+$0xFFFFFFC0]  }
0xf1: {  	v2 =	vld.idx.msk [tilespmem:v1+s16+$0x0], $0xffff  }
0xf2: {  	v10 =	vld [tilespmem:s7+$0xFFFFFFE0]  }
0xf3: {  	v3 =	vld [tilespmem:s7+$0x20]  }
0xf4: {  	v4 =	vld [tilespmem:s7+$0xFFFFFFD0]  }
0xf5: {  	v1 =	vld [tilespmem:s7+$0xFFFFFFF0]  }
0xf6: {  	v9 =	vmul.f32 v5, v2;
	v5 =	vld [tilespmem:s7+$0x0]  }
0xf7: {  	v7 =	vmul.f32 v6, v2  }
0xf8: {  	s2 =	simm.s32 $0x220;
	s0 =	simm.s32 $0x1;
	v6 =	vmul.f32 v10, v2;
	v8 =	vmul.f32 v8, v2  }
.LBB2_11:
0xf9: {  	p1 =	sne.s32 s0, $0x4F  }
0xfa: {  	v4 =	vmul.f32 v4, v2;
	v3 =	vmul.f32 v3, v2;
	[tilespmem:s7+$0x30] =	vst v9;
	s2 =	sadd.s32 $0x80, s2;
	s3 =	smov.u32 s0;
	s0 =	sadd.s32 $0x1, s0  }
0xfb: {  	[tilespmem:s7+$0xFFFFFFC0] =	vst v7;
	v7 =	vmul.f32 v1, v2;
	v2 =	vmul.f32 v5, v2  }
0xfc: {  	[tilespmem:s7+$0x10] =	vst v8  }
0xfd: {  	v5 =	vmov s3;
	[tilespmem:s7+$0xFFFFFFE0] =	vst v6  }
0xfe: {  	v1 =	vld [tilespmem:s2+$0xFFFFFFF0];
	[tilespmem:s7+$0xFFFFFFF0] =	vst v7  }
0xff: {  	v6 =	vld [tilespmem:s2+$0x30];
	[tilespmem:s7+$0x0] =	vst v2  }
0x100: {  	v8 =	vld [tilespmem:s2+$0x10];
	[tilespmem:s7+$0x20] =	vst v3  }
0x101: {  	v7 =	vld [tilespmem:s2+$0xFFFFFFC0];
	[tilespmem:s7+$0xFFFFFFD0] =	vst v4;
	s7 =	smov.u32 s2  }
0x102: {  	v2 =	vld.idx.msk [tilespmem:v5+s16+$0x0], $0xffff  }
0x103: {  	v10 =	vld [tilespmem:s2+$0xFFFFFFE0]  }
0x104: {  	v3 =	vld [tilespmem:s2+$0x20]  }
.Ltmp5:
0x105: {  	v4 =	vld [tilespmem:s2+$0xFFFFFFD0];
	(pc) =	sbr.rel @p1 .LBB2_11-.Ltmp5, $3  }
0x106: {  	v5 =	vld [tilespmem:s2+$0x0];
	_ =	sdelay $0x1  }
0x107: {  	v7 =	vmul.f32 v7, v2;
	v9 =	vmul.f32 v6, v2  }
0x108: {  	v8 =	vmul.f32 v8, v2;
	v6 =	vmul.f32 v10, v2  }
0x109: {  	[tilespmem:s7+$0x30] =	vst v9  }
0x10a: {  	[tilespmem:s7+$0xFFFFFFC0] =	vst v7  }
0x10b: {  	v1 =	vmul.f32 v1, v2;
	[tilespmem:s7+$0x10] =	vst v8  }
0x10c: {  	v3 =	vmul.f32 v3, v2;
	[tilespmem:s7+$0xFFFFFFE0] =	vst v6  }
0x10d: {  	v5 =	vmul.f32 v5, v2;
	[tilespmem:s7+$0xFFFFFFF0] =	vst v1  }
0x10e: {  	v1 =	vmul.f32 v4, v2;
	[tilespmem:s7+$0x20] =	vst v3  }
0x10f: {  	[tilespmem:s7+$0x0] =	vst v5  }
0x110: {  	[tilespmem:s7+$0xFFFFFFD0] =	vst v1  }
0x111: {  	[spmem:s9] =	stream.indirect.scatter.add.f32 [tilespmem:s18], [sflag:$0x3], $0x80, s1, s17, $0xb8;
	[tilespmem:$0x1BC60] =	vst v63  }
0x112: {  	_ =	swait.ge [sflag:s11], $0x2800  }
0x113: {  	[sflag:s11] =	ssyncset.done $0x0  }
0x114: {  	[sflag:s11] =	ssyncadd.s32 $0xFFFFD800  }
0x115: {  	[bflag:$0x0] =	sbarrier.arrive $0xFFFF  }
0x116: {  	s0 =	rddreg [dreg:$0x19]  }
0x117: {  	[tilespmem:s10], [sflag:$0x4] =	stream.linear.gather [spmem:s0], $0x3200, $0x38;
	[tilespmem:$0x1BC60] =	vst v63  }
0x118: {  	_ =	swait.ge [sflag:s26], $0x3200  }
0x119: {  	[sflag:s26] =	ssyncset.done $0x0  }
0x11a: {  	s2 =	rddreg [dreg:$0x4];
	[sflag:s26] =	ssyncadd.s32 $0xFFFFCE00  }
0x11b: {  	[hbm4b:s2+s1] =	stream.linear.scatter [tilespmem:s10], [sflag:$0x3], $0x3200, $0x38;
	[tilespmem:$0x1BC60] =	vst v63  }
0x11c: {  	_ =	swait.ge [sflag:s11], $0x3200  }
0x11d: {  	[sflag:s11] =	ssyncset.done $0x0  }
0x11e: {  	s3 =	rddreg [dreg:$0x1a];
	[sflag:s11] =	ssyncadd.s32 $0xFFFFCE00  }
0x11f: {  	[tilespmem:s10], [sflag:$0x4] =	stream.linear.gather [spmem:s3], $0x3200, $0x38;
	[tilespmem:$0x1BC60] =	vst v63  }
0x120: {  	_ =	swait.ge [sflag:s26], $0x3200  }
0x121: {  	[sflag:s26] =	ssyncset.done $0x0  }
0x122: {  	s7 =	rddreg [dreg:$0x5];
	[sflag:s26] =	ssyncadd.s32 $0xFFFFCE00  }
0x123: {  	[hbm4b:s7+s1] =	stream.linear.scatter [tilespmem:s10], [sflag:$0x3], $0x3200, $0x38;
	[tilespmem:$0x1BC60] =	vst v63  }
0x124: {  	_ =	swait.ge [sflag:s11], $0x3200  }
0x125: {  	[sflag:s11] =	ssyncset.done $0x0  }
0x126: {  	s30 =	rddreg [dreg:$0x1b];
	[sflag:s11] =	ssyncadd.s32 $0xFFFFCE00  }
0x127: {  	[tilespmem:s10], [sflag:$0x4] =	stream.linear.gather [spmem:s30], $0x3200, $0x38;
	[tilespmem:$0x1BC60] =	vst v63  }
0x128: {  	_ =	swait.ge [sflag:s26], $0x3200  }
0x129: {  	[sflag:s26] =	ssyncset.done $0x0  }
0x12a: {  	s31 =	rddreg [dreg:$0x6];
	[sflag:s26] =	ssyncadd.s32 $0xFFFFCE00  }
0x12b: {  	[hbm4b:s31+s1] =	stream.linear.scatter [tilespmem:s10], [sflag:$0x3], $0x3200, $0x38;
	[tilespmem:$0x1BC60] =	vst v63  }
0x12c: {  	_ =	swait.ge [sflag:s11], $0x3200  }
0x12d: {  	[sflag:s11] =	ssyncset.done $0x0  }
0x12e: {  	s2 =	rddreg [dreg:$0x1c];
	[sflag:s11] =	ssyncadd.s32 $0xFFFFCE00  }
0x12f: {  	[tilespmem:s10], [sflag:$0x4] =	stream.linear.gather [spmem:s2], $0x3200, $0x38;
	[tilespmem:$0x1BC60] =	vst v63  }
0x130: {  	_ =	swait.ge [sflag:s26], $0x3200  }
0x131: {  	[sflag:s26] =	ssyncset.done $0x0  }
0x132: {  	s3 =	rddreg [dreg:$0x7];
	[sflag:s26] =	ssyncadd.s32 $0xFFFFCE00  }
0x133: {  	[hbm4b:s3+s1] =	stream.linear.scatter [tilespmem:s10], [sflag:$0x3], $0x3200, $0x38;
	[tilespmem:$0x1BC60] =	vst v63  }
0x134: {  	_ =	swait.ge [sflag:s11], $0x3200  }
0x135: {  	[sflag:s11] =	ssyncset.done $0x0  }
0x136: {  	[sflag:s11] =	ssyncadd.s32 $0xFFFFCE00  }
0x137: {  	[tilespmem:s10], [sflag:$0x4] =	stream.linear.gather [spmem:s4], $0x3200, $0x38;
	[tilespmem:$0x1BC60] =	vst v63  }
0x138: {  	_ =	swait.ge [sflag:s26], $0x3200  }
0x139: {  	[sflag:s26] =	ssyncset.done $0x0  }
0x13a: {  	s7 =	rddreg [dreg:$0x8];
	[sflag:s26] =	ssyncadd.s32 $0xFFFFCE00  }
0x13b: {  	[hbm4b:s7+s1] =	stream.linear.scatter [tilespmem:s10], [sflag:$0x3], $0x3200, $0x38;
	[tilespmem:$0x1BC60] =	vst v63  }
0x13c: {  	_ =	swait.ge [sflag:s11], $0x3200  }
0x13d: {  	[sflag:s11] =	ssyncset.done $0x0  }
0x13e: {  	[sflag:s11] =	ssyncadd.s32 $0xFFFFCE00  }
0x13f: {  	[tilespmem:s10], [sflag:$0x4] =	stream.linear.gather [spmem:s5], $0x3200, $0x38;
	[tilespmem:$0x1BC60] =	vst v63  }
0x140: {  	_ =	swait.ge [sflag:s26], $0x3200  }
0x141: {  	[sflag:s26] =	ssyncset.done $0x0  }
0x142: {  	s30 =	rddreg [dreg:$0x9];
	[sflag:s26] =	ssyncadd.s32 $0xFFFFCE00  }
0x143: {  	[hbm4b:s30+s1] =	stream.linear.scatter [tilespmem:s10], [sflag:$0x3], $0x3200, $0x38;
	[tilespmem:$0x1BC60] =	vst v63  }
0x144: {  	_ =	swait.ge [sflag:s11], $0x3200  }
0x145: {  	[sflag:s11] =	ssyncset.done $0x0  }
0x146: {  	s0 =	simm.s32 @!p0 $0x51E0;
	s2 =	simm.s32 @!p0 $0x4;
	[sflag:s11] =	ssyncadd.s32 $0xFFFFCE00  }
0x147: {  	[tilespmem:s0], [sflag:$0x4] =	stream.linear.gather @!p0 [spmem:s6], $0x3200, $0x38;
	[tilespmem:$0x1BC60] =	vst v63  }
0x148: {  	_ =	swait.ge @!p0 [sflag:s2], $0x3200  }
0x149: {  	[sflag:s2] =	ssyncset.done @!p0 $0x0  }
0x14a: {  	s3 =	rddreg [dreg:$0xa];
	[sflag:s2] =	ssyncadd.s32 @!p0 $0xFFFFCE00;
	s2 =	simm.s32 @!p0 $0x0  }
0x14b: {  	[hbm4b:s3+s2] =	stream.linear.scatter @!p0 [tilespmem:s0], [sflag:$0x3], $0x3200, $0x38;
	[tilespmem:$0x1BC60] =	vst v63  }
0x14c: {  	s0 =	simm.s32 @!p0 $0x3  }
0x14d: {  	_ =	swait.ge @!p0 [sflag:s0], $0x3200  }
0x14e: {  	s28 =	sadd.s32 $0x1, s28;
	s31 =	rddreg [dreg:$0x11]  }
0x14f: {  	p1 =	sne.s32 s28, s31  }
.Ltmp6:
0x150: {  	_ = 	snop;
	(pc) =	sbr.rel @p1 .LBB2_1-.Ltmp6, $3  }
0x151: {  	_ =	sdelay $0x1  }
0x152: {  	[sflag:s0] =	ssyncset.done @!p0 $0x0  }
0x153: {  	[sflag:s0] =	ssyncadd.s32 @!p0 $0xFFFFCE00  }
0x154: {  	_ =	sfence.sel $0x180000  }
0x155: {  	[bflag:$0x0] =	sbarrier.arrive $0xFFFF  }
0x156: {  	_ =	strace $0x90000050  }
0x157: {  	s0 =	stileid.u32;
	[bflag:$0x2] =	sbarrier.arrive $0xFFFF  }
0x158: {  	p0 =	sne.s32 s0, $0x0;
	s0 =	rddreg [dreg:$0x3]  }
0x159: {  	s0 =	sadd.s32 @!p0 $0x100000, s0  }
0x15a: {  	[sflag:s0] =	ssyncadd.tile.s32 @!p0 $0x1;
	_ =	shalt  }
.Lfunc_end2:
_tile_overlayer_lowered:
.L_overlay_start_2:
0x15b: {  	(tag) =	ssettag $0x2  }
0x15c: {  	s0 =	rddreg [dreg:$0x0];
	s2 =	stileid.u32  }
0x15d: {  	s1 =	rddreg [dreg:$0x1];
	p0 =	sne.s32 s2, $0x0  }
0x15e: {  	s3 =	rddreg [dreg:$0x2];
	[bflag:$0x3] =	sbarrier.arrive $0xFFFF;
	s2 =	simm.s32 @!p0 $0x1C03  }
0x15f: {  	[timem:s3], [sflag:s2] =	dma.local @!p0 [hbm:s0], s1  }
0x160: {  	s0 =	simm.s32 @!p0 $0x3  }
0x161: {  	_ =	swait.ge @!p0 [sflag:s0], s1  }
0x162: {  	s1 =	ssub.s32 @!p0 $0x0, s1;
	[sflag:s0] =	ssyncset.done @!p0 $0x0  }
0x163: {  	[sflag:s0] =	ssyncadd.s32 @!p0 s1  }
0x164: {  	[bflag:$0x3] =	sbarrier.arrive $0xFFFF  }
0x165: {  	_ =	shalt  }

</sc_bundles>
